<compile_context>
chip_gen: v7x
topology: tpu7x:2x2x1
jax: 0.10.2.dev20260603
libtpu: 0.0.44.dev20260713+nightly
codegen_flags: <defaults>
</compile_context>

<pallas_src>
import functools

import jax
import jax.numpy as jnp
from jax import lax
from jax.experimental import pallas as pl
from jax.experimental.pallas import tpu as pltpu
from jax.experimental.pallas import tpu_sc as plsc

_NSC = 2
_NTILE = 16
_LANES = 16
_CH = 80


def _sc_segment_sum(hcat, src, dst, z128, ones128):
  n2, dh = hcat.shape
  n = n2 // 2
  np_ = z128.shape[0]
  e = src.shape[0]
  epw = e // _NTILE
  iters = epw // _CH
  assert epw % _CH == 0 and np_ % (8 * _NTILE) == 0
  rpt = np_ // _NTILE
  full_chunks, tail = divmod(rpt, _CH)
  assert tail % 8 == 0

  mesh = plsc.VectorSubcoreMesh(
      core_axis_name="c", subcore_axis_name="s",
      num_cores=_NSC, num_subcores=_NTILE)

  @functools.partial(
      pl.kernel,
      out_type=[
          jax.ShapeDtypeStruct((2 * np_, dh), jnp.float32),
          jax.ShapeDtypeStruct((2 * np_, dh), jnp.float32),
      ],
      mesh=mesh,
      scratch_types=[
          pltpu.VMEM((2, _CH), jnp.int32),
          pltpu.VMEM((2, _CH), jnp.int32),
          pltpu.VMEM((2, _CH, dh), jnp.float32),
          pltpu.VMEM((_CH, dh), jnp.float32),
          pltpu.VMEM((1, 40), jnp.int32),
          pltpu.VMEM_SHARED((np_, dh), jnp.float32),
          pltpu.SemaphoreType.DMA,
          pltpu.SemaphoreType.DMA,
      ])
  def kern(hcat_hbm, src_hbm, dst_hbm, z128_hbm, ones_hbm,
           msg_hbm, cnt_hbm, srcb, dstb, rows, ones, dstc, acc, sem0, sem1):
    c = lax.axis_index("c")
    s = lax.axis_index("s")
    r0 = s * rpt

    def zero_acc():
      for q in range(full_chunks):
        pltpu.sync_copy(z128_hbm.at[pl.ds(r0 + q * _CH, _CH)],
                        acc.at[pl.ds(r0 + q * _CH, _CH)])
      if tail:
        t0 = r0 + full_chunks * _CH
        pltpu.sync_copy(z128_hbm.at[pl.ds(t0, tail)], acc.at[pl.ds(t0, tail)])

    def write_acc(out_hbm, base):
      for q in range(full_chunks):
        pltpu.sync_copy(acc.at[pl.ds(r0 + q * _CH, _CH)],
                        out_hbm.at[pl.ds(base + r0 + q * _CH, _CH)])
      if tail:
        t0 = r0 + full_chunks * _CH
        pltpu.sync_copy(acc.at[pl.ds(t0, tail)],
                        out_hbm.at[pl.ds(base + t0, tail)])

    zero_acc()
    plsc.subcore_barrier()

    sems = (sem0, sem1)

    def load_start(k, b):
      off = s * epw + k * _CH
      pltpu.sync_copy(src_hbm.at[pl.ds(off, _CH)], srcb.at[b])
      pltpu.sync_copy(dst_hbm.at[pl.ds(off, _CH)], dstb.at[b])
      for i in range(_CH // _LANES):
        srcb[b, pl.ds(i * _LANES, _LANES)] = (
            srcb[b, pl.ds(i * _LANES, _LANES)] + c * n)
      return pltpu.async_copy(hcat_hbm.at[srcb.at[b]], rows.at[b], sems[b])

    def finish(k, b, cp):
      cp.wait()
      pltpu.sync_copy(rows.at[b], acc.at[dstb.at[b]], add=True)

    assert iters % 2 == 1 and iters >= 3
    load_start(0, 0).wait()
    pltpu.sync_copy(rows.at[0], acc.at[dstb.at[0]], add=True)

    def body(m, carry):
      k0 = 1 + 2 * m
      cp1 = load_start(k0, 1)
      cp0 = load_start(k0 + 1, 0)
      finish(k0, 1, cp1)
      finish(k0 + 1, 0, cp0)
      return carry

    lax.fori_loop(0, (iters - 1) // 2, body, 0)
    plsc.subcore_barrier()
    write_acc(msg_hbm, c * np_)
    plsc.subcore_barrier()

    zero_acc()
    pltpu.sync_copy(ones_hbm, ones)
    plsc.subcore_barrier()

    epw2 = e // (2 * _NTILE)
    ch2 = 40
    citer = epw2 // ch2
    assert epw2 % ch2 == 0

    def cbody(k, carry):
      off = c * (e // 2) + s * epw2 + k * ch2
      pltpu.sync_copy(dst_hbm.at[pl.ds(off, ch2)], dstc.at[0])
      pltpu.sync_copy(ones.at[pl.ds(0, ch2)], acc.at[dstc.at[0]], add=True)
      return carry

    lax.fori_loop(0, citer, cbody, 0)
    plsc.subcore_barrier()
    write_acc(cnt_hbm, c * np_)

  return kern(hcat, src, dst, z128, ones128)


def _tc_scores(msg0, msg1, h, cnt0, cnt1_, Ws):
  n, d = h.shape
  c = Ws.shape[0]
  rows = 1000
  nb = n // rows
  assert n % rows == 0

  def body(m0, m1, hh, cc0, cc1, ws, hag, idx):
    cnt1 = cc0[:, 0:1] + cc1[:, 0:1] + 1.0
    ha = jnp.concatenate([m0[...], m1[...]], axis=1) + hh[...]
    ha = ha / cnt1
    hag[...] = ha
    s = lax.dot_general(ha, ws[...], (((1,), (1,)), ((), ())),
                        preferred_element_type=jnp.float32)
    idx[...] = jnp.argmax(s, axis=1).astype(jnp.int32).reshape(1, 1, rows)

  dh = d // 2
  return pl.pallas_call(
      body,
      grid=(nb,),
      in_specs=[
          pl.BlockSpec((rows, dh), lambda i: (i, 0)),
          pl.BlockSpec((rows, dh), lambda i: (i, 0)),
          pl.BlockSpec((rows, d), lambda i: (i, 0)),
          pl.BlockSpec((rows, d // 2), lambda i: (i, 0)),
          pl.BlockSpec((rows, d // 2), lambda i: (i, 0)),
          pl.BlockSpec((c, d), lambda i: (0, 0)),
      ],
      out_specs=[
          pl.BlockSpec((rows, d), lambda i: (i, 0)),
          pl.BlockSpec((1, 1, rows), lambda i: (i, 0, 0)),
      ],
      out_shape=[
          jax.ShapeDtypeStruct((n, d), jnp.float32),
          jax.ShapeDtypeStruct((nb, 1, rows), jnp.int32),
      ],
  )(msg0, msg1, h, cnt0, cnt1_, Ws)


def _tc_task_heads(idx, h_agg, Wt):
  n, d = h_agg.shape
  nc = Wt.shape[1]
  G = 16
  assert n % G == 0
  ha3 = h_agg.reshape(n, 1, d)

  def body(idx_ref, ha_ref, *rest):
    wt_refs = rest[:G]
    out_ref = rest[G]
    for k in range(G):
      out_ref[k] = lax.dot_general(
          ha_ref[k], wt_refs[k][0], (((1,), (1,)), ((), ())),
          preferred_element_type=jnp.float32)

  def mk_wt_spec(k):
    return pl.BlockSpec((1, nc, d),
                        lambda i, idx_ref, k=k: (idx_ref[G * i + k], 0, 0))

  grid_spec = pltpu.PrefetchScalarGridSpec(
      num_scalar_prefetch=1,
      grid=(n // G,),
      in_specs=[pl.BlockSpec((G, 1, d), lambda i, idx_ref: (i, 0, 0))]
      + [mk_wt_spec(k) for k in range(G)],
      out_specs=pl.BlockSpec((G, 1, nc), lambda i, idx_ref: (i, 0, 0)),
  )
  out3 = pl.pallas_call(
      body,
      grid_spec=grid_spec,
      out_shape=jax.ShapeDtypeStruct((n, 1, nc), jnp.float32),
  )(idx, ha3, *([Wt] * G))
  return out3.reshape(n, nc)


def kernel(h, edge_index, Ws, Wt):
  n, d = h.shape
  dh = d // 2
  src = edge_index[0]
  dst = edge_index[1]
  hcat = jnp.concatenate([h[:, :dh], h[:, dh:]], axis=0)
  np_ = ((n + 8 * _NTILE - 1) // (8 * _NTILE)) * (8 * _NTILE)
  z128 = jnp.zeros((np_, dh), jnp.float32)
  ones128 = jnp.ones((_CH, dh), jnp.float32)
  msg, cnt = _sc_segment_sum(hcat, src, dst, z128, ones128)
  h_agg, idx3 = _tc_scores(msg[:n], msg[np_:np_ + n], h,
                           cnt[:n], cnt[np_:np_ + n], Ws)
  idx = idx3.reshape(n)
  return _tc_task_heads(idx, h_agg, Wt)

# --- scband reference (transcript-rebuilt; emitter-appended) ---
"""Pipeline reference for scband-gpptprompt-21122649162118 (READ-ONLY COPY).

The authoritative reference and input builder live on the scoring server;
editing this copy changes nothing except your own understanding.
"""

import jax, jax.numpy as jnp
import numpy as np

N = 10000
E = 160000
D = 256          # n_hidden
C = 512          # center_num (structure-token codebook size)
NC = 40          # n_classes


def setup_inputs(seed: int = 0) -> dict:
    key = jax.random.key(seed)
    k1, k2, k3, k4 = jax.random.split(key, 4)
    h = jax.random.normal(k1, (N, D), dtype=jnp.float32)
    edge_index = jax.random.randint(k2, (2, E), 0, N, dtype=jnp.int32)
    # StructureToken: Linear(n_hidden, center_num, bias=False) -> weight [C, D]
    Ws = jax.random.normal(k3, (C, D), dtype=jnp.float32) * (1.0 / np.sqrt(D))
    # TaskToken: ModuleList of C linears; after weigth_init their weights are
    # class-mean based with shape [n_classes, n_hidden] -> stacked [C, NC, D]
    Wt = jax.random.normal(k4, (C, NC, D), dtype=jnp.float32) * (1.0 / np.sqrt(D))
    return {"h": h, "edge_index": edge_index, "Ws": Ws, "Wt": Wt}


def reference(h, edge_index, Ws, Wt):
    n = h.shape[0]
    # SimpleMeanConv: add self loops, mean-aggregate neighbor features at dst
    self_loop = jnp.arange(n, dtype=edge_index.dtype)
    src = jnp.concatenate([edge_index[0], self_loop])
    dst = jnp.concatenate([edge_index[1], self_loop])
    msg_sum = jax.ops.segment_sum(h[src], dst, num_segments=n)
    cnt = jax.ops.segment_sum(jnp.ones_like(dst, dtype=h.dtype), dst, num_segments=n)
    h_agg = msg_sum / jnp.maximum(cnt, 1.0)[:, None]
    # StructureToken scores -> argmax codebook assignment
    out_struct = h_agg @ Ws.T                      # [N, C]
    index = jnp.argmax(out_struct, axis=1)         # [N]
    # out[index==i] = TaskToken[i](h[index==i]) vectorized:
    Wg = jnp.take(Wt, index, axis=0)               # [N, NC, D] gather of per-node task token
    out = jnp.einsum('nd,ncd->nc', h_agg, Wg)      # [N, NC]
    return out

if __name__ == "__main__":
    import jax
    _d = setup_inputs()
    print(jax.jit(kernel)(*tuple(_d.values())))

</pallas_src>

<mosaic_0001>
#map = affine_map<(d0, d1) -> (0, 0)>
#map1 = affine_map<(d0, d1) -> (0)>
module attributes {stable_mosaic.version = 14 : i64} {
  func.func @kern(%arg0: i32, %arg1: i32, %arg2: memref<20000x128xf32, #tpu.memory_space<hbm>>, %arg3: memref<160000xi32, #tpu.memory_space<hbm>>, %arg4: memref<160000xi32, #tpu.memory_space<hbm>>, %arg5: memref<10112x128xf32, #tpu.memory_space<hbm>>, %arg6: memref<80x128xf32, #tpu.memory_space<hbm>>, %arg7: memref<20224x128xf32, #tpu.memory_space<hbm>>, %arg8: memref<20224x128xf32, #tpu.memory_space<hbm>>, %arg9: memref<2x80xi32, #tpu.memory_space<vmem>>, %arg10: memref<2x80xi32, #tpu.memory_space<vmem>>, %arg11: memref<2x80x128xf32, #tpu.memory_space<vmem>>, %arg12: memref<80x128xf32, #tpu.memory_space<vmem>>, %arg13: memref<1x40xi32, #tpu.memory_space<vmem>>, %arg14: memref<10112x128xf32, #tpu.memory_space<vmem_shared>>, %arg15: memref<!tpu.dma_semaphore, #tpu.memory_space<semaphore_mem>>, %arg16: memref<!tpu.dma_semaphore, #tpu.memory_space<semaphore_mem>>) attributes {dimension_semantics = [#tpu.dimension_semantics<core_parallel>, #tpu.dimension_semantics<subcore_parallel>], iteration_bounds = array<i64: 2, 16>, scalar_prefetch = 0 : i64, scratch_operands = 8 : i64, tpu.core_type = #tpu.core_type<sc_vector_subcore>, window_params = [{transform_indices = #map}, {transform_indices = #map1}, {transform_indices = #map1}, {transform_indices = #map}, {transform_indices = #map}, {transform_indices = #map}, {transform_indices = #map}]} {
    %mul3A = arith.constant 632 : i32
    %mul3A_0 = arith.muli %arg1, %mul3A : i32
    %add3A = arith.constant 0 : i32
    %add3A_1 = arith.addi %mul3A_0, %add3A : i32
    %add3A_2 = arith.constant 0 : i32
    %add3A_3 = arith.addi %mul3A_0, %add3A_2 : i32
    "tpu.region"() ({
      %run_scoped3A_257 = tpu.sem_alloc : memref<!tpu.dma_semaphore, #tpu.memory_space<semaphore_mem>>
      %dma_start3A_258 = arith.constant 0 : i32
      %dma_start3A_259 = tpu.memref_slice %arg14[%add3A_3, %dma_start3A_258] : memref<10112x128xf32, #tpu.memory_space<vmem_shared>> -> memref<80x128xf32, #tpu.memory_space<vmem_shared>>
      %dma_start3A_260 = arith.constant 0 : i32
      %dma_start3A_261 = tpu.memref_slice %arg5[%add3A_1, %dma_start3A_260] : memref<10112x128xf32, #tpu.memory_space<hbm>> -> memref<80x128xf32, #tpu.memory_space<hbm>>
      tpu.enqueue_dma source(%dma_start3A_261 : memref<80x128xf32, #tpu.memory_space<hbm>>) target(%dma_start3A_259 : memref<80x128xf32, #tpu.memory_space<vmem_shared>>) target_semaphore(%run_scoped3A_257 : memref<!tpu.dma_semaphore, #tpu.memory_space<semaphore_mem>>)
      %dma_wait3A_262 = arith.constant 0 : i32
      %dma_wait3A_263 = tpu.memref_slice %arg14[%add3A_3, %dma_wait3A_262] : memref<10112x128xf32, #tpu.memory_space<vmem_shared>> -> memref<80x128xf32, #tpu.memory_space<vmem_shared>>
      %dma_wait3A_264 = arith.constant 0 : i32
      %dma_wait3A_265 = tpu.memref_slice %arg5[%add3A_1, %dma_wait3A_264] : memref<10112x128xf32, #tpu.memory_space<hbm>> -> memref<80x128xf32, #tpu.memory_space<hbm>>
      tpu.wait_dma2 semaphore(%run_scoped3A_257 : memref<!tpu.dma_semaphore, #tpu.memory_space<semaphore_mem>>) src(%dma_wait3A_265 : memref<80x128xf32, #tpu.memory_space<hbm>>) dst(%dma_wait3A_263 : memref<80x128xf32, #tpu.memory_space<vmem_shared>>)
      tpu.yield
    }) : () -> ()
    %add3A_4 = arith.constant 80 : i32
    %add3A_5 = arith.addi %mul3A_0, %add3A_4 : i32
    %add3A_6 = arith.constant 80 : i32
    %add3A_7 = arith.addi %mul3A_0, %add3A_6 : i32
    "tpu.region"() ({
      %run_scoped3A_257 = tpu.sem_alloc : memref<!tpu.dma_semaphore, #tpu.memory_space<semaphore_mem>>
      %dma_start3A_258 = arith.constant 0 : i32
      %dma_start3A_259 = tpu.memref_slice %arg14[%add3A_7, %dma_start3A_258] : memref<10112x128xf32, #tpu.memory_space<vmem_shared>> -> memref<80x128xf32, #tpu.memory_space<vmem_shared>>
      %dma_start3A_260 = arith.constant 0 : i32
      %dma_start3A_261 = tpu.memref_slice %arg5[%add3A_5, %dma_start3A_260] : memref<10112x128xf32, #tpu.memory_space<hbm>> -> memref<80x128xf32, #tpu.memory_space<hbm>>
      tpu.enqueue_dma source(%dma_start3A_261 : memref<80x128xf32, #tpu.memory_space<hbm>>) target(%dma_start3A_259 : memref<80x128xf32, #tpu.memory_space<vmem_shared>>) target_semaphore(%run_scoped3A_257 : memref<!tpu.dma_semaphore, #tpu.memory_space<semaphore_mem>>)
      %dma_wait3A_262 = arith.constant 0 : i32
      %dma_wait3A_263 = tpu.memref_slice %arg14[%add3A_7, %dma_wait3A_262] : memref<10112x128xf32, #tpu.memory_space<vmem_shared>> -> memref<80x128xf32, #tpu.memory_space<vmem_shared>>
      %dma_wait3A_264 = arith.constant 0 : i32
      %dma_wait3A_265 = tpu.memref_slice %arg5[%add3A_5, %dma_wait3A_264] : memref<10112x128xf32, #tpu.memory_space<hbm>> -> memref<80x128xf32, #tpu.memory_space<hbm>>
      tpu.wait_dma2 semaphore(%run_scoped3A_257 : memref<!tpu.dma_semaphore, #tpu.memory_space<semaphore_mem>>) src(%dma_wait3A_265 : memref<80x128xf32, #tpu.memory_space<hbm>>) dst(%dma_wait3A_263 : memref<80x128xf32, #tpu.memory_space<vmem_shared>>)
      tpu.yield
    }) : () -> ()
    %add3A_8 = arith.constant 160 : i32
    %add3A_9 = arith.addi %mul3A_0, %add3A_8 : i32
    %add3A_10 = arith.constant 160 : i32
    %add3A_11 = arith.addi %mul3A_0, %add3A_10 : i32
    "tpu.region"() ({
      %run_scoped3A_257 = tpu.sem_alloc : memref<!tpu.dma_semaphore, #tpu.memory_space<semaphore_mem>>
      %dma_start3A_258 = arith.constant 0 : i32
      %dma_start3A_259 = tpu.memref_slice %arg14[%add3A_11, %dma_start3A_258] : memref<10112x128xf32, #tpu.memory_space<vmem_shared>> -> memref<80x128xf32, #tpu.memory_space<vmem_shared>>
      %dma_start3A_260 = arith.constant 0 : i32
      %dma_start3A_261 = tpu.memref_slice %arg5[%add3A_9, %dma_start3A_260] : memref<10112x128xf32, #tpu.memory_space<hbm>> -> memref<80x128xf32, #tpu.memory_space<hbm>>
      tpu.enqueue_dma source(%dma_start3A_261 : memref<80x128xf32, #tpu.memory_space<hbm>>) target(%dma_start3A_259 : memref<80x128xf32, #tpu.memory_space<vmem_shared>>) target_semaphore(%run_scoped3A_257 : memref<!tpu.dma_semaphore, #tpu.memory_space<semaphore_mem>>)
      %dma_wait3A_262 = arith.constant 0 : i32
      %dma_wait3A_263 = tpu.memref_slice %arg14[%add3A_11, %dma_wait3A_262] : memref<10112x128xf32, #tpu.memory_space<vmem_shared>> -> memref<80x128xf32, #tpu.memory_space<vmem_shared>>
      %dma_wait3A_264 = arith.constant 0 : i32
      %dma_wait3A_265 = tpu.memref_slice %arg5[%add3A_9, %dma_wait3A_264] : memref<10112x128xf32, #tpu.memory_space<hbm>> -> memref<80x128xf32, #tpu.memory_space<hbm>>
      tpu.wait_dma2 semaphore(%run_scoped3A_257 : memref<!tpu.dma_semaphore, #tpu.memory_space<semaphore_mem>>) src(%dma_wait3A_265 : memref<80x128xf32, #tpu.memory_space<hbm>>) dst(%dma_wait3A_263 : memref<80x128xf32, #tpu.memory_space<vmem_shared>>)
      tpu.yield
    }) : () -> ()
    %add3A_12 = arith.constant 240 : i32
    %add3A_13 = arith.addi %mul3A_0, %add3A_12 : i32
    %add3A_14 = arith.constant 240 : i32
    %add3A_15 = arith.addi %mul3A_0, %add3A_14 : i32
    "tpu.region"() ({
      %run_scoped3A_257 = tpu.sem_alloc : memref<!tpu.dma_semaphore, #tpu.memory_space<semaphore_mem>>
      %dma_start3A_258 = arith.constant 0 : i32
      %dma_start3A_259 = tpu.memref_slice %arg14[%add3A_15, %dma_start3A_258] : memref<10112x128xf32, #tpu.memory_space<vmem_shared>> -> memref<80x128xf32, #tpu.memory_space<vmem_shared>>
      %dma_start3A_260 = arith.constant 0 : i32
      %dma_start3A_261 = tpu.memref_slice %arg5[%add3A_13, %dma_start3A_260] : memref<10112x128xf32, #tpu.memory_space<hbm>> -> memref<80x128xf32, #tpu.memory_space<hbm>>
      tpu.enqueue_dma source(%dma_start3A_261 : memref<80x128xf32, #tpu.memory_space<hbm>>) target(%dma_start3A_259 : memref<80x128xf32, #tpu.memory_space<vmem_shared>>) target_semaphore(%run_scoped3A_257 : memref<!tpu.dma_semaphore, #tpu.memory_space<semaphore_mem>>)
      %dma_wait3A_262 = arith.constant 0 : i32
      %dma_wait3A_263 = tpu.memref_slice %arg14[%add3A_15, %dma_wait3A_262] : memref<10112x128xf32, #tpu.memory_space<vmem_shared>> -> memref<80x128xf32, #tpu.memory_space<vmem_shared>>
      %dma_wait3A_264 = arith.constant 0 : i32
      %dma_wait3A_265 = tpu.memref_slice %arg5[%add3A_13, %dma_wait3A_264] : memref<10112x128xf32, #tpu.memory_space<hbm>> -> memref<80x128xf32, #tpu.memory_space<hbm>>
      tpu.wait_dma2 semaphore(%run_scoped3A_257 : memref<!tpu.dma_semaphore, #tpu.memory_space<semaphore_mem>>) src(%dma_wait3A_265 : memref<80x128xf32, #tpu.memory_space<hbm>>) dst(%dma_wait3A_263 : memref<80x128xf32, #tpu.memory_space<vmem_shared>>)
      tpu.yield
    }) : () -> ()
    %add3A_16 = arith.constant 320 : i32
    %add3A_17 = arith.addi %mul3A_0, %add3A_16 : i32
    %add3A_18 = arith.constant 320 : i32
    %add3A_19 = arith.addi %mul3A_0, %add3A_18 : i32
    "tpu.region"() ({
      %run_scoped3A_257 = tpu.sem_alloc : memref<!tpu.dma_semaphore, #tpu.memory_space<semaphore_mem>>
      %dma_start3A_258 = arith.constant 0 : i32
      %dma_start3A_259 = tpu.memref_slice %arg14[%add3A_19, %dma_start3A_258] : memref<10112x128xf32, #tpu.memory_space<vmem_shared>> -> memref<80x128xf32, #tpu.memory_space<vmem_shared>>
      %dma_start3A_260 = arith.constant 0 : i32
      %dma_start3A_261 = tpu.memref_slice %arg5[%add3A_17, %dma_start3A_260] : memref<10112x128xf32, #tpu.memory_space<hbm>> -> memref<80x128xf32, #tpu.memory_space<hbm>>
      tpu.enqueue_dma source(%dma_start3A_261 : memref<80x128xf32, #tpu.memory_space<hbm>>) target(%dma_start3A_259 : memref<80x128xf32, #tpu.memory_space<vmem_shared>>) target_semaphore(%run_scoped3A_257 : memref<!tpu.dma_semaphore, #tpu.memory_space<semaphore_mem>>)
      %dma_wait3A_262 = arith.constant 0 : i32
      %dma_wait3A_263 = tpu.memref_slice %arg14[%add3A_19, %dma_wait3A_262] : memref<10112x128xf32, #tpu.memory_space<vmem_shared>> -> memref<80x128xf32, #tpu.memory_space<vmem_shared>>
      %dma_wait3A_264 = arith.constant 0 : i32
      %dma_wait3A_265 = tpu.memref_slice %arg5[%add3A_17, %dma_wait3A_264] : memref<10112x128xf32, #tpu.memory_space<hbm>> -> memref<80x128xf32, #tpu.memory_space<hbm>>
      tpu.wait_dma2 semaphore(%run_scoped3A_257 : memref<!tpu.dma_semaphore, #tpu.memory_space<semaphore_mem>>) src(%dma_wait3A_265 : memref<80x128xf32, #tpu.memory_space<hbm>>) dst(%dma_wait3A_263 : memref<80x128xf32, #tpu.memory_space<vmem_shared>>)
      tpu.yield
    }) : () -> ()
    %add3A_20 = arith.constant 400 : i32
    %add3A_21 = arith.addi %mul3A_0, %add3A_20 : i32
    %add3A_22 = arith.constant 400 : i32
    %add3A_23 = arith.addi %mul3A_0, %add3A_22 : i32
    "tpu.region"() ({
      %run_scoped3A_257 = tpu.sem_alloc : memref<!tpu.dma_semaphore, #tpu.memory_space<semaphore_mem>>
      %dma_start3A_258 = arith.constant 0 : i32
      %dma_start3A_259 = tpu.memref_slice %arg14[%add3A_23, %dma_start3A_258] : memref<10112x128xf32, #tpu.memory_space<vmem_shared>> -> memref<80x128xf32, #tpu.memory_space<vmem_shared>>
      %dma_start3A_260 = arith.constant 0 : i32
      %dma_start3A_261 = tpu.memref_slice %arg5[%add3A_21, %dma_start3A_260] : memref<10112x128xf32, #tpu.memory_space<hbm>> -> memref<80x128xf32, #tpu.memory_space<hbm>>
      tpu.enqueue_dma source(%dma_start3A_261 : memref<80x128xf32, #tpu.memory_space<hbm>>) target(%dma_start3A_259 : memref<80x128xf32, #tpu.memory_space<vmem_shared>>) target_semaphore(%run_scoped3A_257 : memref<!tpu.dma_semaphore, #tpu.memory_space<semaphore_mem>>)
      %dma_wait3A_262 = arith.constant 0 : i32
      %dma_wait3A_263 = tpu.memref_slice %arg14[%add3A_23, %dma_wait3A_262] : memref<10112x128xf32, #tpu.memory_space<vmem_shared>> -> memref<80x128xf32, #tpu.memory_space<vmem_shared>>
      %dma_wait3A_264 = arith.constant 0 : i32
      %dma_wait3A_265 = tpu.memref_slice %arg5[%add3A_21, %dma_wait3A_264] : memref<10112x128xf32, #tpu.memory_space<hbm>> -> memref<80x128xf32, #tpu.memory_space<hbm>>
      tpu.wait_dma2 semaphore(%run_scoped3A_257 : memref<!tpu.dma_semaphore, #tpu.memory_space<semaphore_mem>>) src(%dma_wait3A_265 : memref<80x128xf32, #tpu.memory_space<hbm>>) dst(%dma_wait3A_263 : memref<80x128xf32, #tpu.memory_space<vmem_shared>>)
      tpu.yield
    }) : () -> ()
    %add3A_24 = arith.constant 480 : i32
    %add3A_25 = arith.addi %mul3A_0, %add3A_24 : i32
    %add3A_26 = arith.constant 480 : i32
    %add3A_27 = arith.addi %mul3A_0, %add3A_26 : i32
    "tpu.region"() ({
      %run_scoped3A_257 = tpu.sem_alloc : memref<!tpu.dma_semaphore, #tpu.memory_space<semaphore_mem>>
      %dma_start3A_258 = arith.constant 0 : i32
      %dma_start3A_259 = tpu.memref_slice %arg14[%add3A_27, %dma_start3A_258] : memref<10112x128xf32, #tpu.memory_space<vmem_shared>> -> memref<80x128xf32, #tpu.memory_space<vmem_shared>>
      %dma_start3A_260 = arith.constant 0 : i32
      %dma_start3A_261 = tpu.memref_slice %arg5[%add3A_25, %dma_start3A_260] : memref<10112x128xf32, #tpu.memory_space<hbm>> -> memref<80x128xf32, #tpu.memory_space<hbm>>
      tpu.enqueue_dma source(%dma_start3A_261 : memref<80x128xf32, #tpu.memory_space<hbm>>) target(%dma_start3A_259 : memref<80x128xf32, #tpu.memory_space<vmem_shared>>) target_semaphore(%run_scoped3A_257 : memref<!tpu.dma_semaphore, #tpu.memory_space<semaphore_mem>>)
      %dma_wait3A_262 = arith.constant 0 : i32
      %dma_wait3A_263 = tpu.memref_slice %arg14[%add3A_27, %dma_wait3A_262] : memref<10112x128xf32, #tpu.memory_space<vmem_shared>> -> memref<80x128xf32, #tpu.memory_space<vmem_shared>>
      %dma_wait3A_264 = arith.constant 0 : i32
      %dma_wait3A_265 = tpu.memref_slice %arg5[%add3A_25, %dma_wait3A_264] : memref<10112x128xf32, #tpu.memory_space<hbm>> -> memref<80x128xf32, #tpu.memory_space<hbm>>
      tpu.wait_dma2 semaphore(%run_scoped3A_257 : memref<!tpu.dma_semaphore, #tpu.memory_space<semaphore_mem>>) src(%dma_wait3A_265 : memref<80x128xf32, #tpu.memory_space<hbm>>) dst(%dma_wait3A_263 : memref<80x128xf32, #tpu.memory_space<vmem_shared>>)
      tpu.yield
    }) : () -> ()
    %add3A_28 = arith.constant 560 : i32
    %add3A_29 = arith.addi %mul3A_0, %add3A_28 : i32
    "tpu.region"() ({
      %run_scoped3A_257 = tpu.sem_alloc : memref<!tpu.dma_semaphore, #tpu.memory_space<semaphore_mem>>
      %dma_start3A_258 = arith.constant 0 : i32
      %dma_start3A_259 = tpu.memref_slice %arg14[%add3A_29, %dma_start3A_258] : memref<10112x128xf32, #tpu.memory_space<vmem_shared>> -> memref<72x128xf32, #tpu.memory_space<vmem_shared>>
      %dma_start3A_260 = arith.constant 0 : i32
      %dma_start3A_261 = tpu.memref_slice %arg5[%add3A_29, %dma_start3A_260] : memref<10112x128xf32, #tpu.memory_space<hbm>> -> memref<72x128xf32, #tpu.memory_space<hbm>>
      tpu.enqueue_dma source(%dma_start3A_261 : memref<72x128xf32, #tpu.memory_space<hbm>>) target(%dma_start3A_259 : memref<72x128xf32, #tpu.memory_space<vmem_shared>>) target_semaphore(%run_scoped3A_257 : memref<!tpu.dma_semaphore, #tpu.memory_space<semaphore_mem>>)
      %dma_wait3A_262 = arith.constant 0 : i32
      %dma_wait3A_263 = tpu.memref_slice %arg14[%add3A_29, %dma_wait3A_262] : memref<10112x128xf32, #tpu.memory_space<vmem_shared>> -> memref<72x128xf32, #tpu.memory_space<vmem_shared>>
      %dma_wait3A_264 = arith.constant 0 : i32
      %dma_wait3A_265 = tpu.memref_slice %arg5[%add3A_29, %dma_wait3A_264] : memref<10112x128xf32, #tpu.memory_space<hbm>> -> memref<72x128xf32, #tpu.memory_space<hbm>>
      tpu.wait_dma2 semaphore(%run_scoped3A_257 : memref<!tpu.dma_semaphore, #tpu.memory_space<semaphore_mem>>) src(%dma_wait3A_265 : memref<72x128xf32, #tpu.memory_space<hbm>>) dst(%dma_wait3A_263 : memref<72x128xf32, #tpu.memory_space<vmem_shared>>)
      tpu.yield
    }) : () -> ()
    %barrier3A = arith.constant 0 : index
    tpu.barrier barrier_id(%barrier3A)
    %mul3A_30 = arith.constant 10000 : i32
    %mul3A_31 = arith.muli %arg1, %mul3A_30 : i32
    %add3A_32 = arith.constant 0 : i32
    %add3A_33 = arith.addi %mul3A_31, %add3A_32 : i32
    %run_scoped3A = arith.constant 0 : i32
    "tpu.region"() ({
      %run_scoped3A_257 = tpu.sem_alloc : memref<!tpu.dma_semaphore, #tpu.memory_space<semaphore_mem>>
      %dma_start3A_258 = arith.constant 0 : i32
      %dma_start3A_259 = tpu.memref_slice %arg9[%run_scoped3A, %dma_start3A_258] : memref<2x80xi32, #tpu.memory_space<vmem>> -> memref<1x80xi32, #tpu.memory_space<vmem>>
      %dma_start3A_260 = tpu.memref_squeeze %dma_start3A_259 : memref<1x80xi32, #tpu.memory_space<vmem>> -> memref<80xi32, #tpu.memory_space<vmem>>
      %dma_start3A_261 = tpu.memref_slice %arg3[%add3A_33] : memref<160000xi32, #tpu.memory_space<hbm>> -> memref<80xi32, #tpu.memory_space<hbm>>
      %dma_start3A_262 = arith.constant 0 : i32
      %dma_start3A_263 = tpu.memref_slice %arg9[%run_scoped3A, %dma_start3A_262] : memref<2x80xi32, #tpu.memory_space<vmem>> -> memref<1x80xi32, #tpu.memory_space<vmem>>
      %dma_start3A_264 = tpu.memref_squeeze %dma_start3A_263 : memref<1x80xi32, #tpu.memory_space<vmem>> -> memref<80xi32, #tpu.memory_space<vmem>>
      %dma_start3A_265 = tpu.memref_slice %arg3[%add3A_33] : memref<160000xi32, #tpu.memory_space<hbm>> -> memref<80xi32, #tpu.memory_space<hbm>>
      tpu.enqueue_dma source(%dma_start3A_265 : memref<80xi32, #tpu.memory_space<hbm>>) target(%dma_start3A_264 : memref<80xi32, #tpu.memory_space<vmem>>) target_semaphore(%run_scoped3A_257 : memref<!tpu.dma_semaphore, #tpu.memory_space<semaphore_mem>>)
      %dma_wait3A_266 = arith.constant 0 : i32
      %dma_wait3A_267 = tpu.memref_slice %arg9[%run_scoped3A, %dma_wait3A_266] : memref<2x80xi32, #tpu.memory_space<vmem>> -> memref<1x80xi32, #tpu.memory_space<vmem>>
      %dma_wait3A_268 = tpu.memref_squeeze %dma_wait3A_267 : memref<1x80xi32, #tpu.memory_space<vmem>> -> memref<80xi32, #tpu.memory_space<vmem>>
      %dma_wait3A_269 = tpu.memref_slice %arg3[%add3A_33] : memref<160000xi32, #tpu.memory_space<hbm>> -> memref<80xi32, #tpu.memory_space<hbm>>
      %dma_wait3A_270 = arith.constant 0 : i32
      %dma_wait3A_271 = tpu.memref_slice %arg9[%run_scoped3A, %dma_wait3A_270] : memref<2x80xi32, #tpu.memory_space<vmem>> -> memref<1x80xi32, #tpu.memory_space<vmem>>
      %dma_wait3A_272 = tpu.memref_squeeze %dma_wait3A_271 : memref<1x80xi32, #tpu.memory_space<vmem>> -> memref<80xi32, #tpu.memory_space<vmem>>
      %dma_wait3A_273 = tpu.memref_slice %arg3[%add3A_33] : memref<160000xi32, #tpu.memory_space<hbm>> -> memref<80xi32, #tpu.memory_space<hbm>>
      tpu.wait_dma2 semaphore(%run_scoped3A_257 : memref<!tpu.dma_semaphore, #tpu.memory_space<semaphore_mem>>) src(%dma_wait3A_273 : memref<80xi32, #tpu.memory_space<hbm>>) dst(%dma_wait3A_272 : memref<80xi32, #tpu.memory_space<vmem>>)
      tpu.yield
    }) : () -> ()
    %run_scoped3A_34 = arith.constant 0 : i32
    "tpu.region"() ({
      %run_scoped3A_257 = tpu.sem_alloc : memref<!tpu.dma_semaphore, #tpu.memory_space<semaphore_mem>>
      %dma_start3A_258 = arith.constant 0 : i32
      %dma_start3A_259 = tpu.memref_slice %arg10[%run_scoped3A_34, %dma_start3A_258] : memref<2x80xi32, #tpu.memory_space<vmem>> -> memref<1x80xi32, #tpu.memory_space<vmem>>
      %dma_start3A_260 = tpu.memref_squeeze %dma_start3A_259 : memref<1x80xi32, #tpu.memory_space<vmem>> -> memref<80xi32, #tpu.memory_space<vmem>>
      %dma_start3A_261 = tpu.memref_slice %arg4[%add3A_33] : memref<160000xi32, #tpu.memory_space<hbm>> -> memref<80xi32, #tpu.memory_space<hbm>>
      %dma_start3A_262 = arith.constant 0 : i32
      %dma_start3A_263 = tpu.memref_slice %arg10[%run_scoped3A_34, %dma_start3A_262] : memref<2x80xi32, #tpu.memory_space<vmem>> -> memref<1x80xi32, #tpu.memory_space<vmem>>
      %dma_start3A_264 = tpu.memref_squeeze %dma_start3A_263 : memref<1x80xi32, #tpu.memory_space<vmem>> -> memref<80xi32, #tpu.memory_space<vmem>>
      %dma_start3A_265 = tpu.memref_slice %arg4[%add3A_33] : memref<160000xi32, #tpu.memory_space<hbm>> -> memref<80xi32, #tpu.memory_space<hbm>>
      tpu.enqueue_dma source(%dma_start3A_265 : memref<80xi32, #tpu.memory_space<hbm>>) target(%dma_start3A_264 : memref<80xi32, #tpu.memory_space<vmem>>) target_semaphore(%run_scoped3A_257 : memref<!tpu.dma_semaphore, #tpu.memory_space<semaphore_mem>>)
      %dma_wait3A_266 = arith.constant 0 : i32
      %dma_wait3A_267 = tpu.memref_slice %arg10[%run_scoped3A_34, %dma_wait3A_266] : memref<2x80xi32, #tpu.memory_space<vmem>> -> memref<1x80xi32, #tpu.memory_space<vmem>>
      %dma_wait3A_268 = tpu.memref_squeeze %dma_wait3A_267 : memref<1x80xi32, #tpu.memory_space<vmem>> -> memref<80xi32, #tpu.memory_space<vmem>>
      %dma_wait3A_269 = tpu.memref_slice %arg4[%add3A_33] : memref<160000xi32, #tpu.memory_space<hbm>> -> memref<80xi32, #tpu.memory_space<hbm>>
      %dma_wait3A_270 = arith.constant 0 : i32
      %dma_wait3A_271 = tpu.memref_slice %arg10[%run_scoped3A_34, %dma_wait3A_270] : memref<2x80xi32, #tpu.memory_space<vmem>> -> memref<1x80xi32, #tpu.memory_space<vmem>>
      %dma_wait3A_272 = tpu.memref_squeeze %dma_wait3A_271 : memref<1x80xi32, #tpu.memory_space<vmem>> -> memref<80xi32, #tpu.memory_space<vmem>>
      %dma_wait3A_273 = tpu.memref_slice %arg4[%add3A_33] : memref<160000xi32, #tpu.memory_space<hbm>> -> memref<80xi32, #tpu.memory_space<hbm>>
      tpu.wait_dma2 semaphore(%run_scoped3A_257 : memref<!tpu.dma_semaphore, #tpu.memory_space<semaphore_mem>>) src(%dma_wait3A_273 : memref<80xi32, #tpu.memory_space<hbm>>) dst(%dma_wait3A_272 : memref<80xi32, #tpu.memory_space<vmem>>)
      tpu.yield
    }) : () -> ()
    %get3A = arith.constant 0 : i32
    %get3A_35 = arith.index_cast %get3A : i32 to index
    %get3A_36 = arith.constant 0 : index
    %get3A_37 = tpu.vector_load %arg9[%get3A_35, %get3A_36] {strides = array<i32>} : memref<2x80xi32, #tpu.memory_space<vmem>>, vector<1x16xi32>,
    %get3A_38 = vector.shape_cast %get3A_37 : vector<1x16xi32> to vector<16xi32>
    %mul3A_39 = arith.constant 10000 : i32
    %mul3A_40 = arith.muli %arg0, %mul3A_39 : i32
    %add3A_41 = vector.broadcast %mul3A_40 : i32 to vector<16xi32>
    %add3A_42 = arith.addi %get3A_38, %add3A_41 : vector<16xi32>
    %swap3A = arith.constant 0 : i32
    %swap3A_43 = arith.index_cast %swap3A : i32 to index
    %swap3A_44 = arith.constant 0 : index
    %swap3A_45 = tpu.vector_load %arg9[%swap3A_43, %swap3A_44] {strides = array<i32>} : memref<2x80xi32, #tpu.memory_space<vmem>>, vector<1x16xi32>,
    %swap3A_46 = vector.shape_cast %swap3A_45 : vector<1x16xi32> to vector<16xi32>
    %swap3A_47 = vector.shape_cast %add3A_42 : vector<16xi32> to vector<1x16xi32>
    tpu.vector_store %arg9[%swap3A_43, %swap3A_44], %swap3A_47 {strides = array<i32>} : memref<2x80xi32, #tpu.memory_space<vmem>>, vector<1x16xi32>,
    %get3A_48 = arith.constant 0 : i32
    %get3A_49 = arith.index_cast %get3A_48 : i32 to index
    %get3A_50 = arith.constant 16 : index
    %get3A_51 = tpu.vector_load %arg9[%get3A_49, %get3A_50] {strides = array<i32>} : memref<2x80xi32, #tpu.memory_space<vmem>>, vector<1x16xi32>,
    %get3A_52 = vector.shape_cast %get3A_51 : vector<1x16xi32> to vector<16xi32>
    %mul3A_53 = arith.constant 10000 : i32
    %mul3A_54 = arith.muli %arg0, %mul3A_53 : i32
    %add3A_55 = vector.broadcast %mul3A_54 : i32 to vector<16xi32>
    %add3A_56 = arith.addi %get3A_52, %add3A_55 : vector<16xi32>
    %swap3A_57 = arith.constant 0 : i32
    %swap3A_58 = arith.index_cast %swap3A_57 : i32 to index
    %swap3A_59 = arith.constant 16 : index
    %swap3A_60 = tpu.vector_load %arg9[%swap3A_58, %swap3A_59] {strides = array<i32>} : memref<2x80xi32, #tpu.memory_space<vmem>>, vector<1x16xi32>,
    %swap3A_61 = vector.shape_cast %swap3A_60 : vector<1x16xi32> to vector<16xi32>
    %swap3A_62 = vector.shape_cast %add3A_56 : vector<16xi32> to vector<1x16xi32>
    tpu.vector_store %arg9[%swap3A_58, %swap3A_59], %swap3A_62 {strides = array<i32>} : memref<2x80xi32, #tpu.memory_space<vmem>>, vector<1x16xi32>,
    %get3A_63 = arith.constant 0 : i32
    %get3A_64 = arith.index_cast %get3A_63 : i32 to index
    %get3A_65 = arith.constant 32 : index
    %get3A_66 = tpu.vector_load %arg9[%get3A_64, %get3A_65] {strides = array<i32>} : memref<2x80xi32, #tpu.memory_space<vmem>>, vector<1x16xi32>,
    %get3A_67 = vector.shape_cast %get3A_66 : vector<1x16xi32> to vector<16xi32>
    %mul3A_68 = arith.constant 10000 : i32
    %mul3A_69 = arith.muli %arg0, %mul3A_68 : i32
    %add3A_70 = vector.broadcast %mul3A_69 : i32 to vector<16xi32>
    %add3A_71 = arith.addi %get3A_67, %add3A_70 : vector<16xi32>
    %swap3A_72 = arith.constant 0 : i32
    %swap3A_73 = arith.index_cast %swap3A_72 : i32 to index
    %swap3A_74 = arith.constant 32 : index
    %swap3A_75 = tpu.vector_load %arg9[%swap3A_73, %swap3A_74] {strides = array<i32>} : memref<2x80xi32, #tpu.memory_space<vmem>>, vector<1x16xi32>,
    %swap3A_76 = vector.shape_cast %swap3A_75 : vector<1x16xi32> to vector<16xi32>
    %swap3A_77 = vector.shape_cast %add3A_71 : vector<16xi32> to vector<1x16xi32>
    tpu.vector_store %arg9[%swap3A_73, %swap3A_74], %swap3A_77 {strides = array<i32>} : memref<2x80xi32, #tpu.memory_space<vmem>>, vector<1x16xi32>,
    %get3A_78 = arith.constant 0 : i32
    %get3A_79 = arith.index_cast %get3A_78 : i32 to index
    %get3A_80 = arith.constant 48 : index
    %get3A_81 = tpu.vector_load %arg9[%get3A_79, %get3A_80] {strides = array<i32>} : memref<2x80xi32, #tpu.memory_space<vmem>>, vector<1x16xi32>,
    %get3A_82 = vector.shape_cast %get3A_81 : vector<1x16xi32> to vector<16xi32>
    %mul3A_83 = arith.constant 10000 : i32
    %mul3A_84 = arith.muli %arg0, %mul3A_83 : i32
    %add3A_85 = vector.broadcast %mul3A_84 : i32 to vector<16xi32>
    %add3A_86 = arith.addi %get3A_82, %add3A_85 : vector<16xi32>
    %swap3A_87 = arith.constant 0 : i32
    %swap3A_88 = arith.index_cast %swap3A_87 : i32 to index
    %swap3A_89 = arith.constant 48 : index
    %swap3A_90 = tpu.vector_load %arg9[%swap3A_88, %swap3A_89] {strides = array<i32>} : memref<2x80xi32, #tpu.memory_space<vmem>>, vector<1x16xi32>,
    %swap3A_91 = vector.shape_cast %swap3A_90 : vector<1x16xi32> to vector<16xi32>
    %swap3A_92 = vector.shape_cast %add3A_86 : vector<16xi32> to vector<1x16xi32>
    tpu.vector_store %arg9[%swap3A_88, %swap3A_89], %swap3A_92 {strides = array<i32>} : memref<2x80xi32, #tpu.memory_space<vmem>>, vector<1x16xi32>,
    %get3A_93 = arith.constant 0 : i32
    %get3A_94 = arith.index_cast %get3A_93 : i32 to index
    %get3A_95 = arith.constant 64 : index
    %get3A_96 = tpu.vector_load %arg9[%get3A_94, %get3A_95] {strides = array<i32>} : memref<2x80xi32, #tpu.memory_space<vmem>>, vector<1x16xi32>,
    %get3A_97 = vector.shape_cast %get3A_96 : vector<1x16xi32> to vector<16xi32>
    %mul3A_98 = arith.constant 10000 : i32
    %mul3A_99 = arith.muli %arg0, %mul3A_98 : i32
    %add3A_100 = vector.broadcast %mul3A_99 : i32 to vector<16xi32>
    %add3A_101 = arith.addi %get3A_97, %add3A_100 : vector<16xi32>
    %swap3A_102 = arith.constant 0 : i32
    %swap3A_103 = arith.index_cast %swap3A_102 : i32 to index
    %swap3A_104 = arith.constant 64 : index
    %swap3A_105 = tpu.vector_load %arg9[%swap3A_103, %swap3A_104] {strides = array<i32>} : memref<2x80xi32, #tpu.memory_space<vmem>>, vector<1x16xi32>,
    %swap3A_106 = vector.shape_cast %swap3A_105 : vector<1x16xi32> to vector<16xi32>
    %swap3A_107 = vector.shape_cast %add3A_101 : vector<16xi32> to vector<1x16xi32>
    tpu.vector_store %arg9[%swap3A_103, %swap3A_104], %swap3A_107 {strides = array<i32>} : memref<2x80xi32, #tpu.memory_space<vmem>>, vector<1x16xi32>,
    %dma_start3A = arith.constant 0 : i32
    %dma_start3A_108 = arith.constant 0 : i32
    %dma_start3A_109 = arith.constant 0 : i32
    %dma_start3A_110 = arith.constant 0 : i32
    %dma_start3A_111 = tpu.memref_slice %arg11[%dma_start3A_108, %dma_start3A_109, %dma_start3A_110] : memref<2x80x128xf32, #tpu.memory_space<vmem>> -> memref<1x80x128xf32, #tpu.memory_space<vmem>>
    %dma_start3A_112 = tpu.memref_squeeze %dma_start3A_111 : memref<1x80x128xf32, #tpu.memory_space<vmem>> -> memref<80x128xf32, #tpu.memory_space<vmem>>
    %dma_start3A_113 = arith.constant 0 : i32
    %dma_start3A_114 = tpu.memref_slice %arg9[%dma_start3A, %dma_start3A_113] : memref<2x80xi32, #tpu.memory_space<vmem>> -> memref<1x80xi32, #tpu.memory_space<vmem>>
    %dma_start3A_115 = tpu.memref_squeeze %dma_start3A_114 : memref<1x80xi32, #tpu.memory_space<vmem>> -> memref<80xi32, #tpu.memory_space<vmem>>
    %dma_start3A_116 = arith.constant 0 : i32
    %dma_start3A_117 = arith.constant 0 : i32
    %dma_start3A_118 = tpu.memref_slice %arg2[%dma_start3A_116, %dma_start3A_117] : memref<20000x128xf32, #tpu.memory_space<hbm>> -> memref<20000x128xf32, #tpu.memory_space<hbm>>
    tpu.enqueue_indirect_dma source(%dma_start3A_118 : memref<20000x128xf32, #tpu.memory_space<hbm>>) target(%dma_start3A_112 : memref<80x128xf32, #tpu.memory_space<vmem>>) offsets(%dma_start3A_115 : memref<80xi32, #tpu.memory_space<vmem>>) semaphore(%arg15 : memref<!tpu.dma_semaphore, #tpu.memory_space<semaphore_mem>>)
    %dma_wait3A = arith.constant 0 : i32
    %dma_wait3A_119 = arith.constant 0 : i32
    %dma_wait3A_120 = arith.constant 0 : i32
    %dma_wait3A_121 = arith.constant 0 : i32
    %dma_wait3A_122 = tpu.memref_slice %arg11[%dma_wait3A_119, %dma_wait3A_120, %dma_wait3A_121] : memref<2x80x128xf32, #tpu.memory_space<vmem>> -> memref<1x80x128xf32, #tpu.memory_space<vmem>>
    %dma_wait3A_123 = tpu.memref_squeeze %dma_wait3A_122 : memref<1x80x128xf32, #tpu.memory_space<vmem>> -> memref<80x128xf32, #tpu.memory_space<vmem>>
    %dma_wait3A_124 = arith.constant 0 : i32
    %dma_wait3A_125 = tpu.memref_slice %arg9[%dma_wait3A, %dma_wait3A_124] : memref<2x80xi32, #tpu.memory_space<vmem>> -> memref<1x80xi32, #tpu.memory_space<vmem>>
    %dma_wait3A_126 = tpu.memref_squeeze %dma_wait3A_125 : memref<1x80xi32, #tpu.memory_space<vmem>> -> memref<80xi32, #tpu.memory_space<vmem>>
    %dma_wait3A_127 = arith.constant 0 : i32
    %dma_wait3A_128 = arith.constant 0 : i32
    %dma_wait3A_129 = tpu.memref_slice %arg2[%dma_wait3A_127, %dma_wait3A_128] : memref<20000x128xf32, #tpu.memory_space<hbm>> -> memref<20000x128xf32, #tpu.memory_space<hbm>>
    tpu.wait_indirect_dma semaphore(%arg15 : memref<!tpu.dma_semaphore, #tpu.memory_space<semaphore_mem>>) src(%dma_wait3A_129 : memref<20000x128xf32, #tpu.memory_space<hbm>>) dst(%dma_wait3A_123 : memref<80x128xf32, #tpu.memory_space<vmem>>)
    %run_scoped3A_130 = arith.constant 0 : i32
    %run_scoped3A_131 = arith.constant 0 : i32
    "tpu.region"() ({
      %run_scoped3A_257 = tpu.sem_alloc : memref<!tpu.dma_semaphore, #tpu.memory_space<semaphore_mem>>
      %dma_start3A_258 = arith.constant 0 : i32
      %dma_start3A_259 = arith.constant 0 : i32
      %dma_start3A_260 = tpu.memref_slice %arg11[%run_scoped3A_130, %dma_start3A_258, %dma_start3A_259] : memref<2x80x128xf32, #tpu.memory_space<vmem>> -> memref<1x80x128xf32, #tpu.memory_space<vmem>>
      %dma_start3A_261 = tpu.memref_squeeze %dma_start3A_260 : memref<1x80x128xf32, #tpu.memory_space<vmem>> -> memref<80x128xf32, #tpu.memory_space<vmem>>
      %dma_start3A_262 = arith.constant 0 : i32
      %dma_start3A_263 = tpu.memref_slice %arg10[%run_scoped3A_131, %dma_start3A_262] : memref<2x80xi32, #tpu.memory_space<vmem>> -> memref<1x80xi32, #tpu.memory_space<vmem>>
      %dma_start3A_264 = tpu.memref_squeeze %dma_start3A_263 : memref<1x80xi32, #tpu.memory_space<vmem>> -> memref<80xi32, #tpu.memory_space<vmem>>
      %dma_start3A_265 = arith.constant 0 : i32
      %dma_start3A_266 = arith.constant 0 : i32
      %dma_start3A_267 = tpu.memref_slice %arg14[%dma_start3A_265, %dma_start3A_266] : memref<10112x128xf32, #tpu.memory_space<vmem_shared>> -> memref<10112x128xf32, #tpu.memory_space<vmem_shared>>
      tpu.enqueue_indirect_dma source(%dma_start3A_261 : memref<80x128xf32, #tpu.memory_space<vmem>>) target(%dma_start3A_267 : memref<10112x128xf32, #tpu.memory_space<vmem_shared>>) offsets(%dma_start3A_264 : memref<80xi32, #tpu.memory_space<vmem>>) semaphore(%run_scoped3A_257 : memref<!tpu.dma_semaphore, #tpu.memory_space<semaphore_mem>>) {add = true}
      %dma_wait3A_268 = arith.constant 0 : i32
      %dma_wait3A_269 = arith.constant 0 : i32
      %dma_wait3A_270 = tpu.memref_slice %arg11[%run_scoped3A_130, %dma_wait3A_268, %dma_wait3A_269] : memref<2x80x128xf32, #tpu.memory_space<vmem>> -> memref<1x80x128xf32, #tpu.memory_space<vmem>>
      %dma_wait3A_271 = tpu.memref_squeeze %dma_wait3A_270 : memref<1x80x128xf32, #tpu.memory_space<vmem>> -> memref<80x128xf32, #tpu.memory_space<vmem>>
      %dma_wait3A_272 = arith.constant 0 : i32
      %dma_wait3A_273 = tpu.memref_slice %arg10[%run_scoped3A_131, %dma_wait3A_272] : memref<2x80xi32, #tpu.memory_space<vmem>> -> memref<1x80xi32, #tpu.memory_space<vmem>>
      %dma_wait3A_274 = tpu.memref_squeeze %dma_wait3A_273 : memref<1x80xi32, #tpu.memory_space<vmem>> -> memref<80xi32, #tpu.memory_space<vmem>>
      %dma_wait3A_275 = arith.constant 0 : i32
      %dma_wait3A_276 = arith.constant 0 : i32
      %dma_wait3A_277 = tpu.memref_slice %arg14[%dma_wait3A_275, %dma_wait3A_276] : memref<10112x128xf32, #tpu.memory_space<vmem_shared>> -> memref<10112x128xf32, #tpu.memory_space<vmem_shared>>
      tpu.wait_indirect_dma semaphore(%run_scoped3A_257 : memref<!tpu.dma_semaphore, #tpu.memory_space<semaphore_mem>>) src(%dma_wait3A_271 : memref<80x128xf32, #tpu.memory_space<vmem>>) dst(%dma_wait3A_277 : memref<10112x128xf32, #tpu.memory_space<vmem_shared>>)
      tpu.yield
    }) : () -> ()
    %scan3A = arith.constant 0 : i32
    %scan3A_132 = arith.constant 0 : i32
    %scan3A_133 = arith.constant 62 : i32
    %scan3A_134 = arith.addi %scan3A_132, %scan3A_133 : i32
    %scan3A_135 = arith.constant 1 : i32
    scf.for %scan3A_257 = %scan3A_132 to %scan3A_134 step %scan3A_135  : i32 {
      %mul3A_258 = arith.constant 2 : i32
      %mul3A_259 = arith.muli %mul3A_258, %scan3A_257 : i32
      %add3A_260 = arith.constant 1 : i32
      %add3A_261 = arith.addi %add3A_260, %mul3A_259 : i32
      %mul3A_262 = arith.constant 10000 : i32
      %mul3A_263 = arith.muli %arg1, %mul3A_262 : i32
      %mul3A_264 = arith.constant 80 : i32
      %mul3A_265 = arith.muli %add3A_261, %mul3A_264 : i32
      %add3A_266 = arith.addi %mul3A_263, %mul3A_265 : i32
      %run_scoped3A_267 = arith.constant 1 : i32
      "tpu.region"() ({
        %run_scoped3A_482 = tpu.sem_alloc : memref<!tpu.dma_semaphore, #tpu.memory_space<semaphore_mem>>
        %dma_start3A_483 = arith.constant 0 : i32
        %dma_start3A_484 = tpu.memref_slice %arg9[%run_scoped3A_267, %dma_start3A_483] : memref<2x80xi32, #tpu.memory_space<vmem>> -> memref<1x80xi32, #tpu.memory_space<vmem>>
        %dma_start3A_485 = tpu.memref_squeeze %dma_start3A_484 : memref<1x80xi32, #tpu.memory_space<vmem>> -> memref<80xi32, #tpu.memory_space<vmem>>
        %dma_start3A_486 = tpu.memref_slice %arg3[%add3A_266] : memref<160000xi32, #tpu.memory_space<hbm>> -> memref<80xi32, #tpu.memory_space<hbm>>
        %dma_start3A_487 = arith.constant 0 : i32
        %dma_start3A_488 = tpu.memref_slice %arg9[%run_scoped3A_267, %dma_start3A_487] : memref<2x80xi32, #tpu.memory_space<vmem>> -> memref<1x80xi32, #tpu.memory_space<vmem>>
        %dma_start3A_489 = tpu.memref_squeeze %dma_start3A_488 : memref<1x80xi32, #tpu.memory_space<vmem>> -> memref<80xi32, #tpu.memory_space<vmem>>
        %dma_start3A_490 = tpu.memref_slice %arg3[%add3A_266] : memref<160000xi32, #tpu.memory_space<hbm>> -> memref<80xi32, #tpu.memory_space<hbm>>
        tpu.enqueue_dma source(%dma_start3A_490 : memref<80xi32, #tpu.memory_space<hbm>>) target(%dma_start3A_489 : memref<80xi32, #tpu.memory_space<vmem>>) target_semaphore(%run_scoped3A_482 : memref<!tpu.dma_semaphore, #tpu.memory_space<semaphore_mem>>)
        %dma_wait3A_491 = arith.constant 0 : i32
        %dma_wait3A_492 = tpu.memref_slice %arg9[%run_scoped3A_267, %dma_wait3A_491] : memref<2x80xi32, #tpu.memory_space<vmem>> -> memref<1x80xi32, #tpu.memory_space<vmem>>
        %dma_wait3A_493 = tpu.memref_squeeze %dma_wait3A_492 : memref<1x80xi32, #tpu.memory_space<vmem>> -> memref<80xi32, #tpu.memory_space<vmem>>
        %dma_wait3A_494 = tpu.memref_slice %arg3[%add3A_266] : memref<160000xi32, #tpu.memory_space<hbm>> -> memref<80xi32, #tpu.memory_space<hbm>>
        %dma_wait3A_495 = arith.constant 0 : i32
        %dma_wait3A_496 = tpu.memref_slice %arg9[%run_scoped3A_267, %dma_wait3A_495] : memref<2x80xi32, #tpu.memory_space<vmem>> -> memref<1x80xi32, #tpu.memory_space<vmem>>
        %dma_wait3A_497 = tpu.memref_squeeze %dma_wait3A_496 : memref<1x80xi32, #tpu.memory_space<vmem>> -> memref<80xi32, #tpu.memory_space<vmem>>
        %dma_wait3A_498 = tpu.memref_slice %arg3[%add3A_266] : memref<160000xi32, #tpu.memory_space<hbm>> -> memref<80xi32, #tpu.memory_space<hbm>>
        tpu.wait_dma2 semaphore(%run_scoped3A_482 : memref<!tpu.dma_semaphore, #tpu.memory_space<semaphore_mem>>) src(%dma_wait3A_498 : memref<80xi32, #tpu.memory_space<hbm>>) dst(%dma_wait3A_497 : memref<80xi32, #tpu.memory_space<vmem>>)
        tpu.yield
      }) : () -> ()
      %run_scoped3A_268 = arith.constant 1 : i32
      "tpu.region"() ({
        %run_scoped3A_482 = tpu.sem_alloc : memref<!tpu.dma_semaphore, #tpu.memory_space<semaphore_mem>>
        %dma_start3A_483 = arith.constant 0 : i32
        %dma_start3A_484 = tpu.memref_slice %arg10[%run_scoped3A_268, %dma_start3A_483] : memref<2x80xi32, #tpu.memory_space<vmem>> -> memref<1x80xi32, #tpu.memory_space<vmem>>
        %dma_start3A_485 = tpu.memref_squeeze %dma_start3A_484 : memref<1x80xi32, #tpu.memory_space<vmem>> -> memref<80xi32, #tpu.memory_space<vmem>>
        %dma_start3A_486 = tpu.memref_slice %arg4[%add3A_266] : memref<160000xi32, #tpu.memory_space<hbm>> -> memref<80xi32, #tpu.memory_space<hbm>>
        %dma_start3A_487 = arith.constant 0 : i32
        %dma_start3A_488 = tpu.memref_slice %arg10[%run_scoped3A_268, %dma_start3A_487] : memref<2x80xi32, #tpu.memory_space<vmem>> -> memref<1x80xi32, #tpu.memory_space<vmem>>
        %dma_start3A_489 = tpu.memref_squeeze %dma_start3A_488 : memref<1x80xi32, #tpu.memory_space<vmem>> -> memref<80xi32, #tpu.memory_space<vmem>>
        %dma_start3A_490 = tpu.memref_slice %arg4[%add3A_266] : memref<160000xi32, #tpu.memory_space<hbm>> -> memref<80xi32, #tpu.memory_space<hbm>>
        tpu.enqueue_dma source(%dma_start3A_490 : memref<80xi32, #tpu.memory_space<hbm>>) target(%dma_start3A_489 : memref<80xi32, #tpu.memory_space<vmem>>) target_semaphore(%run_scoped3A_482 : memref<!tpu.dma_semaphore, #tpu.memory_space<semaphore_mem>>)
        %dma_wait3A_491 = arith.constant 0 : i32
        %dma_wait3A_492 = tpu.memref_slice %arg10[%run_scoped3A_268, %dma_wait3A_491] : memref<2x80xi32, #tpu.memory_space<vmem>> -> memref<1x80xi32, #tpu.memory_space<vmem>>
        %dma_wait3A_493 = tpu.memref_squeeze %dma_wait3A_492 : memref<1x80xi32, #tpu.memory_space<vmem>> -> memref<80xi32, #tpu.memory_space<vmem>>
        %dma_wait3A_494 = tpu.memref_slice %arg4[%add3A_266] : memref<160000xi32, #tpu.memory_space<hbm>> -> memref<80xi32, #tpu.memory_space<hbm>>
        %dma_wait3A_495 = arith.constant 0 : i32
        %dma_wait3A_496 = tpu.memref_slice %arg10[%run_scoped3A_268, %dma_wait3A_495] : memref<2x80xi32, #tpu.memory_space<vmem>> -> memref<1x80xi32, #tpu.memory_space<vmem>>
        %dma_wait3A_497 = tpu.memref_squeeze %dma_wait3A_496 : memref<1x80xi32, #tpu.memory_space<vmem>> -> memref<80xi32, #tpu.memory_space<vmem>>
        %dma_wait3A_498 = tpu.memref_slice %arg4[%add3A_266] : memref<160000xi32, #tpu.memory_space<hbm>> -> memref<80xi32, #tpu.memory_space<hbm>>
        tpu.wait_dma2 semaphore(%run_scoped3A_482 : memref<!tpu.dma_semaphore, #tpu.memory_space<semaphore_mem>>) src(%dma_wait3A_498 : memref<80xi32, #tpu.memory_space<hbm>>) dst(%dma_wait3A_497 : memref<80xi32, #tpu.memory_space<vmem>>)
        tpu.yield
      }) : () -> ()
      %get3A_269 = arith.constant 1 : i32
      %get3A_270 = arith.index_cast %get3A_269 : i32 to index
      %get3A_271 = arith.constant 0 : index
      %get3A_272 = tpu.vector_load %arg9[%get3A_270, %get3A_271] {strides = array<i32>} : memref<2x80xi32, #tpu.memory_space<vmem>>, vector<1x16xi32>,
      %get3A_273 = vector.shape_cast %get3A_272 : vector<1x16xi32> to vector<16xi32>
      %mul3A_274 = arith.constant 10000 : i32
      %mul3A_275 = arith.muli %arg0, %mul3A_274 : i32
      %add3A_276 = vector.broadcast %mul3A_275 : i32 to vector<16xi32>
      %add3A_277 = arith.addi %get3A_273, %add3A_276 : vector<16xi32>
      %swap3A_278 = arith.constant 1 : i32
      %swap3A_279 = arith.index_cast %swap3A_278 : i32 to index
      %swap3A_280 = arith.constant 0 : index
      %swap3A_281 = tpu.vector_load %arg9[%swap3A_279, %swap3A_280] {strides = array<i32>} : memref<2x80xi32, #tpu.memory_space<vmem>>, vector<1x16xi32>,
      %swap3A_282 = vector.shape_cast %swap3A_281 : vector<1x16xi32> to vector<16xi32>
      %swap3A_283 = vector.shape_cast %add3A_277 : vector<16xi32> to vector<1x16xi32>
      tpu.vector_store %arg9[%swap3A_279, %swap3A_280], %swap3A_283 {strides = array<i32>} : memref<2x80xi32, #tpu.memory_space<vmem>>, vector<1x16xi32>,
      %get3A_284 = arith.constant 1 : i32
      %get3A_285 = arith.index_cast %get3A_284 : i32 to index
      %get3A_286 = arith.constant 16 : index
      %get3A_287 = tpu.vector_load %arg9[%get3A_285, %get3A_286] {strides = array<i32>} : memref<2x80xi32, #tpu.memory_space<vmem>>, vector<1x16xi32>,
      %get3A_288 = vector.shape_cast %get3A_287 : vector<1x16xi32> to vector<16xi32>
      %mul3A_289 = arith.constant 10000 : i32
      %mul3A_290 = arith.muli %arg0, %mul3A_289 : i32
      %add3A_291 = vector.broadcast %mul3A_290 : i32 to vector<16xi32>
      %add3A_292 = arith.addi %get3A_288, %add3A_291 : vector<16xi32>
      %swap3A_293 = arith.constant 1 : i32
      %swap3A_294 = arith.index_cast %swap3A_293 : i32 to index
      %swap3A_295 = arith.constant 16 : index
      %swap3A_296 = tpu.vector_load %arg9[%swap3A_294, %swap3A_295] {strides = array<i32>} : memref<2x80xi32, #tpu.memory_space<vmem>>, vector<1x16xi32>,
      %swap3A_297 = vector.shape_cast %swap3A_296 : vector<1x16xi32> to vector<16xi32>
      %swap3A_298 = vector.shape_cast %add3A_292 : vector<16xi32> to vector<1x16xi32>
      tpu.vector_store %arg9[%swap3A_294, %swap3A_295], %swap3A_298 {strides = array<i32>} : memref<2x80xi32, #tpu.memory_space<vmem>>, vector<1x16xi32>,
      %get3A_299 = arith.constant 1 : i32
      %get3A_300 = arith.index_cast %get3A_299 : i32 to index
      %get3A_301 = arith.constant 32 : index
      %get3A_302 = tpu.vector_load %arg9[%get3A_300, %get3A_301] {strides = array<i32>} : memref<2x80xi32, #tpu.memory_space<vmem>>, vector<1x16xi32>,
      %get3A_303 = vector.shape_cast %get3A_302 : vector<1x16xi32> to vector<16xi32>
      %mul3A_304 = arith.constant 10000 : i32
      %mul3A_305 = arith.muli %arg0, %mul3A_304 : i32
      %add3A_306 = vector.broadcast %mul3A_305 : i32 to vector<16xi32>
      %add3A_307 = arith.addi %get3A_303, %add3A_306 : vector<16xi32>
      %swap3A_308 = arith.constant 1 : i32
      %swap3A_309 = arith.index_cast %swap3A_308 : i32 to index
      %swap3A_310 = arith.constant 32 : index
      %swap3A_311 = tpu.vector_load %arg9[%swap3A_309, %swap3A_310] {strides = array<i32>} : memref<2x80xi32, #tpu.memory_space<vmem>>, vector<1x16xi32>,
      %swap3A_312 = vector.shape_cast %swap3A_311 : vector<1x16xi32> to vector<16xi32>
      %swap3A_313 = vector.shape_cast %add3A_307 : vector<16xi32> to vector<1x16xi32>
      tpu.vector_store %arg9[%swap3A_309, %swap3A_310], %swap3A_313 {strides = array<i32>} : memref<2x80xi32, #tpu.memory_space<vmem>>, vector<1x16xi32>,
      %get3A_314 = arith.constant 1 : i32
      %get3A_315 = arith.index_cast %get3A_314 : i32 to index
      %get3A_316 = arith.constant 48 : index
      %get3A_317 = tpu.vector_load %arg9[%get3A_315, %get3A_316] {strides = array<i32>} : memref<2x80xi32, #tpu.memory_space<vmem>>, vector<1x16xi32>,
      %get3A_318 = vector.shape_cast %get3A_317 : vector<1x16xi32> to vector<16xi32>
      %mul3A_319 = arith.constant 10000 : i32
      %mul3A_320 = arith.muli %arg0, %mul3A_319 : i32
      %add3A_321 = vector.broadcast %mul3A_320 : i32 to vector<16xi32>
      %add3A_322 = arith.addi %get3A_318, %add3A_321 : vector<16xi32>
      %swap3A_323 = arith.constant 1 : i32
      %swap3A_324 = arith.index_cast %swap3A_323 : i32 to index
      %swap3A_325 = arith.constant 48 : index
      %swap3A_326 = tpu.vector_load %arg9[%swap3A_324, %swap3A_325] {strides = array<i32>} : memref<2x80xi32, #tpu.memory_space<vmem>>, vector<1x16xi32>,
      %swap3A_327 = vector.shape_cast %swap3A_326 : vector<1x16xi32> to vector<16xi32>
      %swap3A_328 = vector.shape_cast %add3A_322 : vector<16xi32> to vector<1x16xi32>
      tpu.vector_store %arg9[%swap3A_324, %swap3A_325], %swap3A_328 {strides = array<i32>} : memref<2x80xi32, #tpu.memory_space<vmem>>, vector<1x16xi32>,
      %get3A_329 = arith.constant 1 : i32
      %get3A_330 = arith.index_cast %get3A_329 : i32 to index
      %get3A_331 = arith.constant 64 : index
      %get3A_332 = tpu.vector_load %arg9[%get3A_330, %get3A_331] {strides = array<i32>} : memref<2x80xi32, #tpu.memory_space<vmem>>, vector<1x16xi32>,
      %get3A_333 = vector.shape_cast %get3A_332 : vector<1x16xi32> to vector<16xi32>
      %mul3A_334 = arith.constant 10000 : i32
      %mul3A_335 = arith.muli %arg0, %mul3A_334 : i32
      %add3A_336 = vector.broadcast %mul3A_335 : i32 to vector<16xi32>
      %add3A_337 = arith.addi %get3A_333, %add3A_336 : vector<16xi32>
      %swap3A_338 = arith.constant 1 : i32
      %swap3A_339 = arith.index_cast %swap3A_338 : i32 to index
      %swap3A_340 = arith.constant 64 : index
      %swap3A_341 = tpu.vector_load %arg9[%swap3A_339, %swap3A_340] {strides = array<i32>} : memref<2x80xi32, #tpu.memory_space<vmem>>, vector<1x16xi32>,
      %swap3A_342 = vector.shape_cast %swap3A_341 : vector<1x16xi32> to vector<16xi32>
      %swap3A_343 = vector.shape_cast %add3A_337 : vector<16xi32> to vector<1x16xi32>
      tpu.vector_store %arg9[%swap3A_339, %swap3A_340], %swap3A_343 {strides = array<i32>} : memref<2x80xi32, #tpu.memory_space<vmem>>, vector<1x16xi32>,
      %dma_start3A_344 = arith.constant 1 : i32
      %dma_start3A_345 = arith.constant 1 : i32
      %dma_start3A_346 = arith.constant 0 : i32
      %dma_start3A_347 = arith.constant 0 : i32
      %dma_start3A_348 = tpu.memref_slice %arg11[%dma_start3A_345, %dma_start3A_346, %dma_start3A_347] : memref<2x80x128xf32, #tpu.memory_space<vmem>> -> memref<1x80x128xf32, #tpu.memory_space<vmem>>
      %dma_start3A_349 = tpu.memref_squeeze %dma_start3A_348 : memref<1x80x128xf32, #tpu.memory_space<vmem>> -> memref<80x128xf32, #tpu.memory_space<vmem>>
      %dma_start3A_350 = arith.constant 0 : i32
      %dma_start3A_351 = tpu.memref_slice %arg9[%dma_start3A_344, %dma_start3A_350] : memref<2x80xi32, #tpu.memory_space<vmem>> -> memref<1x80xi32, #tpu.memory_space<vmem>>
      %dma_start3A_352 = tpu.memref_squeeze %dma_start3A_351 : memref<1x80xi32, #tpu.memory_space<vmem>> -> memref<80xi32, #tpu.memory_space<vmem>>
      %dma_start3A_353 = arith.constant 0 : i32
      %dma_start3A_354 = arith.constant 0 : i32
      %dma_start3A_355 = tpu.memref_slice %arg2[%dma_start3A_353, %dma_start3A_354] : memref<20000x128xf32, #tpu.memory_space<hbm>> -> memref<20000x128xf32, #tpu.memory_space<hbm>>
      tpu.enqueue_indirect_dma source(%dma_start3A_355 : memref<20000x128xf32, #tpu.memory_space<hbm>>) target(%dma_start3A_349 : memref<80x128xf32, #tpu.memory_space<vmem>>) offsets(%dma_start3A_352 : memref<80xi32, #tpu.memory_space<vmem>>) semaphore(%arg16 : memref<!tpu.dma_semaphore, #tpu.memory_space<semaphore_mem>>)
      %add3A_356 = arith.constant 1 : i32
      %add3A_357 = arith.addi %add3A_261, %add3A_356 : i32
      %mul3A_358 = arith.constant 10000 : i32
      %mul3A_359 = arith.muli %arg1, %mul3A_358 : i32
      %mul3A_360 = arith.constant 80 : i32
      %mul3A_361 = arith.muli %add3A_357, %mul3A_360 : i32
      %add3A_362 = arith.addi %mul3A_359, %mul3A_361 : i32
      %run_scoped3A_363 = arith.constant 0 : i32
      "tpu.region"() ({
        %run_scoped3A_482 = tpu.sem_alloc : memref<!tpu.dma_semaphore, #tpu.memory_space<semaphore_mem>>
        %dma_start3A_483 = arith.constant 0 : i32
        %dma_start3A_484 = tpu.memref_slice %arg9[%run_scoped3A_363, %dma_start3A_483] : memref<2x80xi32, #tpu.memory_space<vmem>> -> memref<1x80xi32, #tpu.memory_space<vmem>>
        %dma_start3A_485 = tpu.memref_squeeze %dma_start3A_484 : memref<1x80xi32, #tpu.memory_space<vmem>> -> memref<80xi32, #tpu.memory_space<vmem>>
        %dma_start3A_486 = tpu.memref_slice %arg3[%add3A_362] : memref<160000xi32, #tpu.memory_space<hbm>> -> memref<80xi32, #tpu.memory_space<hbm>>
        %dma_start3A_487 = arith.constant 0 : i32
        %dma_start3A_488 = tpu.memref_slice %arg9[%run_scoped3A_363, %dma_start3A_487] : memref<2x80xi32, #tpu.memory_space<vmem>> -> memref<1x80xi32, #tpu.memory_space<vmem>>
        %dma_start3A_489 = tpu.memref_squeeze %dma_start3A_488 : memref<1x80xi32, #tpu.memory_space<vmem>> -> memref<80xi32, #tpu.memory_space<vmem>>
        %dma_start3A_490 = tpu.memref_slice %arg3[%add3A_362] : memref<160000xi32, #tpu.memory_space<hbm>> -> memref<80xi32, #tpu.memory_space<hbm>>
        tpu.enqueue_dma source(%dma_start3A_490 : memref<80xi32, #tpu.memory_space<hbm>>) target(%dma_start3A_489 : memref<80xi32, #tpu.memory_space<vmem>>) target_semaphore(%run_scoped3A_482 : memref<!tpu.dma_semaphore, #tpu.memory_space<semaphore_mem>>)
        %dma_wait3A_491 = arith.constant 0 : i32
        %dma_wait3A_492 = tpu.memref_slice %arg9[%run_scoped3A_363, %dma_wait3A_491] : memref<2x80xi32, #tpu.memory_space<vmem>> -> memref<1x80xi32, #tpu.memory_space<vmem>>
        %dma_wait3A_493 = tpu.memref_squeeze %dma_wait3A_492 : memref<1x80xi32, #tpu.memory_space<vmem>> -> memref<80xi32, #tpu.memory_space<vmem>>
        %dma_wait3A_494 = tpu.memref_slice %arg3[%add3A_362] : memref<160000xi32, #tpu.memory_space<hbm>> -> memref<80xi32, #tpu.memory_space<hbm>>
        %dma_wait3A_495 = arith.constant 0 : i32
        %dma_wait3A_496 = tpu.memref_slice %arg9[%run_scoped3A_363, %dma_wait3A_495] : memref<2x80xi32, #tpu.memory_space<vmem>> -> memref<1x80xi32, #tpu.memory_space<vmem>>
        %dma_wait3A_497 = tpu.memref_squeeze %dma_wait3A_496 : memref<1x80xi32, #tpu.memory_space<vmem>> -> memref<80xi32, #tpu.memory_space<vmem>>
        %dma_wait3A_498 = tpu.memref_slice %arg3[%add3A_362] : memref<160000xi32, #tpu.memory_space<hbm>> -> memref<80xi32, #tpu.memory_space<hbm>>
        tpu.wait_dma2 semaphore(%run_scoped3A_482 : memref<!tpu.dma_semaphore, #tpu.memory_space<semaphore_mem>>) src(%dma_wait3A_498 : memref<80xi32, #tpu.memory_space<hbm>>) dst(%dma_wait3A_497 : memref<80xi32, #tpu.memory_space<vmem>>)
        tpu.yield
      }) : () -> ()
      %run_scoped3A_364 = arith.constant 0 : i32
      "tpu.region"() ({
        %run_scoped3A_482 = tpu.sem_alloc : memref<!tpu.dma_semaphore, #tpu.memory_space<semaphore_mem>>
        %dma_start3A_483 = arith.constant 0 : i32
        %dma_start3A_484 = tpu.memref_slice %arg10[%run_scoped3A_364, %dma_start3A_483] : memref<2x80xi32, #tpu.memory_space<vmem>> -> memref<1x80xi32, #tpu.memory_space<vmem>>
        %dma_start3A_485 = tpu.memref_squeeze %dma_start3A_484 : memref<1x80xi32, #tpu.memory_space<vmem>> -> memref<80xi32, #tpu.memory_space<vmem>>
        %dma_start3A_486 = tpu.memref_slice %arg4[%add3A_362] : memref<160000xi32, #tpu.memory_space<hbm>> -> memref<80xi32, #tpu.memory_space<hbm>>
        %dma_start3A_487 = arith.constant 0 : i32
        %dma_start3A_488 = tpu.memref_slice %arg10[%run_scoped3A_364, %dma_start3A_487] : memref<2x80xi32, #tpu.memory_space<vmem>> -> memref<1x80xi32, #tpu.memory_space<vmem>>
        %dma_start3A_489 = tpu.memref_squeeze %dma_start3A_488 : memref<1x80xi32, #tpu.memory_space<vmem>> -> memref<80xi32, #tpu.memory_space<vmem>>
        %dma_start3A_490 = tpu.memref_slice %arg4[%add3A_362] : memref<160000xi32, #tpu.memory_space<hbm>> -> memref<80xi32, #tpu.memory_space<hbm>>
        tpu.enqueue_dma source(%dma_start3A_490 : memref<80xi32, #tpu.memory_space<hbm>>) target(%dma_start3A_489 : memref<80xi32, #tpu.memory_space<vmem>>) target_semaphore(%run_scoped3A_482 : memref<!tpu.dma_semaphore, #tpu.memory_space<semaphore_mem>>)
        %dma_wait3A_491 = arith.constant 0 : i32
        %dma_wait3A_492 = tpu.memref_slice %arg10[%run_scoped3A_364, %dma_wait3A_491] : memref<2x80xi32, #tpu.memory_space<vmem>> -> memref<1x80xi32, #tpu.memory_space<vmem>>
        %dma_wait3A_493 = tpu.memref_squeeze %dma_wait3A_492 : memref<1x80xi32, #tpu.memory_space<vmem>> -> memref<80xi32, #tpu.memory_space<vmem>>
        %dma_wait3A_494 = tpu.memref_slice %arg4[%add3A_362] : memref<160000xi32, #tpu.memory_space<hbm>> -> memref<80xi32, #tpu.memory_space<hbm>>
        %dma_wait3A_495 = arith.constant 0 : i32
        %dma_wait3A_496 = tpu.memref_slice %arg10[%run_scoped3A_364, %dma_wait3A_495] : memref<2x80xi32, #tpu.memory_space<vmem>> -> memref<1x80xi32, #tpu.memory_space<vmem>>
        %dma_wait3A_497 = tpu.memref_squeeze %dma_wait3A_496 : memref<1x80xi32, #tpu.memory_space<vmem>> -> memref<80xi32, #tpu.memory_space<vmem>>
        %dma_wait3A_498 = tpu.memref_slice %arg4[%add3A_362] : memref<160000xi32, #tpu.memory_space<hbm>> -> memref<80xi32, #tpu.memory_space<hbm>>
        tpu.wait_dma2 semaphore(%run_scoped3A_482 : memref<!tpu.dma_semaphore, #tpu.memory_space<semaphore_mem>>) src(%dma_wait3A_498 : memref<80xi32, #tpu.memory_space<hbm>>) dst(%dma_wait3A_497 : memref<80xi32, #tpu.memory_space<vmem>>)
        tpu.yield
      }) : () -> ()
      %get3A_365 = arith.constant 0 : i32
      %get3A_366 = arith.index_cast %get3A_365 : i32 to index
      %get3A_367 = arith.constant 0 : index
      %get3A_368 = tpu.vector_load %arg9[%get3A_366, %get3A_367] {strides = array<i32>} : memref<2x80xi32, #tpu.memory_space<vmem>>, vector<1x16xi32>,
      %get3A_369 = vector.shape_cast %get3A_368 : vector<1x16xi32> to vector<16xi32>
      %mul3A_370 = arith.constant 10000 : i32
      %mul3A_371 = arith.muli %arg0, %mul3A_370 : i32
      %add3A_372 = vector.broadcast %mul3A_371 : i32 to vector<16xi32>
      %add3A_373 = arith.addi %get3A_369, %add3A_372 : vector<16xi32>
      %swap3A_374 = arith.constant 0 : i32
      %swap3A_375 = arith.index_cast %swap3A_374 : i32 to index
      %swap3A_376 = arith.constant 0 : index
      %swap3A_377 = tpu.vector_load %arg9[%swap3A_375, %swap3A_376] {strides = array<i32>} : memref<2x80xi32, #tpu.memory_space<vmem>>, vector<1x16xi32>,
      %swap3A_378 = vector.shape_cast %swap3A_377 : vector<1x16xi32> to vector<16xi32>
      %swap3A_379 = vector.shape_cast %add3A_373 : vector<16xi32> to vector<1x16xi32>
      tpu.vector_store %arg9[%swap3A_375, %swap3A_376], %swap3A_379 {strides = array<i32>} : memref<2x80xi32, #tpu.memory_space<vmem>>, vector<1x16xi32>,
      %get3A_380 = arith.constant 0 : i32
      %get3A_381 = arith.index_cast %get3A_380 : i32 to index
      %get3A_382 = arith.constant 16 : index
      %get3A_383 = tpu.vector_load %arg9[%get3A_381, %get3A_382] {strides = array<i32>} : memref<2x80xi32, #tpu.memory_space<vmem>>, vector<1x16xi32>,
      %get3A_384 = vector.shape_cast %get3A_383 : vector<1x16xi32> to vector<16xi32>
      %mul3A_385 = arith.constant 10000 : i32
      %mul3A_386 = arith.muli %arg0, %mul3A_385 : i32
      %add3A_387 = vector.broadcast %mul3A_386 : i32 to vector<16xi32>
      %add3A_388 = arith.addi %get3A_384, %add3A_387 : vector<16xi32>
      %swap3A_389 = arith.constant 0 : i32
      %swap3A_390 = arith.index_cast %swap3A_389 : i32 to index
      %swap3A_391 = arith.constant 16 : index
      %swap3A_392 = tpu.vector_load %arg9[%swap3A_390, %swap3A_391] {strides = array<i32>} : memref<2x80xi32, #tpu.memory_space<vmem>>, vector<1x16xi32>,
      %swap3A_393 = vector.shape_cast %swap3A_392 : vector<1x16xi32> to vector<16xi32>
      %swap3A_394 = vector.shape_cast %add3A_388 : vector<16xi32> to vector<1x16xi32>
      tpu.vector_store %arg9[%swap3A_390, %swap3A_391], %swap3A_394 {strides = array<i32>} : memref<2x80xi32, #tpu.memory_space<vmem>>, vector<1x16xi32>,
      %get3A_395 = arith.constant 0 : i32
      %get3A_396 = arith.index_cast %get3A_395 : i32 to index
      %get3A_397 = arith.constant 32 : index
      %get3A_398 = tpu.vector_load %arg9[%get3A_396, %get3A_397] {strides = array<i32>} : memref<2x80xi32, #tpu.memory_space<vmem>>, vector<1x16xi32>,
      %get3A_399 = vector.shape_cast %get3A_398 : vector<1x16xi32> to vector<16xi32>
      %mul3A_400 = arith.constant 10000 : i32
      %mul3A_401 = arith.muli %arg0, %mul3A_400 : i32
      %add3A_402 = vector.broadcast %mul3A_401 : i32 to vector<16xi32>
      %add3A_403 = arith.addi %get3A_399, %add3A_402 : vector<16xi32>
      %swap3A_404 = arith.constant 0 : i32
      %swap3A_405 = arith.index_cast %swap3A_404 : i32 to index
      %swap3A_406 = arith.constant 32 : index
      %swap3A_407 = tpu.vector_load %arg9[%swap3A_405, %swap3A_406] {strides = array<i32>} : memref<2x80xi32, #tpu.memory_space<vmem>>, vector<1x16xi32>,
      %swap3A_408 = vector.shape_cast %swap3A_407 : vector<1x16xi32> to vector<16xi32>
      %swap3A_409 = vector.shape_cast %add3A_403 : vector<16xi32> to vector<1x16xi32>
      tpu.vector_store %arg9[%swap3A_405, %swap3A_406], %swap3A_409 {strides = array<i32>} : memref<2x80xi32, #tpu.memory_space<vmem>>, vector<1x16xi32>,
      %get3A_410 = arith.constant 0 : i32
      %get3A_411 = arith.index_cast %get3A_410 : i32 to index
      %get3A_412 = arith.constant 48 : index
      %get3A_413 = tpu.vector_load %arg9[%get3A_411, %get3A_412] {strides = array<i32>} : memref<2x80xi32, #tpu.memory_space<vmem>>, vector<1x16xi32>,
      %get3A_414 = vector.shape_cast %get3A_413 : vector<1x16xi32> to vector<16xi32>
      %mul3A_415 = arith.constant 10000 : i32
      %mul3A_416 = arith.muli %arg0, %mul3A_415 : i32
      %add3A_417 = vector.broadcast %mul3A_416 : i32 to vector<16xi32>
      %add3A_418 = arith.addi %get3A_414, %add3A_417 : vector<16xi32>
      %swap3A_419 = arith.constant 0 : i32
      %swap3A_420 = arith.index_cast %swap3A_419 : i32 to index
      %swap3A_421 = arith.constant 48 : index
      %swap3A_422 = tpu.vector_load %arg9[%swap3A_420, %swap3A_421] {strides = array<i32>} : memref<2x80xi32, #tpu.memory_space<vmem>>, vector<1x16xi32>,
      %swap3A_423 = vector.shape_cast %swap3A_422 : vector<1x16xi32> to vector<16xi32>
      %swap3A_424 = vector.shape_cast %add3A_418 : vector<16xi32> to vector<1x16xi32>
      tpu.vector_store %arg9[%swap3A_420, %swap3A_421], %swap3A_424 {strides = array<i32>} : memref<2x80xi32, #tpu.memory_space<vmem>>, vector<1x16xi32>,
      %get3A_425 = arith.constant 0 : i32
      %get3A_426 = arith.index_cast %get3A_425 : i32 to index
      %get3A_427 = arith.constant 64 : index
      %get3A_428 = tpu.vector_load %arg9[%get3A_426, %get3A_427] {strides = array<i32>} : memref<2x80xi32, #tpu.memory_space<vmem>>, vector<1x16xi32>,
      %get3A_429 = vector.shape_cast %get3A_428 : vector<1x16xi32> to vector<16xi32>
      %mul3A_430 = arith.constant 10000 : i32
      %mul3A_431 = arith.muli %arg0, %mul3A_430 : i32
      %add3A_432 = vector.broadcast %mul3A_431 : i32 to vector<16xi32>
      %add3A_433 = arith.addi %get3A_429, %add3A_432 : vector<16xi32>
      %swap3A_434 = arith.constant 0 : i32
      %swap3A_435 = arith.index_cast %swap3A_434 : i32 to index
      %swap3A_436 = arith.constant 64 : index
      %swap3A_437 = tpu.vector_load %arg9[%swap3A_435, %swap3A_436] {strides = array<i32>} : memref<2x80xi32, #tpu.memory_space<vmem>>, vector<1x16xi32>,
      %swap3A_438 = vector.shape_cast %swap3A_437 : vector<1x16xi32> to vector<16xi32>
      %swap3A_439 = vector.shape_cast %add3A_433 : vector<16xi32> to vector<1x16xi32>
      tpu.vector_store %arg9[%swap3A_435, %swap3A_436], %swap3A_439 {strides = array<i32>} : memref<2x80xi32, #tpu.memory_space<vmem>>, vector<1x16xi32>,
      %dma_start3A_440 = arith.constant 0 : i32
      %dma_start3A_441 = arith.constant 0 : i32
      %dma_start3A_442 = arith.constant 0 : i32
      %dma_start3A_443 = arith.constant 0 : i32
      %dma_start3A_444 = tpu.memref_slice %arg11[%dma_start3A_441, %dma_start3A_442, %dma_start3A_443] : memref<2x80x128xf32, #tpu.memory_space<vmem>> -> memref<1x80x128xf32, #tpu.memory_space<vmem>>
      %dma_start3A_445 = tpu.memref_squeeze %dma_start3A_444 : memref<1x80x128xf32, #tpu.memory_space<vmem>> -> memref<80x128xf32, #tpu.memory_space<vmem>>
      %dma_start3A_446 = arith.constant 0 : i32
      %dma_start3A_447 = tpu.memref_slice %arg9[%dma_start3A_440, %dma_start3A_446] : memref<2x80xi32, #tpu.memory_space<vmem>> -> memref<1x80xi32, #tpu.memory_space<vmem>>
      %dma_start3A_448 = tpu.memref_squeeze %dma_start3A_447 : memref<1x80xi32, #tpu.memory_space<vmem>> -> memref<80xi32, #tpu.memory_space<vmem>>
      %dma_start3A_449 = arith.constant 0 : i32
      %dma_start3A_450 = arith.constant 0 : i32
      %dma_start3A_451 = tpu.memref_slice %arg2[%dma_start3A_449, %dma_start3A_450] : memref<20000x128xf32, #tpu.memory_space<hbm>> -> memref<20000x128xf32, #tpu.memory_space<hbm>>
      tpu.enqueue_indirect_dma source(%dma_start3A_451 : memref<20000x128xf32, #tpu.memory_space<hbm>>) target(%dma_start3A_445 : memref<80x128xf32, #tpu.memory_space<vmem>>) offsets(%dma_start3A_448 : memref<80xi32, #tpu.memory_space<vmem>>) semaphore(%arg15 : memref<!tpu.dma_semaphore, #tpu.memory_space<semaphore_mem>>)
      %dma_wait3A_452 = arith.constant 1 : i32
      %dma_wait3A_453 = arith.constant 1 : i32
      %dma_wait3A_454 = arith.constant 0 : i32
      %dma_wait3A_455 = arith.constant 0 : i32
      %dma_wait3A_456 = tpu.memref_slice %arg11[%dma_wait3A_453, %dma_wait3A_454, %dma_wait3A_455] : memref<2x80x128xf32, #tpu.memory_space<vmem>> -> memref<1x80x128xf32, #tpu.memory_space<vmem>>
      %dma_wait3A_457 = tpu.memref_squeeze %dma_wait3A_456 : memref<1x80x128xf32, #tpu.memory_space<vmem>> -> memref<80x128xf32, #tpu.memory_space<vmem>>
      %dma_wait3A_458 = arith.constant 0 : i32
      %dma_wait3A_459 = tpu.memref_slice %arg9[%dma_wait3A_452, %dma_wait3A_458] : memref<2x80xi32, #tpu.memory_space<vmem>> -> memref<1x80xi32, #tpu.memory_space<vmem>>
      %dma_wait3A_460 = tpu.memref_squeeze %dma_wait3A_459 : memref<1x80xi32, #tpu.memory_space<vmem>> -> memref<80xi32, #tpu.memory_space<vmem>>
      %dma_wait3A_461 = arith.constant 0 : i32
      %dma_wait3A_462 = arith.constant 0 : i32
      %dma_wait3A_463 = tpu.memref_slice %arg2[%dma_wait3A_461, %dma_wait3A_462] : memref<20000x128xf32, #tpu.memory_space<hbm>> -> memref<20000x128xf32, #tpu.memory_space<hbm>>
      tpu.wait_indirect_dma semaphore(%arg16 : memref<!tpu.dma_semaphore, #tpu.memory_space<semaphore_mem>>) src(%dma_wait3A_463 : memref<20000x128xf32, #tpu.memory_space<hbm>>) dst(%dma_wait3A_457 : memref<80x128xf32, #tpu.memory_space<vmem>>)
      %run_scoped3A_464 = arith.constant 1 : i32
      %run_scoped3A_465 = arith.constant 1 : i32
      "tpu.region"() ({
        %run_scoped3A_482 = tpu.sem_alloc : memref<!tpu.dma_semaphore, #tpu.memory_space<semaphore_mem>>
        %dma_start3A_483 = arith.constant 0 : i32
        %dma_start3A_484 = arith.constant 0 : i32
        %dma_start3A_485 = tpu.memref_slice %arg11[%run_scoped3A_464, %dma_start3A_483, %dma_start3A_484] : memref<2x80x128xf32, #tpu.memory_space<vmem>> -> memref<1x80x128xf32, #tpu.memory_space<vmem>>
        %dma_start3A_486 = tpu.memref_squeeze %dma_start3A_485 : memref<1x80x128xf32, #tpu.memory_space<vmem>> -> memref<80x128xf32, #tpu.memory_space<vmem>>
        %dma_start3A_487 = arith.constant 0 : i32
        %dma_start3A_488 = tpu.memref_slice %arg10[%run_scoped3A_465, %dma_start3A_487] : memref<2x80xi32, #tpu.memory_space<vmem>> -> memref<1x80xi32, #tpu.memory_space<vmem>>
        %dma_start3A_489 = tpu.memref_squeeze %dma_start3A_488 : memref<1x80xi32, #tpu.memory_space<vmem>> -> memref<80xi32, #tpu.memory_space<vmem>>
        %dma_start3A_490 = arith.constant 0 : i32
        %dma_start3A_491 = arith.constant 0 : i32
        %dma_start3A_492 = tpu.memref_slice %arg14[%dma_start3A_490, %dma_start3A_491] : memref<10112x128xf32, #tpu.memory_space<vmem_shared>> -> memref<10112x128xf32, #tpu.memory_space<vmem_shared>>
        tpu.enqueue_indirect_dma source(%dma_start3A_486 : memref<80x128xf32, #tpu.memory_space<vmem>>) target(%dma_start3A_492 : memref<10112x128xf32, #tpu.memory_space<vmem_shared>>) offsets(%dma_start3A_489 : memref<80xi32, #tpu.memory_space<vmem>>) semaphore(%run_scoped3A_482 : memref<!tpu.dma_semaphore, #tpu.memory_space<semaphore_mem>>) {add = true}
        %dma_wait3A_493 = arith.constant 0 : i32
        %dma_wait3A_494 = arith.constant 0 : i32
        %dma_wait3A_495 = tpu.memref_slice %arg11[%run_scoped3A_464, %dma_wait3A_493, %dma_wait3A_494] : memref<2x80x128xf32, #tpu.memory_space<vmem>> -> memref<1x80x128xf32, #tpu.memory_space<vmem>>
        %dma_wait3A_496 = tpu.memref_squeeze %dma_wait3A_495 : memref<1x80x128xf32, #tpu.memory_space<vmem>> -> memref<80x128xf32, #tpu.memory_space<vmem>>
        %dma_wait3A_497 = arith.constant 0 : i32
        %dma_wait3A_498 = tpu.memref_slice %arg10[%run_scoped3A_465, %dma_wait3A_497] : memref<2x80xi32, #tpu.memory_space<vmem>> -> memref<1x80xi32, #tpu.memory_space<vmem>>
        %dma_wait3A_499 = tpu.memref_squeeze %dma_wait3A_498 : memref<1x80xi32, #tpu.memory_space<vmem>> -> memref<80xi32, #tpu.memory_space<vmem>>
        %dma_wait3A_500 = arith.constant 0 : i32
        %dma_wait3A_501 = arith.constant 0 : i32
        %dma_wait3A_502 = tpu.memref_slice %arg14[%dma_wait3A_500, %dma_wait3A_501] : memref<10112x128xf32, #tpu.memory_space<vmem_shared>> -> memref<10112x128xf32, #tpu.memory_space<vmem_shared>>
        tpu.wait_indirect_dma semaphore(%run_scoped3A_482 : memref<!tpu.dma_semaphore, #tpu.memory_space<semaphore_mem>>) src(%dma_wait3A_496 : memref<80x128xf32, #tpu.memory_space<vmem>>) dst(%dma_wait3A_502 : memref<10112x128xf32, #tpu.memory_space<vmem_shared>>)
        tpu.yield
      }) : () -> ()
      %add3A_466 = arith.constant 1 : i32
      %add3A_467 = arith.addi %add3A_261, %add3A_466 : i32
      %dma_wait3A_468 = arith.constant 0 : i32
      %dma_wait3A_469 = arith.constant 0 : i32
      %dma_wait3A_470 = arith.constant 0 : i32
      %dma_wait3A_471 = arith.constant 0 : i32
      %dma_wait3A_472 = tpu.memref_slice %arg11[%dma_wait3A_469, %dma_wait3A_470, %dma_wait3A_471] : memref<2x80x128xf32, #tpu.memory_space<vmem>> -> memref<1x80x128xf32, #tpu.memory_space<vmem>>
      %dma_wait3A_473 = tpu.memref_squeeze %dma_wait3A_472 : memref<1x80x128xf32, #tpu.memory_space<vmem>> -> memref<80x128xf32, #tpu.memory_space<vmem>>
      %dma_wait3A_474 = arith.constant 0 : i32
      %dma_wait3A_475 = tpu.memref_slice %arg9[%dma_wait3A_468, %dma_wait3A_474] : memref<2x80xi32, #tpu.memory_space<vmem>> -> memref<1x80xi32, #tpu.memory_space<vmem>>
      %dma_wait3A_476 = tpu.memref_squeeze %dma_wait3A_475 : memref<1x80xi32, #tpu.memory_space<vmem>> -> memref<80xi32, #tpu.memory_space<vmem>>
      %dma_wait3A_477 = arith.constant 0 : i32
      %dma_wait3A_478 = arith.constant 0 : i32
      %dma_wait3A_479 = tpu.memref_slice %arg2[%dma_wait3A_477, %dma_wait3A_478] : memref<20000x128xf32, #tpu.memory_space<hbm>> -> memref<20000x128xf32, #tpu.memory_space<hbm>>
      tpu.wait_indirect_dma semaphore(%arg15 : memref<!tpu.dma_semaphore, #tpu.memory_space<semaphore_mem>>) src(%dma_wait3A_479 : memref<20000x128xf32, #tpu.memory_space<hbm>>) dst(%dma_wait3A_473 : memref<80x128xf32, #tpu.memory_space<vmem>>)
      %run_scoped3A_480 = arith.constant 0 : i32
      %run_scoped3A_481 = arith.constant 0 : i32
      "tpu.region"() ({
        %run_scoped3A_482 = tpu.sem_alloc : memref<!tpu.dma_semaphore, #tpu.memory_space<semaphore_mem>>
        %dma_start3A_483 = arith.constant 0 : i32
        %dma_start3A_484 = arith.constant 0 : i32
        %dma_start3A_485 = tpu.memref_slice %arg11[%run_scoped3A_480, %dma_start3A_483, %dma_start3A_484] : memref<2x80x128xf32, #tpu.memory_space<vmem>> -> memref<1x80x128xf32, #tpu.memory_space<vmem>>
        %dma_start3A_486 = tpu.memref_squeeze %dma_start3A_485 : memref<1x80x128xf32, #tpu.memory_space<vmem>> -> memref<80x128xf32, #tpu.memory_space<vmem>>
        %dma_start3A_487 = arith.constant 0 : i32
        %dma_start3A_488 = tpu.memref_slice %arg10[%run_scoped3A_481, %dma_start3A_487] : memref<2x80xi32, #tpu.memory_space<vmem>> -> memref<1x80xi32, #tpu.memory_space<vmem>>
        %dma_start3A_489 = tpu.memref_squeeze %dma_start3A_488 : memref<1x80xi32, #tpu.memory_space<vmem>> -> memref<80xi32, #tpu.memory_space<vmem>>
        %dma_start3A_490 = arith.constant 0 : i32
        %dma_start3A_491 = arith.constant 0 : i32
        %dma_start3A_492 = tpu.memref_slice %arg14[%dma_start3A_490, %dma_start3A_491] : memref<10112x128xf32, #tpu.memory_space<vmem_shared>> -> memref<10112x128xf32, #tpu.memory_space<vmem_shared>>
        tpu.enqueue_indirect_dma source(%dma_start3A_486 : memref<80x128xf32, #tpu.memory_space<vmem>>) target(%dma_start3A_492 : memref<10112x128xf32, #tpu.memory_space<vmem_shared>>) offsets(%dma_start3A_489 : memref<80xi32, #tpu.memory_space<vmem>>) semaphore(%run_scoped3A_482 : memref<!tpu.dma_semaphore, #tpu.memory_space<semaphore_mem>>) {add = true}
        %dma_wait3A_493 = arith.constant 0 : i32
        %dma_wait3A_494 = arith.constant 0 : i32
        %dma_wait3A_495 = tpu.memref_slice %arg11[%run_scoped3A_480, %dma_wait3A_493, %dma_wait3A_494] : memref<2x80x128xf32, #tpu.memory_space<vmem>> -> memref<1x80x128xf32, #tpu.memory_space<vmem>>
        %dma_wait3A_496 = tpu.memref_squeeze %dma_wait3A_495 : memref<1x80x128xf32, #tpu.memory_space<vmem>> -> memref<80x128xf32, #tpu.memory_space<vmem>>
        %dma_wait3A_497 = arith.constant 0 : i32
        %dma_wait3A_498 = tpu.memref_slice %arg10[%run_scoped3A_481, %dma_wait3A_497] : memref<2x80xi32, #tpu.memory_space<vmem>> -> memref<1x80xi32, #tpu.memory_space<vmem>>
        %dma_wait3A_499 = tpu.memref_squeeze %dma_wait3A_498 : memref<1x80xi32, #tpu.memory_space<vmem>> -> memref<80xi32, #tpu.memory_space<vmem>>
        %dma_wait3A_500 = arith.constant 0 : i32
        %dma_wait3A_501 = arith.constant 0 : i32
        %dma_wait3A_502 = tpu.memref_slice %arg14[%dma_wait3A_500, %dma_wait3A_501] : memref<10112x128xf32, #tpu.memory_space<vmem_shared>> -> memref<10112x128xf32, #tpu.memory_space<vmem_shared>>
        tpu.wait_indirect_dma semaphore(%run_scoped3A_482 : memref<!tpu.dma_semaphore, #tpu.memory_space<semaphore_mem>>) src(%dma_wait3A_496 : memref<80x128xf32, #tpu.memory_space<vmem>>) dst(%dma_wait3A_502 : memref<10112x128xf32, #tpu.memory_space<vmem_shared>>)
        tpu.yield
      }) : () -> ()
    }
    %scan3A_136 = arith.constant 62 : i32
    %barrier3A_137 = arith.constant 0 : index
    tpu.barrier barrier_id(%barrier3A_137)
    %mul3A_138 = arith.constant 10112 : i32
    %mul3A_139 = arith.muli %arg0, %mul3A_138 : i32
    %add3A_140 = arith.constant 0 : i32
    %add3A_141 = arith.addi %mul3A_0, %add3A_140 : i32
    %add3A_142 = arith.addi %mul3A_139, %mul3A_0 : i32
    %add3A_143 = arith.constant 0 : i32
    %add3A_144 = arith.addi %add3A_142, %add3A_143 : i32
    "tpu.region"() ({
      %run_scoped3A_257 = tpu.sem_alloc : memref<!tpu.dma_semaphore, #tpu.memory_space<semaphore_mem>>
      %dma_start3A_258 = arith.constant 0 : i32
      %dma_start3A_259 = tpu.memref_slice %arg7[%add3A_144, %dma_start3A_258] : memref<20224x128xf32, #tpu.memory_space<hbm>> -> memref<80x128xf32, #tpu.memory_space<hbm>>
      %dma_start3A_260 = arith.constant 0 : i32
      %dma_start3A_261 = tpu.memref_slice %arg14[%add3A_141, %dma_start3A_260] : memref<10112x128xf32, #tpu.memory_space<vmem_shared>> -> memref<80x128xf32, #tpu.memory_space<vmem_shared>>
      tpu.enqueue_dma source(%dma_start3A_261 : memref<80x128xf32, #tpu.memory_space<vmem_shared>>) target(%dma_start3A_259 : memref<80x128xf32, #tpu.memory_space<hbm>>) target_semaphore(%run_scoped3A_257 : memref<!tpu.dma_semaphore, #tpu.memory_space<semaphore_mem>>)
      %dma_wait3A_262 = arith.constant 0 : i32
      %dma_wait3A_263 = tpu.memref_slice %arg7[%add3A_144, %dma_wait3A_262] : memref<20224x128xf32, #tpu.memory_space<hbm>> -> memref<80x128xf32, #tpu.memory_space<hbm>>
      %dma_wait3A_264 = arith.constant 0 : i32
      %dma_wait3A_265 = tpu.memref_slice %arg14[%add3A_141, %dma_wait3A_264] : memref<10112x128xf32, #tpu.memory_space<vmem_shared>> -> memref<80x128xf32, #tpu.memory_space<vmem_shared>>
      tpu.wait_dma2 semaphore(%run_scoped3A_257 : memref<!tpu.dma_semaphore, #tpu.memory_space<semaphore_mem>>) src(%dma_wait3A_265 : memref<80x128xf32, #tpu.memory_space<vmem_shared>>) dst(%dma_wait3A_263 : memref<80x128xf32, #tpu.memory_space<hbm>>)
      tpu.yield
    }) : () -> ()
    %add3A_145 = arith.constant 80 : i32
    %add3A_146 = arith.addi %mul3A_0, %add3A_145 : i32
    %add3A_147 = arith.addi %mul3A_139, %mul3A_0 : i32
    %add3A_148 = arith.constant 80 : i32
    %add3A_149 = arith.addi %add3A_147, %add3A_148 : i32
    "tpu.region"() ({
      %run_scoped3A_257 = tpu.sem_alloc : memref<!tpu.dma_semaphore, #tpu.memory_space<semaphore_mem>>
      %dma_start3A_258 = arith.constant 0 : i32
      %dma_start3A_259 = tpu.memref_slice %arg7[%add3A_149, %dma_start3A_258] : memref<20224x128xf32, #tpu.memory_space<hbm>> -> memref<80x128xf32, #tpu.memory_space<hbm>>
      %dma_start3A_260 = arith.constant 0 : i32
      %dma_start3A_261 = tpu.memref_slice %arg14[%add3A_146, %dma_start3A_260] : memref<10112x128xf32, #tpu.memory_space<vmem_shared>> -> memref<80x128xf32, #tpu.memory_space<vmem_shared>>
      tpu.enqueue_dma source(%dma_start3A_261 : memref<80x128xf32, #tpu.memory_space<vmem_shared>>) target(%dma_start3A_259 : memref<80x128xf32, #tpu.memory_space<hbm>>) target_semaphore(%run_scoped3A_257 : memref<!tpu.dma_semaphore, #tpu.memory_space<semaphore_mem>>)
      %dma_wait3A_262 = arith.constant 0 : i32
      %dma_wait3A_263 = tpu.memref_slice %arg7[%add3A_149, %dma_wait3A_262] : memref<20224x128xf32, #tpu.memory_space<hbm>> -> memref<80x128xf32, #tpu.memory_space<hbm>>
      %dma_wait3A_264 = arith.constant 0 : i32
      %dma_wait3A_265 = tpu.memref_slice %arg14[%add3A_146, %dma_wait3A_264] : memref<10112x128xf32, #tpu.memory_space<vmem_shared>> -> memref<80x128xf32, #tpu.memory_space<vmem_shared>>
      tpu.wait_dma2 semaphore(%run_scoped3A_257 : memref<!tpu.dma_semaphore, #tpu.memory_space<semaphore_mem>>) src(%dma_wait3A_265 : memref<80x128xf32, #tpu.memory_space<vmem_shared>>) dst(%dma_wait3A_263 : memref<80x128xf32, #tpu.memory_space<hbm>>)
      tpu.yield
    }) : () -> ()
    %add3A_150 = arith.constant 160 : i32
    %add3A_151 = arith.addi %mul3A_0, %add3A_150 : i32
    %add3A_152 = arith.addi %mul3A_139, %mul3A_0 : i32
    %add3A_153 = arith.constant 160 : i32
    %add3A_154 = arith.addi %add3A_152, %add3A_153 : i32
    "tpu.region"() ({
      %run_scoped3A_257 = tpu.sem_alloc : memref<!tpu.dma_semaphore, #tpu.memory_space<semaphore_mem>>
      %dma_start3A_258 = arith.constant 0 : i32
      %dma_start3A_259 = tpu.memref_slice %arg7[%add3A_154, %dma_start3A_258] : memref<20224x128xf32, #tpu.memory_space<hbm>> -> memref<80x128xf32, #tpu.memory_space<hbm>>
      %dma_start3A_260 = arith.constant 0 : i32
      %dma_start3A_261 = tpu.memref_slice %arg14[%add3A_151, %dma_start3A_260] : memref<10112x128xf32, #tpu.memory_space<vmem_shared>> -> memref<80x128xf32, #tpu.memory_space<vmem_shared>>
      tpu.enqueue_dma source(%dma_start3A_261 : memref<80x128xf32, #tpu.memory_space<vmem_shared>>) target(%dma_start3A_259 : memref<80x128xf32, #tpu.memory_space<hbm>>) target_semaphore(%run_scoped3A_257 : memref<!tpu.dma_semaphore, #tpu.memory_space<semaphore_mem>>)
      %dma_wait3A_262 = arith.constant 0 : i32
      %dma_wait3A_263 = tpu.memref_slice %arg7[%add3A_154, %dma_wait3A_262] : memref<20224x128xf32, #tpu.memory_space<hbm>> -> memref<80x128xf32, #tpu.memory_space<hbm>>
      %dma_wait3A_264 = arith.constant 0 : i32
      %dma_wait3A_265 = tpu.memref_slice %arg14[%add3A_151, %dma_wait3A_264] : memref<10112x128xf32, #tpu.memory_space<vmem_shared>> -> memref<80x128xf32, #tpu.memory_space<vmem_shared>>
      tpu.wait_dma2 semaphore(%run_scoped3A_257 : memref<!tpu.dma_semaphore, #tpu.memory_space<semaphore_mem>>) src(%dma_wait3A_265 : memref<80x128xf32, #tpu.memory_space<vmem_shared>>) dst(%dma_wait3A_263 : memref<80x128xf32, #tpu.memory_space<hbm>>)
      tpu.yield
    }) : () -> ()
    %add3A_155 = arith.constant 240 : i32
    %add3A_156 = arith.addi %mul3A_0, %add3A_155 : i32
    %add3A_157 = arith.addi %mul3A_139, %mul3A_0 : i32
    %add3A_158 = arith.constant 240 : i32
    %add3A_159 = arith.addi %add3A_157, %add3A_158 : i32
    "tpu.region"() ({
      %run_scoped3A_257 = tpu.sem_alloc : memref<!tpu.dma_semaphore, #tpu.memory_space<semaphore_mem>>
      %dma_start3A_258 = arith.constant 0 : i32
      %dma_start3A_259 = tpu.memref_slice %arg7[%add3A_159, %dma_start3A_258] : memref<20224x128xf32, #tpu.memory_space<hbm>> -> memref<80x128xf32, #tpu.memory_space<hbm>>
      %dma_start3A_260 = arith.constant 0 : i32
      %dma_start3A_261 = tpu.memref_slice %arg14[%add3A_156, %dma_start3A_260] : memref<10112x128xf32, #tpu.memory_space<vmem_shared>> -> memref<80x128xf32, #tpu.memory_space<vmem_shared>>
      tpu.enqueue_dma source(%dma_start3A_261 : memref<80x128xf32, #tpu.memory_space<vmem_shared>>) target(%dma_start3A_259 : memref<80x128xf32, #tpu.memory_space<hbm>>) target_semaphore(%run_scoped3A_257 : memref<!tpu.dma_semaphore, #tpu.memory_space<semaphore_mem>>)
      %dma_wait3A_262 = arith.constant 0 : i32
      %dma_wait3A_263 = tpu.memref_slice %arg7[%add3A_159, %dma_wait3A_262] : memref<20224x128xf32, #tpu.memory_space<hbm>> -> memref<80x128xf32, #tpu.memory_space<hbm>>
      %dma_wait3A_264 = arith.constant 0 : i32
      %dma_wait3A_265 = tpu.memref_slice %arg14[%add3A_156, %dma_wait3A_264] : memref<10112x128xf32, #tpu.memory_space<vmem_shared>> -> memref<80x128xf32, #tpu.memory_space<vmem_shared>>
      tpu.wait_dma2 semaphore(%run_scoped3A_257 : memref<!tpu.dma_semaphore, #tpu.memory_space<semaphore_mem>>) src(%dma_wait3A_265 : memref<80x128xf32, #tpu.memory_space<vmem_shared>>) dst(%dma_wait3A_263 : memref<80x128xf32, #tpu.memory_space<hbm>>)
      tpu.yield
    }) : () -> ()
    %add3A_160 = arith.constant 320 : i32
    %add3A_161 = arith.addi %mul3A_0, %add3A_160 : i32
    %add3A_162 = arith.addi %mul3A_139, %mul3A_0 : i32
    %add3A_163 = arith.constant 320 : i32
    %add3A_164 = arith.addi %add3A_162, %add3A_163 : i32
    "tpu.region"() ({
      %run_scoped3A_257 = tpu.sem_alloc : memref<!tpu.dma_semaphore, #tpu.memory_space<semaphore_mem>>
      %dma_start3A_258 = arith.constant 0 : i32
      %dma_start3A_259 = tpu.memref_slice %arg7[%add3A_164, %dma_start3A_258] : memref<20224x128xf32, #tpu.memory_space<hbm>> -> memref<80x128xf32, #tpu.memory_space<hbm>>
      %dma_start3A_260 = arith.constant 0 : i32
      %dma_start3A_261 = tpu.memref_slice %arg14[%add3A_161, %dma_start3A_260] : memref<10112x128xf32, #tpu.memory_space<vmem_shared>> -> memref<80x128xf32, #tpu.memory_space<vmem_shared>>
      tpu.enqueue_dma source(%dma_start3A_261 : memref<80x128xf32, #tpu.memory_space<vmem_shared>>) target(%dma_start3A_259 : memref<80x128xf32, #tpu.memory_space<hbm>>) target_semaphore(%run_scoped3A_257 : memref<!tpu.dma_semaphore, #tpu.memory_space<semaphore_mem>>)
      %dma_wait3A_262 = arith.constant 0 : i32
      %dma_wait3A_263 = tpu.memref_slice %arg7[%add3A_164, %dma_wait3A_262] : memref<20224x128xf32, #tpu.memory_space<hbm>> -> memref<80x128xf32, #tpu.memory_space<hbm>>
      %dma_wait3A_264 = arith.constant 0 : i32
      %dma_wait3A_265 = tpu.memref_slice %arg14[%add3A_161, %dma_wait3A_264] : memref<10112x128xf32, #tpu.memory_space<vmem_shared>> -> memref<80x128xf32, #tpu.memory_space<vmem_shared>>
      tpu.wait_dma2 semaphore(%run_scoped3A_257 : memref<!tpu.dma_semaphore, #tpu.memory_space<semaphore_mem>>) src(%dma_wait3A_265 : memref<80x128xf32, #tpu.memory_space<vmem_shared>>) dst(%dma_wait3A_263 : memref<80x128xf32, #tpu.memory_space<hbm>>)
      tpu.yield
    }) : () -> ()
    %add3A_165 = arith.constant 400 : i32
    %add3A_166 = arith.addi %mul3A_0, %add3A_165 : i32
    %add3A_167 = arith.addi %mul3A_139, %mul3A_0 : i32
    %add3A_168 = arith.constant 400 : i32
    %add3A_169 = arith.addi %add3A_167, %add3A_168 : i32
    "tpu.region"() ({
      %run_scoped3A_257 = tpu.sem_alloc : memref<!tpu.dma_semaphore, #tpu.memory_space<semaphore_mem>>
      %dma_start3A_258 = arith.constant 0 : i32
      %dma_start3A_259 = tpu.memref_slice %arg7[%add3A_169, %dma_start3A_258] : memref<20224x128xf32, #tpu.memory_space<hbm>> -> memref<80x128xf32, #tpu.memory_space<hbm>>
      %dma_start3A_260 = arith.constant 0 : i32
      %dma_start3A_261 = tpu.memref_slice %arg14[%add3A_166, %dma_start3A_260] : memref<10112x128xf32, #tpu.memory_space<vmem_shared>> -> memref<80x128xf32, #tpu.memory_space<vmem_shared>>
      tpu.enqueue_dma source(%dma_start3A_261 : memref<80x128xf32, #tpu.memory_space<vmem_shared>>) target(%dma_start3A_259 : memref<80x128xf32, #tpu.memory_space<hbm>>) target_semaphore(%run_scoped3A_257 : memref<!tpu.dma_semaphore, #tpu.memory_space<semaphore_mem>>)
      %dma_wait3A_262 = arith.constant 0 : i32
      %dma_wait3A_263 = tpu.memref_slice %arg7[%add3A_169, %dma_wait3A_262] : memref<20224x128xf32, #tpu.memory_space<hbm>> -> memref<80x128xf32, #tpu.memory_space<hbm>>
      %dma_wait3A_264 = arith.constant 0 : i32
      %dma_wait3A_265 = tpu.memref_slice %arg14[%add3A_166, %dma_wait3A_264] : memref<10112x128xf32, #tpu.memory_space<vmem_shared>> -> memref<80x128xf32, #tpu.memory_space<vmem_shared>>
      tpu.wait_dma2 semaphore(%run_scoped3A_257 : memref<!tpu.dma_semaphore, #tpu.memory_space<semaphore_mem>>) src(%dma_wait3A_265 : memref<80x128xf32, #tpu.memory_space<vmem_shared>>) dst(%dma_wait3A_263 : memref<80x128xf32, #tpu.memory_space<hbm>>)
      tpu.yield
    }) : () -> ()
    %add3A_170 = arith.constant 480 : i32
    %add3A_171 = arith.addi %mul3A_0, %add3A_170 : i32
    %add3A_172 = arith.addi %mul3A_139, %mul3A_0 : i32
    %add3A_173 = arith.constant 480 : i32
    %add3A_174 = arith.addi %add3A_172, %add3A_173 : i32
    "tpu.region"() ({
      %run_scoped3A_257 = tpu.sem_alloc : memref<!tpu.dma_semaphore, #tpu.memory_space<semaphore_mem>>
      %dma_start3A_258 = arith.constant 0 : i32
      %dma_start3A_259 = tpu.memref_slice %arg7[%add3A_174, %dma_start3A_258] : memref<20224x128xf32, #tpu.memory_space<hbm>> -> memref<80x128xf32, #tpu.memory_space<hbm>>
      %dma_start3A_260 = arith.constant 0 : i32
      %dma_start3A_261 = tpu.memref_slice %arg14[%add3A_171, %dma_start3A_260] : memref<10112x128xf32, #tpu.memory_space<vmem_shared>> -> memref<80x128xf32, #tpu.memory_space<vmem_shared>>
      tpu.enqueue_dma source(%dma_start3A_261 : memref<80x128xf32, #tpu.memory_space<vmem_shared>>) target(%dma_start3A_259 : memref<80x128xf32, #tpu.memory_space<hbm>>) target_semaphore(%run_scoped3A_257 : memref<!tpu.dma_semaphore, #tpu.memory_space<semaphore_mem>>)
      %dma_wait3A_262 = arith.constant 0 : i32
      %dma_wait3A_263 = tpu.memref_slice %arg7[%add3A_174, %dma_wait3A_262] : memref<20224x128xf32, #tpu.memory_space<hbm>> -> memref<80x128xf32, #tpu.memory_space<hbm>>
      %dma_wait3A_264 = arith.constant 0 : i32
      %dma_wait3A_265 = tpu.memref_slice %arg14[%add3A_171, %dma_wait3A_264] : memref<10112x128xf32, #tpu.memory_space<vmem_shared>> -> memref<80x128xf32, #tpu.memory_space<vmem_shared>>
      tpu.wait_dma2 semaphore(%run_scoped3A_257 : memref<!tpu.dma_semaphore, #tpu.memory_space<semaphore_mem>>) src(%dma_wait3A_265 : memref<80x128xf32, #tpu.memory_space<vmem_shared>>) dst(%dma_wait3A_263 : memref<80x128xf32, #tpu.memory_space<hbm>>)
      tpu.yield
    }) : () -> ()
    %add3A_175 = arith.constant 560 : i32
    %add3A_176 = arith.addi %mul3A_0, %add3A_175 : i32
    %add3A_177 = arith.addi %mul3A_139, %add3A_176 : i32
    "tpu.region"() ({
      %run_scoped3A_257 = tpu.sem_alloc : memref<!tpu.dma_semaphore, #tpu.memory_space<semaphore_mem>>
      %dma_start3A_258 = arith.constant 0 : i32
      %dma_start3A_259 = tpu.memref_slice %arg7[%add3A_177, %dma_start3A_258] : memref<20224x128xf32, #tpu.memory_space<hbm>> -> memref<72x128xf32, #tpu.memory_space<hbm>>
      %dma_start3A_260 = arith.constant 0 : i32
      %dma_start3A_261 = tpu.memref_slice %arg14[%add3A_176, %dma_start3A_260] : memref<10112x128xf32, #tpu.memory_space<vmem_shared>> -> memref<72x128xf32, #tpu.memory_space<vmem_shared>>
      tpu.enqueue_dma source(%dma_start3A_261 : memref<72x128xf32, #tpu.memory_space<vmem_shared>>) target(%dma_start3A_259 : memref<72x128xf32, #tpu.memory_space<hbm>>) target_semaphore(%run_scoped3A_257 : memref<!tpu.dma_semaphore, #tpu.memory_space<semaphore_mem>>)
      %dma_wait3A_262 = arith.constant 0 : i32
      %dma_wait3A_263 = tpu.memref_slice %arg7[%add3A_177, %dma_wait3A_262] : memref<20224x128xf32, #tpu.memory_space<hbm>> -> memref<72x128xf32, #tpu.memory_space<hbm>>
      %dma_wait3A_264 = arith.constant 0 : i32
      %dma_wait3A_265 = tpu.memref_slice %arg14[%add3A_176, %dma_wait3A_264] : memref<10112x128xf32, #tpu.memory_space<vmem_shared>> -> memref<72x128xf32, #tpu.memory_space<vmem_shared>>
      tpu.wait_dma2 semaphore(%run_scoped3A_257 : memref<!tpu.dma_semaphore, #tpu.memory_space<semaphore_mem>>) src(%dma_wait3A_265 : memref<72x128xf32, #tpu.memory_space<vmem_shared>>) dst(%dma_wait3A_263 : memref<72x128xf32, #tpu.memory_space<hbm>>)
      tpu.yield
    }) : () -> ()
    %barrier3A_178 = arith.constant 0 : index
    tpu.barrier barrier_id(%barrier3A_178)
    %add3A_179 = arith.constant 0 : i32
    %add3A_180 = arith.addi %mul3A_0, %add3A_179 : i32
    %add3A_181 = arith.constant 0 : i32
    %add3A_182 = arith.addi %mul3A_0, %add3A_181 : i32
    "tpu.region"() ({
      %run_scoped3A_257 = tpu.sem_alloc : memref<!tpu.dma_semaphore, #tpu.memory_space<semaphore_mem>>
      %dma_start3A_258 = arith.constant 0 : i32
      %dma_start3A_259 = tpu.memref_slice %arg14[%add3A_182, %dma_start3A_258] : memref<10112x128xf32, #tpu.memory_space<vmem_shared>> -> memref<80x128xf32, #tpu.memory_space<vmem_shared>>
      %dma_start3A_260 = arith.constant 0 : i32
      %dma_start3A_261 = tpu.memref_slice %arg5[%add3A_180, %dma_start3A_260] : memref<10112x128xf32, #tpu.memory_space<hbm>> -> memref<80x128xf32, #tpu.memory_space<hbm>>
      tpu.enqueue_dma source(%dma_start3A_261 : memref<80x128xf32, #tpu.memory_space<hbm>>) target(%dma_start3A_259 : memref<80x128xf32, #tpu.memory_space<vmem_shared>>) target_semaphore(%run_scoped3A_257 : memref<!tpu.dma_semaphore, #tpu.memory_space<semaphore_mem>>)
      %dma_wait3A_262 = arith.constant 0 : i32
      %dma_wait3A_263 = tpu.memref_slice %arg14[%add3A_182, %dma_wait3A_262] : memref<10112x128xf32, #tpu.memory_space<vmem_shared>> -> memref<80x128xf32, #tpu.memory_space<vmem_shared>>
      %dma_wait3A_264 = arith.constant 0 : i32
      %dma_wait3A_265 = tpu.memref_slice %arg5[%add3A_180, %dma_wait3A_264] : memref<10112x128xf32, #tpu.memory_space<hbm>> -> memref<80x128xf32, #tpu.memory_space<hbm>>
      tpu.wait_dma2 semaphore(%run_scoped3A_257 : memref<!tpu.dma_semaphore, #tpu.memory_space<semaphore_mem>>) src(%dma_wait3A_265 : memref<80x128xf32, #tpu.memory_space<hbm>>) dst(%dma_wait3A_263 : memref<80x128xf32, #tpu.memory_space<vmem_shared>>)
      tpu.yield
    }) : () -> ()
    %add3A_183 = arith.constant 80 : i32
    %add3A_184 = arith.addi %mul3A_0, %add3A_183 : i32
    %add3A_185 = arith.constant 80 : i32
    %add3A_186 = arith.addi %mul3A_0, %add3A_185 : i32
    "tpu.region"() ({
      %run_scoped3A_257 = tpu.sem_alloc : memref<!tpu.dma_semaphore, #tpu.memory_space<semaphore_mem>>
      %dma_start3A_258 = arith.constant 0 : i32
      %dma_start3A_259 = tpu.memref_slice %arg14[%add3A_186, %dma_start3A_258] : memref<10112x128xf32, #tpu.memory_space<vmem_shared>> -> memref<80x128xf32, #tpu.memory_space<vmem_shared>>
      %dma_start3A_260 = arith.constant 0 : i32
      %dma_start3A_261 = tpu.memref_slice %arg5[%add3A_184, %dma_start3A_260] : memref<10112x128xf32, #tpu.memory_space<hbm>> -> memref<80x128xf32, #tpu.memory_space<hbm>>
      tpu.enqueue_dma source(%dma_start3A_261 : memref<80x128xf32, #tpu.memory_space<hbm>>) target(%dma_start3A_259 : memref<80x128xf32, #tpu.memory_space<vmem_shared>>) target_semaphore(%run_scoped3A_257 : memref<!tpu.dma_semaphore, #tpu.memory_space<semaphore_mem>>)
      %dma_wait3A_262 = arith.constant 0 : i32
      %dma_wait3A_263 = tpu.memref_slice %arg14[%add3A_186, %dma_wait3A_262] : memref<10112x128xf32, #tpu.memory_space<vmem_shared>> -> memref<80x128xf32, #tpu.memory_space<vmem_shared>>
      %dma_wait3A_264 = arith.constant 0 : i32
      %dma_wait3A_265 = tpu.memref_slice %arg5[%add3A_184, %dma_wait3A_264] : memref<10112x128xf32, #tpu.memory_space<hbm>> -> memref<80x128xf32, #tpu.memory_space<hbm>>
      tpu.wait_dma2 semaphore(%run_scoped3A_257 : memref<!tpu.dma_semaphore, #tpu.memory_space<semaphore_mem>>) src(%dma_wait3A_265 : memref<80x128xf32, #tpu.memory_space<hbm>>) dst(%dma_wait3A_263 : memref<80x128xf32, #tpu.memory_space<vmem_shared>>)
      tpu.yield
    }) : () -> ()
    %add3A_187 = arith.constant 160 : i32
    %add3A_188 = arith.addi %mul3A_0, %add3A_187 : i32
    %add3A_189 = arith.constant 160 : i32
    %add3A_190 = arith.addi %mul3A_0, %add3A_189 : i32
    "tpu.region"() ({
      %run_scoped3A_257 = tpu.sem_alloc : memref<!tpu.dma_semaphore, #tpu.memory_space<semaphore_mem>>
      %dma_start3A_258 = arith.constant 0 : i32
      %dma_start3A_259 = tpu.memref_slice %arg14[%add3A_190, %dma_start3A_258] : memref<10112x128xf32, #tpu.memory_space<vmem_shared>> -> memref<80x128xf32, #tpu.memory_space<vmem_shared>>
      %dma_start3A_260 = arith.constant 0 : i32
      %dma_start3A_261 = tpu.memref_slice %arg5[%add3A_188, %dma_start3A_260] : memref<10112x128xf32, #tpu.memory_space<hbm>> -> memref<80x128xf32, #tpu.memory_space<hbm>>
      tpu.enqueue_dma source(%dma_start3A_261 : memref<80x128xf32, #tpu.memory_space<hbm>>) target(%dma_start3A_259 : memref<80x128xf32, #tpu.memory_space<vmem_shared>>) target_semaphore(%run_scoped3A_257 : memref<!tpu.dma_semaphore, #tpu.memory_space<semaphore_mem>>)
      %dma_wait3A_262 = arith.constant 0 : i32
      %dma_wait3A_263 = tpu.memref_slice %arg14[%add3A_190, %dma_wait3A_262] : memref<10112x128xf32, #tpu.memory_space<vmem_shared>> -> memref<80x128xf32, #tpu.memory_space<vmem_shared>>
      %dma_wait3A_264 = arith.constant 0 : i32
      %dma_wait3A_265 = tpu.memref_slice %arg5[%add3A_188, %dma_wait3A_264] : memref<10112x128xf32, #tpu.memory_space<hbm>> -> memref<80x128xf32, #tpu.memory_space<hbm>>
      tpu.wait_dma2 semaphore(%run_scoped3A_257 : memref<!tpu.dma_semaphore, #tpu.memory_space<semaphore_mem>>) src(%dma_wait3A_265 : memref<80x128xf32, #tpu.memory_space<hbm>>) dst(%dma_wait3A_263 : memref<80x128xf32, #tpu.memory_space<vmem_shared>>)
      tpu.yield
    }) : () -> ()
    %add3A_191 = arith.constant 240 : i32
    %add3A_192 = arith.addi %mul3A_0, %add3A_191 : i32
    %add3A_193 = arith.constant 240 : i32
    %add3A_194 = arith.addi %mul3A_0, %add3A_193 : i32
    "tpu.region"() ({
      %run_scoped3A_257 = tpu.sem_alloc : memref<!tpu.dma_semaphore, #tpu.memory_space<semaphore_mem>>
      %dma_start3A_258 = arith.constant 0 : i32
      %dma_start3A_259 = tpu.memref_slice %arg14[%add3A_194, %dma_start3A_258] : memref<10112x128xf32, #tpu.memory_space<vmem_shared>> -> memref<80x128xf32, #tpu.memory_space<vmem_shared>>
      %dma_start3A_260 = arith.constant 0 : i32
      %dma_start3A_261 = tpu.memref_slice %arg5[%add3A_192, %dma_start3A_260] : memref<10112x128xf32, #tpu.memory_space<hbm>> -> memref<80x128xf32, #tpu.memory_space<hbm>>
      tpu.enqueue_dma source(%dma_start3A_261 : memref<80x128xf32, #tpu.memory_space<hbm>>) target(%dma_start3A_259 : memref<80x128xf32, #tpu.memory_space<vmem_shared>>) target_semaphore(%run_scoped3A_257 : memref<!tpu.dma_semaphore, #tpu.memory_space<semaphore_mem>>)
      %dma_wait3A_262 = arith.constant 0 : i32
      %dma_wait3A_263 = tpu.memref_slice %arg14[%add3A_194, %dma_wait3A_262] : memref<10112x128xf32, #tpu.memory_space<vmem_shared>> -> memref<80x128xf32, #tpu.memory_space<vmem_shared>>
      %dma_wait3A_264 = arith.constant 0 : i32
      %dma_wait3A_265 = tpu.memref_slice %arg5[%add3A_192, %dma_wait3A_264] : memref<10112x128xf32, #tpu.memory_space<hbm>> -> memref<80x128xf32, #tpu.memory_space<hbm>>
      tpu.wait_dma2 semaphore(%run_scoped3A_257 : memref<!tpu.dma_semaphore, #tpu.memory_space<semaphore_mem>>) src(%dma_wait3A_265 : memref<80x128xf32, #tpu.memory_space<hbm>>) dst(%dma_wait3A_263 : memref<80x128xf32, #tpu.memory_space<vmem_shared>>)
      tpu.yield
    }) : () -> ()
    %add3A_195 = arith.constant 320 : i32
    %add3A_196 = arith.addi %mul3A_0, %add3A_195 : i32
    %add3A_197 = arith.constant 320 : i32
    %add3A_198 = arith.addi %mul3A_0, %add3A_197 : i32
    "tpu.region"() ({
      %run_scoped3A_257 = tpu.sem_alloc : memref<!tpu.dma_semaphore, #tpu.memory_space<semaphore_mem>>
      %dma_start3A_258 = arith.constant 0 : i32
      %dma_start3A_259 = tpu.memref_slice %arg14[%add3A_198, %dma_start3A_258] : memref<10112x128xf32, #tpu.memory_space<vmem_shared>> -> memref<80x128xf32, #tpu.memory_space<vmem_shared>>
      %dma_start3A_260 = arith.constant 0 : i32
      %dma_start3A_261 = tpu.memref_slice %arg5[%add3A_196, %dma_start3A_260] : memref<10112x128xf32, #tpu.memory_space<hbm>> -> memref<80x128xf32, #tpu.memory_space<hbm>>
      tpu.enqueue_dma source(%dma_start3A_261 : memref<80x128xf32, #tpu.memory_space<hbm>>) target(%dma_start3A_259 : memref<80x128xf32, #tpu.memory_space<vmem_shared>>) target_semaphore(%run_scoped3A_257 : memref<!tpu.dma_semaphore, #tpu.memory_space<semaphore_mem>>)
      %dma_wait3A_262 = arith.constant 0 : i32
      %dma_wait3A_263 = tpu.memref_slice %arg14[%add3A_198, %dma_wait3A_262] : memref<10112x128xf32, #tpu.memory_space<vmem_shared>> -> memref<80x128xf32, #tpu.memory_space<vmem_shared>>
      %dma_wait3A_264 = arith.constant 0 : i32
      %dma_wait3A_265 = tpu.memref_slice %arg5[%add3A_196, %dma_wait3A_264] : memref<10112x128xf32, #tpu.memory_space<hbm>> -> memref<80x128xf32, #tpu.memory_space<hbm>>
      tpu.wait_dma2 semaphore(%run_scoped3A_257 : memref<!tpu.dma_semaphore, #tpu.memory_space<semaphore_mem>>) src(%dma_wait3A_265 : memref<80x128xf32, #tpu.memory_space<hbm>>) dst(%dma_wait3A_263 : memref<80x128xf32, #tpu.memory_space<vmem_shared>>)
      tpu.yield
    }) : () -> ()
    %add3A_199 = arith.constant 400 : i32
    %add3A_200 = arith.addi %mul3A_0, %add3A_199 : i32
    %add3A_201 = arith.constant 400 : i32
    %add3A_202 = arith.addi %mul3A_0, %add3A_201 : i32
    "tpu.region"() ({
      %run_scoped3A_257 = tpu.sem_alloc : memref<!tpu.dma_semaphore, #tpu.memory_space<semaphore_mem>>
      %dma_start3A_258 = arith.constant 0 : i32
      %dma_start3A_259 = tpu.memref_slice %arg14[%add3A_202, %dma_start3A_258] : memref<10112x128xf32, #tpu.memory_space<vmem_shared>> -> memref<80x128xf32, #tpu.memory_space<vmem_shared>>
      %dma_start3A_260 = arith.constant 0 : i32
      %dma_start3A_261 = tpu.memref_slice %arg5[%add3A_200, %dma_start3A_260] : memref<10112x128xf32, #tpu.memory_space<hbm>> -> memref<80x128xf32, #tpu.memory_space<hbm>>
      tpu.enqueue_dma source(%dma_start3A_261 : memref<80x128xf32, #tpu.memory_space<hbm>>) target(%dma_start3A_259 : memref<80x128xf32, #tpu.memory_space<vmem_shared>>) target_semaphore(%run_scoped3A_257 : memref<!tpu.dma_semaphore, #tpu.memory_space<semaphore_mem>>)
      %dma_wait3A_262 = arith.constant 0 : i32
      %dma_wait3A_263 = tpu.memref_slice %arg14[%add3A_202, %dma_wait3A_262] : memref<10112x128xf32, #tpu.memory_space<vmem_shared>> -> memref<80x128xf32, #tpu.memory_space<vmem_shared>>
      %dma_wait3A_264 = arith.constant 0 : i32
      %dma_wait3A_265 = tpu.memref_slice %arg5[%add3A_200, %dma_wait3A_264] : memref<10112x128xf32, #tpu.memory_space<hbm>> -> memref<80x128xf32, #tpu.memory_space<hbm>>
      tpu.wait_dma2 semaphore(%run_scoped3A_257 : memref<!tpu.dma_semaphore, #tpu.memory_space<semaphore_mem>>) src(%dma_wait3A_265 : memref<80x128xf32, #tpu.memory_space<hbm>>) dst(%dma_wait3A_263 : memref<80x128xf32, #tpu.memory_space<vmem_shared>>)
      tpu.yield
    }) : () -> ()
    %add3A_203 = arith.constant 480 : i32
    %add3A_204 = arith.addi %mul3A_0, %add3A_203 : i32
    %add3A_205 = arith.constant 480 : i32
    %add3A_206 = arith.addi %mul3A_0, %add3A_205 : i32
    "tpu.region"() ({
      %run_scoped3A_257 = tpu.sem_alloc : memref<!tpu.dma_semaphore, #tpu.memory_space<semaphore_mem>>
      %dma_start3A_258 = arith.constant 0 : i32
      %dma_start3A_259 = tpu.memref_slice %arg14[%add3A_206, %dma_start3A_258] : memref<10112x128xf32, #tpu.memory_space<vmem_shared>> -> memref<80x128xf32, #tpu.memory_space<vmem_shared>>
      %dma_start3A_260 = arith.constant 0 : i32
      %dma_start3A_261 = tpu.memref_slice %arg5[%add3A_204, %dma_start3A_260] : memref<10112x128xf32, #tpu.memory_space<hbm>> -> memref<80x128xf32, #tpu.memory_space<hbm>>
      tpu.enqueue_dma source(%dma_start3A_261 : memref<80x128xf32, #tpu.memory_space<hbm>>) target(%dma_start3A_259 : memref<80x128xf32, #tpu.memory_space<vmem_shared>>) target_semaphore(%run_scoped3A_257 : memref<!tpu.dma_semaphore, #tpu.memory_space<semaphore_mem>>)
      %dma_wait3A_262 = arith.constant 0 : i32
      %dma_wait3A_263 = tpu.memref_slice %arg14[%add3A_206, %dma_wait3A_262] : memref<10112x128xf32, #tpu.memory_space<vmem_shared>> -> memref<80x128xf32, #tpu.memory_space<vmem_shared>>
      %dma_wait3A_264 = arith.constant 0 : i32
      %dma_wait3A_265 = tpu.memref_slice %arg5[%add3A_204, %dma_wait3A_264] : memref<10112x128xf32, #tpu.memory_space<hbm>> -> memref<80x128xf32, #tpu.memory_space<hbm>>
      tpu.wait_dma2 semaphore(%run_scoped3A_257 : memref<!tpu.dma_semaphore, #tpu.memory_space<semaphore_mem>>) src(%dma_wait3A_265 : memref<80x128xf32, #tpu.memory_space<hbm>>) dst(%dma_wait3A_263 : memref<80x128xf32, #tpu.memory_space<vmem_shared>>)
      tpu.yield
    }) : () -> ()
    %add3A_207 = arith.constant 560 : i32
    %add3A_208 = arith.addi %mul3A_0, %add3A_207 : i32
    "tpu.region"() ({
      %run_scoped3A_257 = tpu.sem_alloc : memref<!tpu.dma_semaphore, #tpu.memory_space<semaphore_mem>>
      %dma_start3A_258 = arith.constant 0 : i32
      %dma_start3A_259 = tpu.memref_slice %arg14[%add3A_208, %dma_start3A_258] : memref<10112x128xf32, #tpu.memory_space<vmem_shared>> -> memref<72x128xf32, #tpu.memory_space<vmem_shared>>
      %dma_start3A_260 = arith.constant 0 : i32
      %dma_start3A_261 = tpu.memref_slice %arg5[%add3A_208, %dma_start3A_260] : memref<10112x128xf32, #tpu.memory_space<hbm>> -> memref<72x128xf32, #tpu.memory_space<hbm>>
      tpu.enqueue_dma source(%dma_start3A_261 : memref<72x128xf32, #tpu.memory_space<hbm>>) target(%dma_start3A_259 : memref<72x128xf32, #tpu.memory_space<vmem_shared>>) target_semaphore(%run_scoped3A_257 : memref<!tpu.dma_semaphore, #tpu.memory_space<semaphore_mem>>)
      %dma_wait3A_262 = arith.constant 0 : i32
      %dma_wait3A_263 = tpu.memref_slice %arg14[%add3A_208, %dma_wait3A_262] : memref<10112x128xf32, #tpu.memory_space<vmem_shared>> -> memref<72x128xf32, #tpu.memory_space<vmem_shared>>
      %dma_wait3A_264 = arith.constant 0 : i32
      %dma_wait3A_265 = tpu.memref_slice %arg5[%add3A_208, %dma_wait3A_264] : memref<10112x128xf32, #tpu.memory_space<hbm>> -> memref<72x128xf32, #tpu.memory_space<hbm>>
      tpu.wait_dma2 semaphore(%run_scoped3A_257 : memref<!tpu.dma_semaphore, #tpu.memory_space<semaphore_mem>>) src(%dma_wait3A_265 : memref<72x128xf32, #tpu.memory_space<hbm>>) dst(%dma_wait3A_263 : memref<72x128xf32, #tpu.memory_space<vmem_shared>>)
      tpu.yield
    }) : () -> ()
    "tpu.region"() ({
      %run_scoped3A_257 = tpu.sem_alloc : memref<!tpu.dma_semaphore, #tpu.memory_space<semaphore_mem>>
      tpu.enqueue_dma source(%arg6 : memref<80x128xf32, #tpu.memory_space<hbm>>) target(%arg12 : memref<80x128xf32, #tpu.memory_space<vmem>>) target_semaphore(%run_scoped3A_257 : memref<!tpu.dma_semaphore, #tpu.memory_space<semaphore_mem>>)
      tpu.wait_dma2 semaphore(%run_scoped3A_257 : memref<!tpu.dma_semaphore, #tpu.memory_space<semaphore_mem>>) src(%arg6 : memref<80x128xf32, #tpu.memory_space<hbm>>) dst(%arg12 : memref<80x128xf32, #tpu.memory_space<vmem>>)
      tpu.yield
    }) : () -> ()
    %barrier3A_209 = arith.constant 0 : index
    tpu.barrier barrier_id(%barrier3A_209)
    %scan3A_210 = arith.constant 0 : i32
    %scan3A_211 = arith.constant 0 : i32
    %scan3A_212 = arith.constant 125 : i32
    %scan3A_213 = arith.addi %scan3A_211, %scan3A_212 : i32
    %scan3A_214 = arith.constant 1 : i32
    scf.for %scan3A_257 = %scan3A_211 to %scan3A_213 step %scan3A_214  : i32 {
      %mul3A_258 = arith.constant 80000 : i32
      %mul3A_259 = arith.muli %arg0, %mul3A_258 : i32
      %mul3A_260 = arith.constant 5000 : i32
      %mul3A_261 = arith.muli %arg1, %mul3A_260 : i32
      %add3A_262 = arith.addi %mul3A_259, %mul3A_261 : i32
      %mul3A_263 = arith.constant 40 : i32
      %mul3A_264 = arith.muli %scan3A_257, %mul3A_263 : i32
      %add3A_265 = arith.addi %add3A_262, %mul3A_264 : i32
      %run_scoped3A_266 = arith.constant 0 : i32
      "tpu.region"() ({
        %run_scoped3A_268 = tpu.sem_alloc : memref<!tpu.dma_semaphore, #tpu.memory_space<semaphore_mem>>
        %dma_start3A_269 = arith.constant 0 : i32
        %dma_start3A_270 = tpu.memref_slice %arg13[%run_scoped3A_266, %dma_start3A_269] : memref<1x40xi32, #tpu.memory_space<vmem>> -> memref<1x40xi32, #tpu.memory_space<vmem>>
        %dma_start3A_271 = tpu.memref_squeeze %dma_start3A_270 : memref<1x40xi32, #tpu.memory_space<vmem>> -> memref<40xi32, #tpu.memory_space<vmem>>
        %dma_start3A_272 = tpu.memref_slice %arg4[%add3A_265] : memref<160000xi32, #tpu.memory_space<hbm>> -> memref<40xi32, #tpu.memory_space<hbm>>
        %dma_start3A_273 = arith.constant 0 : i32
        %dma_start3A_274 = tpu.memref_slice %arg13[%run_scoped3A_266, %dma_start3A_273] : memref<1x40xi32, #tpu.memory_space<vmem>> -> memref<1x40xi32, #tpu.memory_space<vmem>>
        %dma_start3A_275 = tpu.memref_squeeze %dma_start3A_274 : memref<1x40xi32, #tpu.memory_space<vmem>> -> memref<40xi32, #tpu.memory_space<vmem>>
        %dma_start3A_276 = tpu.memref_slice %arg4[%add3A_265] : memref<160000xi32, #tpu.memory_space<hbm>> -> memref<40xi32, #tpu.memory_space<hbm>>
        tpu.enqueue_dma source(%dma_start3A_276 : memref<40xi32, #tpu.memory_space<hbm>>) target(%dma_start3A_275 : memref<40xi32, #tpu.memory_space<vmem>>) target_semaphore(%run_scoped3A_268 : memref<!tpu.dma_semaphore, #tpu.memory_space<semaphore_mem>>)
        %dma_wait3A_277 = arith.constant 0 : i32
        %dma_wait3A_278 = tpu.memref_slice %arg13[%run_scoped3A_266, %dma_wait3A_277] : memref<1x40xi32, #tpu.memory_space<vmem>> -> memref<1x40xi32, #tpu.memory_space<vmem>>
        %dma_wait3A_279 = tpu.memref_squeeze %dma_wait3A_278 : memref<1x40xi32, #tpu.memory_space<vmem>> -> memref<40xi32, #tpu.memory_space<vmem>>
        %dma_wait3A_280 = tpu.memref_slice %arg4[%add3A_265] : memref<160000xi32, #tpu.memory_space<hbm>> -> memref<40xi32, #tpu.memory_space<hbm>>
        %dma_wait3A_281 = arith.constant 0 : i32
        %dma_wait3A_282 = tpu.memref_slice %arg13[%run_scoped3A_266, %dma_wait3A_281] : memref<1x40xi32, #tpu.memory_space<vmem>> -> memref<1x40xi32, #tpu.memory_space<vmem>>
        %dma_wait3A_283 = tpu.memref_squeeze %dma_wait3A_282 : memref<1x40xi32, #tpu.memory_space<vmem>> -> memref<40xi32, #tpu.memory_space<vmem>>
        %dma_wait3A_284 = tpu.memref_slice %arg4[%add3A_265] : memref<160000xi32, #tpu.memory_space<hbm>> -> memref<40xi32, #tpu.memory_space<hbm>>
        tpu.wait_dma2 semaphore(%run_scoped3A_268 : memref<!tpu.dma_semaphore, #tpu.memory_space<semaphore_mem>>) src(%dma_wait3A_284 : memref<40xi32, #tpu.memory_space<hbm>>) dst(%dma_wait3A_283 : memref<40xi32, #tpu.memory_space<vmem>>)
        tpu.yield
      }) : () -> ()
      %run_scoped3A_267 = arith.constant 0 : i32
      "tpu.region"() ({
        %run_scoped3A_268 = tpu.sem_alloc : memref<!tpu.dma_semaphore, #tpu.memory_space<semaphore_mem>>
        %dma_start3A_269 = arith.constant 0 : i32
        %dma_start3A_270 = arith.constant 0 : i32
        %dma_start3A_271 = tpu.memref_slice %arg12[%dma_start3A_269, %dma_start3A_270] : memref<80x128xf32, #tpu.memory_space<vmem>> -> memref<40x128xf32, #tpu.memory_space<vmem>>
        %dma_start3A_272 = arith.constant 0 : i32
        %dma_start3A_273 = tpu.memref_slice %arg13[%run_scoped3A_267, %dma_start3A_272] : memref<1x40xi32, #tpu.memory_space<vmem>> -> memref<1x40xi32, #tpu.memory_space<vmem>>
        %dma_start3A_274 = tpu.memref_squeeze %dma_start3A_273 : memref<1x40xi32, #tpu.memory_space<vmem>> -> memref<40xi32, #tpu.memory_space<vmem>>
        %dma_start3A_275 = arith.constant 0 : i32
        %dma_start3A_276 = arith.constant 0 : i32
        %dma_start3A_277 = tpu.memref_slice %arg14[%dma_start3A_275, %dma_start3A_276] : memref<10112x128xf32, #tpu.memory_space<vmem_shared>> -> memref<10112x128xf32, #tpu.memory_space<vmem_shared>>
        tpu.enqueue_indirect_dma source(%dma_start3A_271 : memref<40x128xf32, #tpu.memory_space<vmem>>) target(%dma_start3A_277 : memref<10112x128xf32, #tpu.memory_space<vmem_shared>>) offsets(%dma_start3A_274 : memref<40xi32, #tpu.memory_space<vmem>>) semaphore(%run_scoped3A_268 : memref<!tpu.dma_semaphore, #tpu.memory_space<semaphore_mem>>) {add = true}
        %dma_wait3A_278 = arith.constant 0 : i32
        %dma_wait3A_279 = arith.constant 0 : i32
        %dma_wait3A_280 = tpu.memref_slice %arg12[%dma_wait3A_278, %dma_wait3A_279] : memref<80x128xf32, #tpu.memory_space<vmem>> -> memref<40x128xf32, #tpu.memory_space<vmem>>
        %dma_wait3A_281 = arith.constant 0 : i32
        %dma_wait3A_282 = tpu.memref_slice %arg13[%run_scoped3A_267, %dma_wait3A_281] : memref<1x40xi32, #tpu.memory_space<vmem>> -> memref<1x40xi32, #tpu.memory_space<vmem>>
        %dma_wait3A_283 = tpu.memref_squeeze %dma_wait3A_282 : memref<1x40xi32, #tpu.memory_space<vmem>> -> memref<40xi32, #tpu.memory_space<vmem>>
        %dma_wait3A_284 = arith.constant 0 : i32
        %dma_wait3A_285 = arith.constant 0 : i32
        %dma_wait3A_286 = tpu.memref_slice %arg14[%dma_wait3A_284, %dma_wait3A_285] : memref<10112x128xf32, #tpu.memory_space<vmem_shared>> -> memref<10112x128xf32, #tpu.memory_space<vmem_shared>>
        tpu.wait_indirect_dma semaphore(%run_scoped3A_268 : memref<!tpu.dma_semaphore, #tpu.memory_space<semaphore_mem>>) src(%dma_wait3A_280 : memref<40x128xf32, #tpu.memory_space<vmem>>) dst(%dma_wait3A_286 : memref<10112x128xf32, #tpu.memory_space<vmem_shared>>)
        tpu.yield
      }) : () -> ()
    }
    %scan3A_215 = arith.constant 125 : i32
    %barrier3A_216 = arith.constant 0 : index
    tpu.barrier barrier_id(%barrier3A_216)
    %mul3A_217 = arith.constant 10112 : i32
    %mul3A_218 = arith.muli %arg0, %mul3A_217 : i32
    %add3A_219 = arith.constant 0 : i32
    %add3A_220 = arith.addi %mul3A_0, %add3A_219 : i32
    %add3A_221 = arith.addi %mul3A_218, %mul3A_0 : i32
    %add3A_222 = arith.constant 0 : i32
    %add3A_223 = arith.addi %add3A_221, %add3A_222 : i32
    "tpu.region"() ({
      %run_scoped3A_257 = tpu.sem_alloc : memref<!tpu.dma_semaphore, #tpu.memory_space<semaphore_mem>>
      %dma_start3A_258 = arith.constant 0 : i32
      %dma_start3A_259 = tpu.memref_slice %arg8[%add3A_223, %dma_start3A_258] : memref<20224x128xf32, #tpu.memory_space<hbm>> -> memref<80x128xf32, #tpu.memory_space<hbm>>
      %dma_start3A_260 = arith.constant 0 : i32
      %dma_start3A_261 = tpu.memref_slice %arg14[%add3A_220, %dma_start3A_260] : memref<10112x128xf32, #tpu.memory_space<vmem_shared>> -> memref<80x128xf32, #tpu.memory_space<vmem_shared>>
      tpu.enqueue_dma source(%dma_start3A_261 : memref<80x128xf32, #tpu.memory_space<vmem_shared>>) target(%dma_start3A_259 : memref<80x128xf32, #tpu.memory_space<hbm>>) target_semaphore(%run_scoped3A_257 : memref<!tpu.dma_semaphore, #tpu.memory_space<semaphore_mem>>)
      %dma_wait3A_262 = arith.constant 0 : i32
      %dma_wait3A_263 = tpu.memref_slice %arg8[%add3A_223, %dma_wait3A_262] : memref<20224x128xf32, #tpu.memory_space<hbm>> -> memref<80x128xf32, #tpu.memory_space<hbm>>
      %dma_wait3A_264 = arith.constant 0 : i32
      %dma_wait3A_265 = tpu.memref_slice %arg14[%add3A_220, %dma_wait3A_264] : memref<10112x128xf32, #tpu.memory_space<vmem_shared>> -> memref<80x128xf32, #tpu.memory_space<vmem_shared>>
      tpu.wait_dma2 semaphore(%run_scoped3A_257 : memref<!tpu.dma_semaphore, #tpu.memory_space<semaphore_mem>>) src(%dma_wait3A_265 : memref<80x128xf32, #tpu.memory_space<vmem_shared>>) dst(%dma_wait3A_263 : memref<80x128xf32, #tpu.memory_space<hbm>>)
      tpu.yield
    }) : () -> ()
    %add3A_224 = arith.constant 80 : i32
    %add3A_225 = arith.addi %mul3A_0, %add3A_224 : i32
    %add3A_226 = arith.addi %mul3A_218, %mul3A_0 : i32
    %add3A_227 = arith.constant 80 : i32
    %add3A_228 = arith.addi %add3A_226, %add3A_227 : i32
    "tpu.region"() ({
      %run_scoped3A_257 = tpu.sem_alloc : memref<!tpu.dma_semaphore, #tpu.memory_space<semaphore_mem>>
      %dma_start3A_258 = arith.constant 0 : i32
      %dma_start3A_259 = tpu.memref_slice %arg8[%add3A_228, %dma_start3A_258] : memref<20224x128xf32, #tpu.memory_space<hbm>> -> memref<80x128xf32, #tpu.memory_space<hbm>>
      %dma_start3A_260 = arith.constant 0 : i32
      %dma_start3A_261 = tpu.memref_slice %arg14[%add3A_225, %dma_start3A_260] : memref<10112x128xf32, #tpu.memory_space<vmem_shared>> -> memref<80x128xf32, #tpu.memory_space<vmem_shared>>
      tpu.enqueue_dma source(%dma_start3A_261 : memref<80x128xf32, #tpu.memory_space<vmem_shared>>) target(%dma_start3A_259 : memref<80x128xf32, #tpu.memory_space<hbm>>) target_semaphore(%run_scoped3A_257 : memref<!tpu.dma_semaphore, #tpu.memory_space<semaphore_mem>>)
      %dma_wait3A_262 = arith.constant 0 : i32
      %dma_wait3A_263 = tpu.memref_slice %arg8[%add3A_228, %dma_wait3A_262] : memref<20224x128xf32, #tpu.memory_space<hbm>> -> memref<80x128xf32, #tpu.memory_space<hbm>>
      %dma_wait3A_264 = arith.constant 0 : i32
      %dma_wait3A_265 = tpu.memref_slice %arg14[%add3A_225, %dma_wait3A_264] : memref<10112x128xf32, #tpu.memory_space<vmem_shared>> -> memref<80x128xf32, #tpu.memory_space<vmem_shared>>
      tpu.wait_dma2 semaphore(%run_scoped3A_257 : memref<!tpu.dma_semaphore, #tpu.memory_space<semaphore_mem>>) src(%dma_wait3A_265 : memref<80x128xf32, #tpu.memory_space<vmem_shared>>) dst(%dma_wait3A_263 : memref<80x128xf32, #tpu.memory_space<hbm>>)
      tpu.yield
    }) : () -> ()
    %add3A_229 = arith.constant 160 : i32
    %add3A_230 = arith.addi %mul3A_0, %add3A_229 : i32
    %add3A_231 = arith.addi %mul3A_218, %mul3A_0 : i32
    %add3A_232 = arith.constant 160 : i32
    %add3A_233 = arith.addi %add3A_231, %add3A_232 : i32
    "tpu.region"() ({
      %run_scoped3A_257 = tpu.sem_alloc : memref<!tpu.dma_semaphore, #tpu.memory_space<semaphore_mem>>
      %dma_start3A_258 = arith.constant 0 : i32
      %dma_start3A_259 = tpu.memref_slice %arg8[%add3A_233, %dma_start3A_258] : memref<20224x128xf32, #tpu.memory_space<hbm>> -> memref<80x128xf32, #tpu.memory_space<hbm>>
      %dma_start3A_260 = arith.constant 0 : i32
      %dma_start3A_261 = tpu.memref_slice %arg14[%add3A_230, %dma_start3A_260] : memref<10112x128xf32, #tpu.memory_space<vmem_shared>> -> memref<80x128xf32, #tpu.memory_space<vmem_shared>>
      tpu.enqueue_dma source(%dma_start3A_261 : memref<80x128xf32, #tpu.memory_space<vmem_shared>>) target(%dma_start3A_259 : memref<80x128xf32, #tpu.memory_space<hbm>>) target_semaphore(%run_scoped3A_257 : memref<!tpu.dma_semaphore, #tpu.memory_space<semaphore_mem>>)
      %dma_wait3A_262 = arith.constant 0 : i32
      %dma_wait3A_263 = tpu.memref_slice %arg8[%add3A_233, %dma_wait3A_262] : memref<20224x128xf32, #tpu.memory_space<hbm>> -> memref<80x128xf32, #tpu.memory_space<hbm>>
      %dma_wait3A_264 = arith.constant 0 : i32
      %dma_wait3A_265 = tpu.memref_slice %arg14[%add3A_230, %dma_wait3A_264] : memref<10112x128xf32, #tpu.memory_space<vmem_shared>> -> memref<80x128xf32, #tpu.memory_space<vmem_shared>>
      tpu.wait_dma2 semaphore(%run_scoped3A_257 : memref<!tpu.dma_semaphore, #tpu.memory_space<semaphore_mem>>) src(%dma_wait3A_265 : memref<80x128xf32, #tpu.memory_space<vmem_shared>>) dst(%dma_wait3A_263 : memref<80x128xf32, #tpu.memory_space<hbm>>)
      tpu.yield
    }) : () -> ()
    %add3A_234 = arith.constant 240 : i32
    %add3A_235 = arith.addi %mul3A_0, %add3A_234 : i32
    %add3A_236 = arith.addi %mul3A_218, %mul3A_0 : i32
    %add3A_237 = arith.constant 240 : i32
    %add3A_238 = arith.addi %add3A_236, %add3A_237 : i32
    "tpu.region"() ({
      %run_scoped3A_257 = tpu.sem_alloc : memref<!tpu.dma_semaphore, #tpu.memory_space<semaphore_mem>>
      %dma_start3A_258 = arith.constant 0 : i32
      %dma_start3A_259 = tpu.memref_slice %arg8[%add3A_238, %dma_start3A_258] : memref<20224x128xf32, #tpu.memory_space<hbm>> -> memref<80x128xf32, #tpu.memory_space<hbm>>
      %dma_start3A_260 = arith.constant 0 : i32
      %dma_start3A_261 = tpu.memref_slice %arg14[%add3A_235, %dma_start3A_260] : memref<10112x128xf32, #tpu.memory_space<vmem_shared>> -> memref<80x128xf32, #tpu.memory_space<vmem_shared>>
      tpu.enqueue_dma source(%dma_start3A_261 : memref<80x128xf32, #tpu.memory_space<vmem_shared>>) target(%dma_start3A_259 : memref<80x128xf32, #tpu.memory_space<hbm>>) target_semaphore(%run_scoped3A_257 : memref<!tpu.dma_semaphore, #tpu.memory_space<semaphore_mem>>)
      %dma_wait3A_262 = arith.constant 0 : i32
      %dma_wait3A_263 = tpu.memref_slice %arg8[%add3A_238, %dma_wait3A_262] : memref<20224x128xf32, #tpu.memory_space<hbm>> -> memref<80x128xf32, #tpu.memory_space<hbm>>
      %dma_wait3A_264 = arith.constant 0 : i32
      %dma_wait3A_265 = tpu.memref_slice %arg14[%add3A_235, %dma_wait3A_264] : memref<10112x128xf32, #tpu.memory_space<vmem_shared>> -> memref<80x128xf32, #tpu.memory_space<vmem_shared>>
      tpu.wait_dma2 semaphore(%run_scoped3A_257 : memref<!tpu.dma_semaphore, #tpu.memory_space<semaphore_mem>>) src(%dma_wait3A_265 : memref<80x128xf32, #tpu.memory_space<vmem_shared>>) dst(%dma_wait3A_263 : memref<80x128xf32, #tpu.memory_space<hbm>>)
      tpu.yield
    }) : () -> ()
    %add3A_239 = arith.constant 320 : i32
    %add3A_240 = arith.addi %mul3A_0, %add3A_239 : i32
    %add3A_241 = arith.addi %mul3A_218, %mul3A_0 : i32
    %add3A_242 = arith.constant 320 : i32
    %add3A_243 = arith.addi %add3A_241, %add3A_242 : i32
    "tpu.region"() ({
      %run_scoped3A_257 = tpu.sem_alloc : memref<!tpu.dma_semaphore, #tpu.memory_space<semaphore_mem>>
      %dma_start3A_258 = arith.constant 0 : i32
      %dma_start3A_259 = tpu.memref_slice %arg8[%add3A_243, %dma_start3A_258] : memref<20224x128xf32, #tpu.memory_space<hbm>> -> memref<80x128xf32, #tpu.memory_space<hbm>>
      %dma_start3A_260 = arith.constant 0 : i32
      %dma_start3A_261 = tpu.memref_slice %arg14[%add3A_240, %dma_start3A_260] : memref<10112x128xf32, #tpu.memory_space<vmem_shared>> -> memref<80x128xf32, #tpu.memory_space<vmem_shared>>
      tpu.enqueue_dma source(%dma_start3A_261 : memref<80x128xf32, #tpu.memory_space<vmem_shared>>) target(%dma_start3A_259 : memref<80x128xf32, #tpu.memory_space<hbm>>) target_semaphore(%run_scoped3A_257 : memref<!tpu.dma_semaphore, #tpu.memory_space<semaphore_mem>>)
      %dma_wait3A_262 = arith.constant 0 : i32
      %dma_wait3A_263 = tpu.memref_slice %arg8[%add3A_243, %dma_wait3A_262] : memref<20224x128xf32, #tpu.memory_space<hbm>> -> memref<80x128xf32, #tpu.memory_space<hbm>>
      %dma_wait3A_264 = arith.constant 0 : i32
      %dma_wait3A_265 = tpu.memref_slice %arg14[%add3A_240, %dma_wait3A_264] : memref<10112x128xf32, #tpu.memory_space<vmem_shared>> -> memref<80x128xf32, #tpu.memory_space<vmem_shared>>
      tpu.wait_dma2 semaphore(%run_scoped3A_257 : memref<!tpu.dma_semaphore, #tpu.memory_space<semaphore_mem>>) src(%dma_wait3A_265 : memref<80x128xf32, #tpu.memory_space<vmem_shared>>) dst(%dma_wait3A_263 : memref<80x128xf32, #tpu.memory_space<hbm>>)
      tpu.yield
    }) : () -> ()
    %add3A_244 = arith.constant 400 : i32
    %add3A_245 = arith.addi %mul3A_0, %add3A_244 : i32
    %add3A_246 = arith.addi %mul3A_218, %mul3A_0 : i32
    %add3A_247 = arith.constant 400 : i32
    %add3A_248 = arith.addi %add3A_246, %add3A_247 : i32
    "tpu.region"() ({
      %run_scoped3A_257 = tpu.sem_alloc : memref<!tpu.dma_semaphore, #tpu.memory_space<semaphore_mem>>
      %dma_start3A_258 = arith.constant 0 : i32
      %dma_start3A_259 = tpu.memref_slice %arg8[%add3A_248, %dma_start3A_258] : memref<20224x128xf32, #tpu.memory_space<hbm>> -> memref<80x128xf32, #tpu.memory_space<hbm>>
      %dma_start3A_260 = arith.constant 0 : i32
      %dma_start3A_261 = tpu.memref_slice %arg14[%add3A_245, %dma_start3A_260] : memref<10112x128xf32, #tpu.memory_space<vmem_shared>> -> memref<80x128xf32, #tpu.memory_space<vmem_shared>>
      tpu.enqueue_dma source(%dma_start3A_261 : memref<80x128xf32, #tpu.memory_space<vmem_shared>>) target(%dma_start3A_259 : memref<80x128xf32, #tpu.memory_space<hbm>>) target_semaphore(%run_scoped3A_257 : memref<!tpu.dma_semaphore, #tpu.memory_space<semaphore_mem>>)
      %dma_wait3A_262 = arith.constant 0 : i32
      %dma_wait3A_263 = tpu.memref_slice %arg8[%add3A_248, %dma_wait3A_262] : memref<20224x128xf32, #tpu.memory_space<hbm>> -> memref<80x128xf32, #tpu.memory_space<hbm>>
      %dma_wait3A_264 = arith.constant 0 : i32
      %dma_wait3A_265 = tpu.memref_slice %arg14[%add3A_245, %dma_wait3A_264] : memref<10112x128xf32, #tpu.memory_space<vmem_shared>> -> memref<80x128xf32, #tpu.memory_space<vmem_shared>>
      tpu.wait_dma2 semaphore(%run_scoped3A_257 : memref<!tpu.dma_semaphore, #tpu.memory_space<semaphore_mem>>) src(%dma_wait3A_265 : memref<80x128xf32, #tpu.memory_space<vmem_shared>>) dst(%dma_wait3A_263 : memref<80x128xf32, #tpu.memory_space<hbm>>)
      tpu.yield
    }) : () -> ()
    %add3A_249 = arith.constant 480 : i32
    %add3A_250 = arith.addi %mul3A_0, %add3A_249 : i32
    %add3A_251 = arith.addi %mul3A_218, %mul3A_0 : i32
    %add3A_252 = arith.constant 480 : i32
    %add3A_253 = arith.addi %add3A_251, %add3A_252 : i32
    "tpu.region"() ({
      %run_scoped3A_257 = tpu.sem_alloc : memref<!tpu.dma_semaphore, #tpu.memory_space<semaphore_mem>>
      %dma_start3A_258 = arith.constant 0 : i32
      %dma_start3A_259 = tpu.memref_slice %arg8[%add3A_253, %dma_start3A_258] : memref<20224x128xf32, #tpu.memory_space<hbm>> -> memref<80x128xf32, #tpu.memory_space<hbm>>
      %dma_start3A_260 = arith.constant 0 : i32
      %dma_start3A_261 = tpu.memref_slice %arg14[%add3A_250, %dma_start3A_260] : memref<10112x128xf32, #tpu.memory_space<vmem_shared>> -> memref<80x128xf32, #tpu.memory_space<vmem_shared>>
      tpu.enqueue_dma source(%dma_start3A_261 : memref<80x128xf32, #tpu.memory_space<vmem_shared>>) target(%dma_start3A_259 : memref<80x128xf32, #tpu.memory_space<hbm>>) target_semaphore(%run_scoped3A_257 : memref<!tpu.dma_semaphore, #tpu.memory_space<semaphore_mem>>)
      %dma_wait3A_262 = arith.constant 0 : i32
      %dma_wait3A_263 = tpu.memref_slice %arg8[%add3A_253, %dma_wait3A_262] : memref<20224x128xf32, #tpu.memory_space<hbm>> -> memref<80x128xf32, #tpu.memory_space<hbm>>
      %dma_wait3A_264 = arith.constant 0 : i32
      %dma_wait3A_265 = tpu.memref_slice %arg14[%add3A_250, %dma_wait3A_264] : memref<10112x128xf32, #tpu.memory_space<vmem_shared>> -> memref<80x128xf32, #tpu.memory_space<vmem_shared>>
      tpu.wait_dma2 semaphore(%run_scoped3A_257 : memref<!tpu.dma_semaphore, #tpu.memory_space<semaphore_mem>>) src(%dma_wait3A_265 : memref<80x128xf32, #tpu.memory_space<vmem_shared>>) dst(%dma_wait3A_263 : memref<80x128xf32, #tpu.memory_space<hbm>>)
      tpu.yield
    }) : () -> ()
    %add3A_254 = arith.constant 560 : i32
    %add3A_255 = arith.addi %mul3A_0, %add3A_254 : i32
    %add3A_256 = arith.addi %mul3A_218, %add3A_255 : i32
    "tpu.region"() ({
      %run_scoped3A_257 = tpu.sem_alloc : memref<!tpu.dma_semaphore, #tpu.memory_space<semaphore_mem>>
      %dma_start3A_258 = arith.constant 0 : i32
      %dma_start3A_259 = tpu.memref_slice %arg8[%add3A_256, %dma_start3A_258] : memref<20224x128xf32, #tpu.memory_space<hbm>> -> memref<72x128xf32, #tpu.memory_space<hbm>>
      %dma_start3A_260 = arith.constant 0 : i32
      %dma_start3A_261 = tpu.memref_slice %arg14[%add3A_255, %dma_start3A_260] : memref<10112x128xf32, #tpu.memory_space<vmem_shared>> -> memref<72x128xf32, #tpu.memory_space<vmem_shared>>
      tpu.enqueue_dma source(%dma_start3A_261 : memref<72x128xf32, #tpu.memory_space<vmem_shared>>) target(%dma_start3A_259 : memref<72x128xf32, #tpu.memory_space<hbm>>) target_semaphore(%run_scoped3A_257 : memref<!tpu.dma_semaphore, #tpu.memory_space<semaphore_mem>>)
      %dma_wait3A_262 = arith.constant 0 : i32
      %dma_wait3A_263 = tpu.memref_slice %arg8[%add3A_256, %dma_wait3A_262] : memref<20224x128xf32, #tpu.memory_space<hbm>> -> memref<72x128xf32, #tpu.memory_space<hbm>>
      %dma_wait3A_264 = arith.constant 0 : i32
      %dma_wait3A_265 = tpu.memref_slice %arg14[%add3A_255, %dma_wait3A_264] : memref<10112x128xf32, #tpu.memory_space<vmem_shared>> -> memref<72x128xf32, #tpu.memory_space<vmem_shared>>
      tpu.wait_dma2 semaphore(%run_scoped3A_257 : memref<!tpu.dma_semaphore, #tpu.memory_space<semaphore_mem>>) src(%dma_wait3A_265 : memref<72x128xf32, #tpu.memory_space<vmem_shared>>) dst(%dma_wait3A_263 : memref<72x128xf32, #tpu.memory_space<hbm>>)
      tpu.yield
    }) : () -> ()
    return
  }
}

module attributes {stable_mosaic.version = 14 : i64} {
  func.func @body(%arg0: i32, %arg1: memref<1000x128xf32, #tpu.memory_space<vmem>>, %arg2: memref<1000x128xf32, #tpu.memory_space<vmem>>, %arg3: memref<1000x256xf32, #tpu.memory_space<vmem>>, %arg4: memref<1000x128xf32, #tpu.memory_space<vmem>>, %arg5: memref<1000x128xf32, #tpu.memory_space<vmem>>, %arg6: memref<512x256xf32, #tpu.memory_space<vmem>>, %arg7: memref<1000x256xf32, #tpu.memory_space<vmem>>, %arg8: memref<1x1x1000xi32, #tpu.memory_space<vmem>>) attributes {dimension_semantics = [#tpu.dimension_semantics<arbitrary>], iteration_bounds = array<i64: 10>, scalar_prefetch = 0 : i64, scratch_operands = 0 : i64, tpu.core_type = #tpu.core_type<tc>, window_params = [{transform_indices = @transform_0, window_bounds = array<i64: 1000, 128>}, {transform_indices = @transform_1, window_bounds = array<i64: 1000, 128>}, {transform_indices = @transform_2, window_bounds = array<i64: 1000, 256>}, {transform_indices = @transform_3, window_bounds = array<i64: 1000, 128>}, {transform_indices = @transform_4, window_bounds = array<i64: 1000, 128>}, {pipeline_mode = #tpu.pipeline_mode<synchronous>, transform_indices = @transform_5, window_bounds = array<i64: 512, 256>}, {transform_indices = @transform_6, window_bounds = array<i64: 1000, 256>}, {transform_indices = @transform_7, window_bounds = array<i64: 1, 1, 1000>}]} {
    %get3A = arith.constant 0 : index
    %get3A_0 = arith.constant 0 : index
    %get3A_1 = vector.load %arg4[%get3A, %get3A_0] : memref<1000x128xf32, #tpu.memory_space<vmem>>, vector<1000x1xf32>
    %get3A_2 = arith.constant 0 : index
    %get3A_3 = arith.constant 0 : index
    %get3A_4 = vector.load %arg5[%get3A_2, %get3A_3] : memref<1000x128xf32, #tpu.memory_space<vmem>>, vector<1000x1xf32>
    %add3A = arith.addf %get3A_1, %get3A_4 : vector<1000x1xf32>
    %add3A_5 = arith.constant 1.000000e+00 : f32
    %add3A_6 = vector.broadcast %add3A_5 : f32 to vector<1000x1xf32>
    %add3A_7 = arith.addf %add3A, %add3A_6 : vector<1000x1xf32>
    %get3A_8 = arith.constant 0 : index
    %get3A_9 = arith.constant 0 : index
    %get3A_10 = vector.load %arg1[%get3A_8, %get3A_9] : memref<1000x128xf32, #tpu.memory_space<vmem>>, vector<1000x128xf32>
    %get3A_11 = arith.constant 0 : index
    %get3A_12 = arith.constant 0 : index
    %get3A_13 = vector.load %arg2[%get3A_11, %get3A_12] : memref<1000x128xf32, #tpu.memory_space<vmem>>, vector<1000x128xf32>
    %concatenate3A = tpu.concatenate %get3A_10, %get3A_13 in 1 : vector<1000x128xf32>, vector<1000x128xf32> -> vector<1000x256xf32>
    %get3A_14 = arith.constant 0 : index
    %get3A_15 = arith.constant 0 : index
    %get3A_16 = vector.load %arg3[%get3A_14, %get3A_15] : memref<1000x256xf32, #tpu.memory_space<vmem>>, vector<1000x256xf32>
    %add3A_17 = arith.addf %concatenate3A, %get3A_16 : vector<1000x256xf32>
    %div3A = vector.broadcast %add3A_7 : vector<1000x1xf32> to vector<1000x256xf32>
    %div3A_18 = arith.divf %add3A_17, %div3A : vector<1000x256xf32>
    %swap3A = arith.constant 0 : index
    %swap3A_19 = arith.constant 0 : index
    %swap3A_20 = vector.load %arg7[%swap3A, %swap3A_19] : memref<1000x256xf32, #tpu.memory_space<vmem>>, vector<1000x256xf32>
    tpu.vector_store %arg7[%swap3A, %swap3A_19], %div3A_18 {strides = array<i32>} : memref<1000x256xf32, #tpu.memory_space<vmem>>, vector<1000x256xf32>,
    %get3A_21 = arith.constant 0 : index
    %get3A_22 = arith.constant 0 : index
    %get3A_23 = vector.load %arg6[%get3A_21, %get3A_22] : memref<512x256xf32, #tpu.memory_space<vmem>>, vector<512x256xf32>
    %dot_general3A = arith.constant dense<0.000000e+00> : vector<1000x512xf32>
    %dot_general3A_24 = tpu.matmul %div3A_18, %get3A_23, %dot_general3A {dimension_numbers = #tpu.dot_dimension_numbers<[1], [1], [0], [0], [0, 0, 1, 0], [], []>, transpose_lhs_hint = false} : vector<1000x256xf32>, vector<512x256xf32>, vector<1000x512xf32> -> vector<1000x512xf32>
    %argmax3A = tpu.reduce_index %dot_general3A_24 {axis = 1 : i32, kind = #tpu.reduction_kind<arg_max>} : vector<1000x512xf32> -> vector<1000xi32>
    %reshape3A = vector.shape_cast %argmax3A : vector<1000xi32> to vector<1x1x1000xi32>
    %swap3A_25 = arith.constant 0 : index
    %swap3A_26 = arith.constant 0 : index
    %swap3A_27 = arith.constant 0 : index
    %swap3A_28 = vector.load %arg8[%swap3A_25, %swap3A_26, %swap3A_27] : memref<1x1x1000xi32, #tpu.memory_space<vmem>>, vector<1x1x1000xi32>
    tpu.vector_store %arg8[%swap3A_25, %swap3A_26, %swap3A_27], %reshape3A {strides = array<i32>} : memref<1x1x1000xi32, #tpu.memory_space<vmem>>, vector<1x1x1000xi32>,
    return
  }
  func.func @transform_0(%arg0: i32) -> (i32, i32) {
    %c0_i32 = arith.constant 0 : i32
    %c0_i32_0 = arith.constant 0 : i32
    return %arg0, %c0_i32 : i32, i32
  }
  func.func @transform_1(%arg0: i32) -> (i32, i32) {
    %c0_i32 = arith.constant 0 : i32
    %c0_i32_0 = arith.constant 0 : i32
    return %arg0, %c0_i32 : i32, i32
  }
  func.func @transform_2(%arg0: i32) -> (i32, i32) {
    %c0_i32 = arith.constant 0 : i32
    %c0_i32_0 = arith.constant 0 : i32
    return %arg0, %c0_i32 : i32, i32
  }
  func.func @transform_3(%arg0: i32) -> (i32, i32) {
    %c0_i32 = arith.constant 0 : i32
    %c0_i32_0 = arith.constant 0 : i32
    return %arg0, %c0_i32 : i32, i32
  }
  func.func @transform_4(%arg0: i32) -> (i32, i32) {
    %c0_i32 = arith.constant 0 : i32
    %c0_i32_0 = arith.constant 0 : i32
    return %arg0, %c0_i32 : i32, i32
  }
  func.func @transform_5(%arg0: i32) -> (i32, i32) {
    %c0_i32 = arith.constant 0 : i32
    %c0_i32_0 = arith.constant 0 : i32
    %c0_i32_1 = arith.constant 0 : i32
    return %c0_i32, %c0_i32_0 : i32, i32
  }
  func.func @transform_6(%arg0: i32) -> (i32, i32) {
    %c0_i32 = arith.constant 0 : i32
    %c0_i32_0 = arith.constant 0 : i32
    return %arg0, %c0_i32 : i32, i32
  }
  func.func @transform_7(%arg0: i32) -> (i32, i32, i32) {
    %c0_i32 = arith.constant 0 : i32
    %c0_i32_0 = arith.constant 0 : i32
    %c0_i32_1 = arith.constant 0 : i32
    return %arg0, %c0_i32, %c0_i32_0 : i32, i32, i32
  }
}

module attributes {stable_mosaic.version = 14 : i64} {
  func.func @body(%arg0: i32, %arg1: memref<10000xi32, #tpu.memory_space<smem>>, %arg2: memref<16x1x256xf32, #tpu.memory_space<vmem>>, %arg3: memref<1x40x256xf32, #tpu.memory_space<vmem>>, %arg4: memref<1x40x256xf32, #tpu.memory_space<vmem>>, %arg5: memref<1x40x256xf32, #tpu.memory_space<vmem>>, %arg6: memref<1x40x256xf32, #tpu.memory_space<vmem>>, %arg7: memref<1x40x256xf32, #tpu.memory_space<vmem>>, %arg8: memref<1x40x256xf32, #tpu.memory_space<vmem>>, %arg9: memref<1x40x256xf32, #tpu.memory_space<vmem>>, %arg10: memref<1x40x256xf32, #tpu.memory_space<vmem>>, %arg11: memref<1x40x256xf32, #tpu.memory_space<vmem>>, %arg12: memref<1x40x256xf32, #tpu.memory_space<vmem>>, %arg13: memref<1x40x256xf32, #tpu.memory_space<vmem>>, %arg14: memref<1x40x256xf32, #tpu.memory_space<vmem>>, %arg15: memref<1x40x256xf32, #tpu.memory_space<vmem>>, %arg16: memref<1x40x256xf32, #tpu.memory_space<vmem>>, %arg17: memref<1x40x256xf32, #tpu.memory_space<vmem>>, %arg18: memref<1x40x256xf32, #tpu.memory_space<vmem>>, %arg19: memref<16x1x40xf32, #tpu.memory_space<vmem>>) attributes {dimension_semantics = [#tpu.dimension_semantics<arbitrary>], iteration_bounds = array<i64: 625>, scalar_prefetch = 1 : i64, scratch_operands = 0 : i64, tpu.core_type = #tpu.core_type<tc>, window_params = [{transform_indices = @transform_0, window_bounds = array<i64: 16, 1, 256>}, {transform_indices = @transform_1, window_bounds = array<i64: 1, 40, 256>}, {transform_indices = @transform_2, window_bounds = array<i64: 1, 40, 256>}, {transform_indices = @transform_3, window_bounds = array<i64: 1, 40, 256>}, {transform_indices = @transform_4, window_bounds = array<i64: 1, 40, 256>}, {transform_indices = @transform_5, window_bounds = array<i64: 1, 40, 256>}, {transform_indices = @transform_6, window_bounds = array<i64: 1, 40, 256>}, {transform_indices = @transform_7, window_bounds = array<i64: 1, 40, 256>}, {transform_indices = @transform_8, window_bounds = array<i64: 1, 40, 256>}, {transform_indices = @transform_9, window_bounds = array<i64: 1, 40, 256>}, {transform_indices = @transform_10, window_bounds = array<i64: 1, 40, 256>}, {transform_indices = @transform_11, window_bounds = array<i64: 1, 40, 256>}, {transform_indices = @transform_12, window_bounds = array<i64: 1, 40, 256>}, {transform_indices = @transform_13, window_bounds = array<i64: 1, 40, 256>}, {transform_indices = @transform_14, window_bounds = array<i64: 1, 40, 256>}, {transform_indices = @transform_15, window_bounds = array<i64: 1, 40, 256>}, {transform_indices = @transform_16, window_bounds = array<i64: 1, 40, 256>}, {transform_indices = @transform_17, window_bounds = array<i64: 16, 1, 40>}]} {
    %get3A = arith.constant 0 : index
    %get3A_0 = arith.constant 0 : index
    %get3A_1 = arith.constant 0 : index
    %get3A_2 = vector.load %arg2[%get3A, %get3A_0, %get3A_1] : memref<16x1x256xf32, #tpu.memory_space<vmem>>, vector<1x1x256xf32>
    %get3A_3 = vector.shape_cast %get3A_2 : vector<1x1x256xf32> to vector<1x256xf32>
    %get3A_4 = arith.constant 0 : index
    %get3A_5 = arith.constant 0 : index
    %get3A_6 = arith.constant 0 : index
    %get3A_7 = vector.load %arg3[%get3A_4, %get3A_5, %get3A_6] : memref<1x40x256xf32, #tpu.memory_space<vmem>>, vector<1x40x256xf32>
    %get3A_8 = vector.shape_cast %get3A_7 : vector<1x40x256xf32> to vector<40x256xf32>
    %dot_general3A = arith.constant dense<0.000000e+00> : vector<1x40xf32>
    %dot_general3A_9 = tpu.matmul %get3A_3, %get3A_8, %dot_general3A {dimension_numbers = #tpu.dot_dimension_numbers<[1], [1], [0], [0], [0, 0, 1, 0], [], []>, transpose_lhs_hint = false} : vector<1x256xf32>, vector<40x256xf32>, vector<1x40xf32> -> vector<1x40xf32>
    %swap3A = arith.constant 0 : index
    %swap3A_10 = arith.constant 0 : index
    %swap3A_11 = arith.constant 0 : index
    %swap3A_12 = vector.load %arg19[%swap3A, %swap3A_10, %swap3A_11] : memref<16x1x40xf32, #tpu.memory_space<vmem>>, vector<1x1x40xf32>
    %swap3A_13 = vector.shape_cast %swap3A_12 : vector<1x1x40xf32> to vector<1x40xf32>
    %swap3A_14 = vector.shape_cast %dot_general3A_9 : vector<1x40xf32> to vector<1x1x40xf32>
    tpu.vector_store %arg19[%swap3A, %swap3A_10, %swap3A_11], %swap3A_14 {strides = array<i32>} : memref<16x1x40xf32, #tpu.memory_space<vmem>>, vector<1x1x40xf32>,
    %get3A_15 = arith.constant 1 : index
    %get3A_16 = arith.constant 0 : index
    %get3A_17 = arith.constant 0 : index
    %get3A_18 = vector.load %arg2[%get3A_15, %get3A_16, %get3A_17] : memref<16x1x256xf32, #tpu.memory_space<vmem>>, vector<1x1x256xf32>
    %get3A_19 = vector.shape_cast %get3A_18 : vector<1x1x256xf32> to vector<1x256xf32>
    %get3A_20 = arith.constant 0 : index
    %get3A_21 = arith.constant 0 : index
    %get3A_22 = arith.constant 0 : index
    %get3A_23 = vector.load %arg4[%get3A_20, %get3A_21, %get3A_22] : memref<1x40x256xf32, #tpu.memory_space<vmem>>, vector<1x40x256xf32>
    %get3A_24 = vector.shape_cast %get3A_23 : vector<1x40x256xf32> to vector<40x256xf32>
    %dot_general3A_25 = arith.constant dense<0.000000e+00> : vector<1x40xf32>
    %dot_general3A_26 = tpu.matmul %get3A_19, %get3A_24, %dot_general3A_25 {dimension_numbers = #tpu.dot_dimension_numbers<[1], [1], [0], [0], [0, 0, 1, 0], [], []>, transpose_lhs_hint = false} : vector<1x256xf32>, vector<40x256xf32>, vector<1x40xf32> -> vector<1x40xf32>
    %swap3A_27 = arith.constant 1 : index
    %swap3A_28 = arith.constant 0 : index
    %swap3A_29 = arith.constant 0 : index
    %swap3A_30 = vector.load %arg19[%swap3A_27, %swap3A_28, %swap3A_29] : memref<16x1x40xf32, #tpu.memory_space<vmem>>, vector<1x1x40xf32>
    %swap3A_31 = vector.shape_cast %swap3A_30 : vector<1x1x40xf32> to vector<1x40xf32>
    %swap3A_32 = vector.shape_cast %dot_general3A_26 : vector<1x40xf32> to vector<1x1x40xf32>
    tpu.vector_store %arg19[%swap3A_27, %swap3A_28, %swap3A_29], %swap3A_32 {strides = array<i32>} : memref<16x1x40xf32, #tpu.memory_space<vmem>>, vector<1x1x40xf32>,
    %get3A_33 = arith.constant 2 : index
    %get3A_34 = arith.constant 0 : index
    %get3A_35 = arith.constant 0 : index
    %get3A_36 = vector.load %arg2[%get3A_33, %get3A_34, %get3A_35] : memref<16x1x256xf32, #tpu.memory_space<vmem>>, vector<1x1x256xf32>
    %get3A_37 = vector.shape_cast %get3A_36 : vector<1x1x256xf32> to vector<1x256xf32>
    %get3A_38 = arith.constant 0 : index
    %get3A_39 = arith.constant 0 : index
    %get3A_40 = arith.constant 0 : index
    %get3A_41 = vector.load %arg5[%get3A_38, %get3A_39, %get3A_40] : memref<1x40x256xf32, #tpu.memory_space<vmem>>, vector<1x40x256xf32>
    %get3A_42 = vector.shape_cast %get3A_41 : vector<1x40x256xf32> to vector<40x256xf32>
    %dot_general3A_43 = arith.constant dense<0.000000e+00> : vector<1x40xf32>
    %dot_general3A_44 = tpu.matmul %get3A_37, %get3A_42, %dot_general3A_43 {dimension_numbers = #tpu.dot_dimension_numbers<[1], [1], [0], [0], [0, 0, 1, 0], [], []>, transpose_lhs_hint = false} : vector<1x256xf32>, vector<40x256xf32>, vector<1x40xf32> -> vector<1x40xf32>
    %swap3A_45 = arith.constant 2 : index
    %swap3A_46 = arith.constant 0 : index
    %swap3A_47 = arith.constant 0 : index
    %swap3A_48 = vector.load %arg19[%swap3A_45, %swap3A_46, %swap3A_47] : memref<16x1x40xf32, #tpu.memory_space<vmem>>, vector<1x1x40xf32>
    %swap3A_49 = vector.shape_cast %swap3A_48 : vector<1x1x40xf32> to vector<1x40xf32>
    %swap3A_50 = vector.shape_cast %dot_general3A_44 : vector<1x40xf32> to vector<1x1x40xf32>
    tpu.vector_store %arg19[%swap3A_45, %swap3A_46, %swap3A_47], %swap3A_50 {strides = array<i32>} : memref<16x1x40xf32, #tpu.memory_space<vmem>>, vector<1x1x40xf32>,
    %get3A_51 = arith.constant 3 : index
    %get3A_52 = arith.constant 0 : index
    %get3A_53 = arith.constant 0 : index
    %get3A_54 = vector.load %arg2[%get3A_51, %get3A_52, %get3A_53] : memref<16x1x256xf32, #tpu.memory_space<vmem>>, vector<1x1x256xf32>
    %get3A_55 = vector.shape_cast %get3A_54 : vector<1x1x256xf32> to vector<1x256xf32>
    %get3A_56 = arith.constant 0 : index
    %get3A_57 = arith.constant 0 : index
    %get3A_58 = arith.constant 0 : index
    %get3A_59 = vector.load %arg6[%get3A_56, %get3A_57, %get3A_58] : memref<1x40x256xf32, #tpu.memory_space<vmem>>, vector<1x40x256xf32>
    %get3A_60 = vector.shape_cast %get3A_59 : vector<1x40x256xf32> to vector<40x256xf32>
    %dot_general3A_61 = arith.constant dense<0.000000e+00> : vector<1x40xf32>
    %dot_general3A_62 = tpu.matmul %get3A_55, %get3A_60, %dot_general3A_61 {dimension_numbers = #tpu.dot_dimension_numbers<[1], [1], [0], [0], [0, 0, 1, 0], [], []>, transpose_lhs_hint = false} : vector<1x256xf32>, vector<40x256xf32>, vector<1x40xf32> -> vector<1x40xf32>
    %swap3A_63 = arith.constant 3 : index
    %swap3A_64 = arith.constant 0 : index
    %swap3A_65 = arith.constant 0 : index
    %swap3A_66 = vector.load %arg19[%swap3A_63, %swap3A_64, %swap3A_65] : memref<16x1x40xf32, #tpu.memory_space<vmem>>, vector<1x1x40xf32>
    %swap3A_67 = vector.shape_cast %swap3A_66 : vector<1x1x40xf32> to vector<1x40xf32>
    %swap3A_68 = vector.shape_cast %dot_general3A_62 : vector<1x40xf32> to vector<1x1x40xf32>
    tpu.vector_store %arg19[%swap3A_63, %swap3A_64, %swap3A_65], %swap3A_68 {strides = array<i32>} : memref<16x1x40xf32, #tpu.memory_space<vmem>>, vector<1x1x40xf32>,
    %get3A_69 = arith.constant 4 : index
    %get3A_70 = arith.constant 0 : index
    %get3A_71 = arith.constant 0 : index
    %get3A_72 = vector.load %arg2[%get3A_69, %get3A_70, %get3A_71] : memref<16x1x256xf32, #tpu.memory_space<vmem>>, vector<1x1x256xf32>
    %get3A_73 = vector.shape_cast %get3A_72 : vector<1x1x256xf32> to vector<1x256xf32>
    %get3A_74 = arith.constant 0 : index
    %get3A_75 = arith.constant 0 : index
    %get3A_76 = arith.constant 0 : index
    %get3A_77 = vector.load %arg7[%get3A_74, %get3A_75, %get3A_76] : memref<1x40x256xf32, #tpu.memory_space<vmem>>, vector<1x40x256xf32>
    %get3A_78 = vector.shape_cast %get3A_77 : vector<1x40x256xf32> to vector<40x256xf32>
    %dot_general3A_79 = arith.constant dense<0.000000e+00> : vector<1x40xf32>
    %dot_general3A_80 = tpu.matmul %get3A_73, %get3A_78, %dot_general3A_79 {dimension_numbers = #tpu.dot_dimension_numbers<[1], [1], [0], [0], [0, 0, 1, 0], [], []>, transpose_lhs_hint = false} : vector<1x256xf32>, vector<40x256xf32>, vector<1x40xf32> -> vector<1x40xf32>
    %swap3A_81 = arith.constant 4 : index
    %swap3A_82 = arith.constant 0 : index
    %swap3A_83 = arith.constant 0 : index
    %swap3A_84 = vector.load %arg19[%swap3A_81, %swap3A_82, %swap3A_83] : memref<16x1x40xf32, #tpu.memory_space<vmem>>, vector<1x1x40xf32>
    %swap3A_85 = vector.shape_cast %swap3A_84 : vector<1x1x40xf32> to vector<1x40xf32>
    %swap3A_86 = vector.shape_cast %dot_general3A_80 : vector<1x40xf32> to vector<1x1x40xf32>
    tpu.vector_store %arg19[%swap3A_81, %swap3A_82, %swap3A_83], %swap3A_86 {strides = array<i32>} : memref<16x1x40xf32, #tpu.memory_space<vmem>>, vector<1x1x40xf32>,
    %get3A_87 = arith.constant 5 : index
    %get3A_88 = arith.constant 0 : index
    %get3A_89 = arith.constant 0 : index
    %get3A_90 = vector.load %arg2[%get3A_87, %get3A_88, %get3A_89] : memref<16x1x256xf32, #tpu.memory_space<vmem>>, vector<1x1x256xf32>
    %get3A_91 = vector.shape_cast %get3A_90 : vector<1x1x256xf32> to vector<1x256xf32>
    %get3A_92 = arith.constant 0 : index
    %get3A_93 = arith.constant 0 : index
    %get3A_94 = arith.constant 0 : index
    %get3A_95 = vector.load %arg8[%get3A_92, %get3A_93, %get3A_94] : memref<1x40x256xf32, #tpu.memory_space<vmem>>, vector<1x40x256xf32>
    %get3A_96 = vector.shape_cast %get3A_95 : vector<1x40x256xf32> to vector<40x256xf32>
    %dot_general3A_97 = arith.constant dense<0.000000e+00> : vector<1x40xf32>
    %dot_general3A_98 = tpu.matmul %get3A_91, %get3A_96, %dot_general3A_97 {dimension_numbers = #tpu.dot_dimension_numbers<[1], [1], [0], [0], [0, 0, 1, 0], [], []>, transpose_lhs_hint = false} : vector<1x256xf32>, vector<40x256xf32>, vector<1x40xf32> -> vector<1x40xf32>
    %swap3A_99 = arith.constant 5 : index
    %swap3A_100 = arith.constant 0 : index
    %swap3A_101 = arith.constant 0 : index
    %swap3A_102 = vector.load %arg19[%swap3A_99, %swap3A_100, %swap3A_101] : memref<16x1x40xf32, #tpu.memory_space<vmem>>, vector<1x1x40xf32>
    %swap3A_103 = vector.shape_cast %swap3A_102 : vector<1x1x40xf32> to vector<1x40xf32>
    %swap3A_104 = vector.shape_cast %dot_general3A_98 : vector<1x40xf32> to vector<1x1x40xf32>
    tpu.vector_store %arg19[%swap3A_99, %swap3A_100, %swap3A_101], %swap3A_104 {strides = array<i32>} : memref<16x1x40xf32, #tpu.memory_space<vmem>>, vector<1x1x40xf32>,
    %get3A_105 = arith.constant 6 : index
    %get3A_106 = arith.constant 0 : index
    %get3A_107 = arith.constant 0 : index
    %get3A_108 = vector.load %arg2[%get3A_105, %get3A_106, %get3A_107] : memref<16x1x256xf32, #tpu.memory_space<vmem>>, vector<1x1x256xf32>
    %get3A_109 = vector.shape_cast %get3A_108 : vector<1x1x256xf32> to vector<1x256xf32>
    %get3A_110 = arith.constant 0 : index
    %get3A_111 = arith.constant 0 : index
    %get3A_112 = arith.constant 0 : index
    %get3A_113 = vector.load %arg9[%get3A_110, %get3A_111, %get3A_112] : memref<1x40x256xf32, #tpu.memory_space<vmem>>, vector<1x40x256xf32>
    %get3A_114 = vector.shape_cast %get3A_113 : vector<1x40x256xf32> to vector<40x256xf32>
    %dot_general3A_115 = arith.constant dense<0.000000e+00> : vector<1x40xf32>
    %dot_general3A_116 = tpu.matmul %get3A_109, %get3A_114, %dot_general3A_115 {dimension_numbers = #tpu.dot_dimension_numbers<[1], [1], [0], [0], [0, 0, 1, 0], [], []>, transpose_lhs_hint = false} : vector<1x256xf32>, vector<40x256xf32>, vector<1x40xf32> -> vector<1x40xf32>
    %swap3A_117 = arith.constant 6 : index
    %swap3A_118 = arith.constant 0 : index
    %swap3A_119 = arith.constant 0 : index
    %swap3A_120 = vector.load %arg19[%swap3A_117, %swap3A_118, %swap3A_119] : memref<16x1x40xf32, #tpu.memory_space<vmem>>, vector<1x1x40xf32>
    %swap3A_121 = vector.shape_cast %swap3A_120 : vector<1x1x40xf32> to vector<1x40xf32>
    %swap3A_122 = vector.shape_cast %dot_general3A_116 : vector<1x40xf32> to vector<1x1x40xf32>
    tpu.vector_store %arg19[%swap3A_117, %swap3A_118, %swap3A_119], %swap3A_122 {strides = array<i32>} : memref<16x1x40xf32, #tpu.memory_space<vmem>>, vector<1x1x40xf32>,
    %get3A_123 = arith.constant 7 : index
    %get3A_124 = arith.constant 0 : index
    %get3A_125 = arith.constant 0 : index
    %get3A_126 = vector.load %arg2[%get3A_123, %get3A_124, %get3A_125] : memref<16x1x256xf32, #tpu.memory_space<vmem>>, vector<1x1x256xf32>
    %get3A_127 = vector.shape_cast %get3A_126 : vector<1x1x256xf32> to vector<1x256xf32>
    %get3A_128 = arith.constant 0 : index
    %get3A_129 = arith.constant 0 : index
    %get3A_130 = arith.constant 0 : index
    %get3A_131 = vector.load %arg10[%get3A_128, %get3A_129, %get3A_130] : memref<1x40x256xf32, #tpu.memory_space<vmem>>, vector<1x40x256xf32>
    %get3A_132 = vector.shape_cast %get3A_131 : vector<1x40x256xf32> to vector<40x256xf32>
    %dot_general3A_133 = arith.constant dense<0.000000e+00> : vector<1x40xf32>
    %dot_general3A_134 = tpu.matmul %get3A_127, %get3A_132, %dot_general3A_133 {dimension_numbers = #tpu.dot_dimension_numbers<[1], [1], [0], [0], [0, 0, 1, 0], [], []>, transpose_lhs_hint = false} : vector<1x256xf32>, vector<40x256xf32>, vector<1x40xf32> -> vector<1x40xf32>
    %swap3A_135 = arith.constant 7 : index
    %swap3A_136 = arith.constant 0 : index
    %swap3A_137 = arith.constant 0 : index
    %swap3A_138 = vector.load %arg19[%swap3A_135, %swap3A_136, %swap3A_137] : memref<16x1x40xf32, #tpu.memory_space<vmem>>, vector<1x1x40xf32>
    %swap3A_139 = vector.shape_cast %swap3A_138 : vector<1x1x40xf32> to vector<1x40xf32>
    %swap3A_140 = vector.shape_cast %dot_general3A_134 : vector<1x40xf32> to vector<1x1x40xf32>
    tpu.vector_store %arg19[%swap3A_135, %swap3A_136, %swap3A_137], %swap3A_140 {strides = array<i32>} : memref<16x1x40xf32, #tpu.memory_space<vmem>>, vector<1x1x40xf32>,
    %get3A_141 = arith.constant 8 : index
    %get3A_142 = arith.constant 0 : index
    %get3A_143 = arith.constant 0 : index
    %get3A_144 = vector.load %arg2[%get3A_141, %get3A_142, %get3A_143] : memref<16x1x256xf32, #tpu.memory_space<vmem>>, vector<1x1x256xf32>
    %get3A_145 = vector.shape_cast %get3A_144 : vector<1x1x256xf32> to vector<1x256xf32>
    %get3A_146 = arith.constant 0 : index
    %get3A_147 = arith.constant 0 : index
    %get3A_148 = arith.constant 0 : index
    %get3A_149 = vector.load %arg11[%get3A_146, %get3A_147, %get3A_148] : memref<1x40x256xf32, #tpu.memory_space<vmem>>, vector<1x40x256xf32>
    %get3A_150 = vector.shape_cast %get3A_149 : vector<1x40x256xf32> to vector<40x256xf32>
    %dot_general3A_151 = arith.constant dense<0.000000e+00> : vector<1x40xf32>
    %dot_general3A_152 = tpu.matmul %get3A_145, %get3A_150, %dot_general3A_151 {dimension_numbers = #tpu.dot_dimension_numbers<[1], [1], [0], [0], [0, 0, 1, 0], [], []>, transpose_lhs_hint = false} : vector<1x256xf32>, vector<40x256xf32>, vector<1x40xf32> -> vector<1x40xf32>
    %swap3A_153 = arith.constant 8 : index
    %swap3A_154 = arith.constant 0 : index
    %swap3A_155 = arith.constant 0 : index
    %swap3A_156 = vector.load %arg19[%swap3A_153, %swap3A_154, %swap3A_155] : memref<16x1x40xf32, #tpu.memory_space<vmem>>, vector<1x1x40xf32>
    %swap3A_157 = vector.shape_cast %swap3A_156 : vector<1x1x40xf32> to vector<1x40xf32>
    %swap3A_158 = vector.shape_cast %dot_general3A_152 : vector<1x40xf32> to vector<1x1x40xf32>
    tpu.vector_store %arg19[%swap3A_153, %swap3A_154, %swap3A_155], %swap3A_158 {strides = array<i32>} : memref<16x1x40xf32, #tpu.memory_space<vmem>>, vector<1x1x40xf32>,
    %get3A_159 = arith.constant 9 : index
    %get3A_160 = arith.constant 0 : index
    %get3A_161 = arith.constant 0 : index
    %get3A_162 = vector.load %arg2[%get3A_159, %get3A_160, %get3A_161] : memref<16x1x256xf32, #tpu.memory_space<vmem>>, vector<1x1x256xf32>
    %get3A_163 = vector.shape_cast %get3A_162 : vector<1x1x256xf32> to vector<1x256xf32>
    %get3A_164 = arith.constant 0 : index
    %get3A_165 = arith.constant 0 : index
    %get3A_166 = arith.constant 0 : index
    %get3A_167 = vector.load %arg12[%get3A_164, %get3A_165, %get3A_166] : memref<1x40x256xf32, #tpu.memory_space<vmem>>, vector<1x40x256xf32>
    %get3A_168 = vector.shape_cast %get3A_167 : vector<1x40x256xf32> to vector<40x256xf32>
    %dot_general3A_169 = arith.constant dense<0.000000e+00> : vector<1x40xf32>
    %dot_general3A_170 = tpu.matmul %get3A_163, %get3A_168, %dot_general3A_169 {dimension_numbers = #tpu.dot_dimension_numbers<[1], [1], [0], [0], [0, 0, 1, 0], [], []>, transpose_lhs_hint = false} : vector<1x256xf32>, vector<40x256xf32>, vector<1x40xf32> -> vector<1x40xf32>
    %swap3A_171 = arith.constant 9 : index
    %swap3A_172 = arith.constant 0 : index
    %swap3A_173 = arith.constant 0 : index
    %swap3A_174 = vector.load %arg19[%swap3A_171, %swap3A_172, %swap3A_173] : memref<16x1x40xf32, #tpu.memory_space<vmem>>, vector<1x1x40xf32>
    %swap3A_175 = vector.shape_cast %swap3A_174 : vector<1x1x40xf32> to vector<1x40xf32>
    %swap3A_176 = vector.shape_cast %dot_general3A_170 : vector<1x40xf32> to vector<1x1x40xf32>
    tpu.vector_store %arg19[%swap3A_171, %swap3A_172, %swap3A_173], %swap3A_176 {strides = array<i32>} : memref<16x1x40xf32, #tpu.memory_space<vmem>>, vector<1x1x40xf32>,
    %get3A_177 = arith.constant 10 : index
    %get3A_178 = arith.constant 0 : index
    %get3A_179 = arith.constant 0 : index
    %get3A_180 = vector.load %arg2[%get3A_177, %get3A_178, %get3A_179] : memref<16x1x256xf32, #tpu.memory_space<vmem>>, vector<1x1x256xf32>
    %get3A_181 = vector.shape_cast %get3A_180 : vector<1x1x256xf32> to vector<1x256xf32>
    %get3A_182 = arith.constant 0 : index
    %get3A_183 = arith.constant 0 : index
    %get3A_184 = arith.constant 0 : index
    %get3A_185 = vector.load %arg13[%get3A_182, %get3A_183, %get3A_184] : memref<1x40x256xf32, #tpu.memory_space<vmem>>, vector<1x40x256xf32>
    %get3A_186 = vector.shape_cast %get3A_185 : vector<1x40x256xf32> to vector<40x256xf32>
    %dot_general3A_187 = arith.constant dense<0.000000e+00> : vector<1x40xf32>
    %dot_general3A_188 = tpu.matmul %get3A_181, %get3A_186, %dot_general3A_187 {dimension_numbers = #tpu.dot_dimension_numbers<[1], [1], [0], [0], [0, 0, 1, 0], [], []>, transpose_lhs_hint = false} : vector<1x256xf32>, vector<40x256xf32>, vector<1x40xf32> -> vector<1x40xf32>
    %swap3A_189 = arith.constant 10 : index
    %swap3A_190 = arith.constant 0 : index
    %swap3A_191 = arith.constant 0 : index
    %swap3A_192 = vector.load %arg19[%swap3A_189, %swap3A_190, %swap3A_191] : memref<16x1x40xf32, #tpu.memory_space<vmem>>, vector<1x1x40xf32>
    %swap3A_193 = vector.shape_cast %swap3A_192 : vector<1x1x40xf32> to vector<1x40xf32>
    %swap3A_194 = vector.shape_cast %dot_general3A_188 : vector<1x40xf32> to vector<1x1x40xf32>
    tpu.vector_store %arg19[%swap3A_189, %swap3A_190, %swap3A_191], %swap3A_194 {strides = array<i32>} : memref<16x1x40xf32, #tpu.memory_space<vmem>>, vector<1x1x40xf32>,
    %get3A_195 = arith.constant 11 : index
    %get3A_196 = arith.constant 0 : index
    %get3A_197 = arith.constant 0 : index
    %get3A_198 = vector.load %arg2[%get3A_195, %get3A_196, %get3A_197] : memref<16x1x256xf32, #tpu.memory_space<vmem>>, vector<1x1x256xf32>
    %get3A_199 = vector.shape_cast %get3A_198 : vector<1x1x256xf32> to vector<1x256xf32>
    %get3A_200 = arith.constant 0 : index
    %get3A_201 = arith.constant 0 : index
    %get3A_202 = arith.constant 0 : index
    %get3A_203 = vector.load %arg14[%get3A_200, %get3A_201, %get3A_202] : memref<1x40x256xf32, #tpu.memory_space<vmem>>, vector<1x40x256xf32>
    %get3A_204 = vector.shape_cast %get3A_203 : vector<1x40x256xf32> to vector<40x256xf32>
    %dot_general3A_205 = arith.constant dense<0.000000e+00> : vector<1x40xf32>
    %dot_general3A_206 = tpu.matmul %get3A_199, %get3A_204, %dot_general3A_205 {dimension_numbers = #tpu.dot_dimension_numbers<[1], [1], [0], [0], [0, 0, 1, 0], [], []>, transpose_lhs_hint = false} : vector<1x256xf32>, vector<40x256xf32>, vector<1x40xf32> -> vector<1x40xf32>
    %swap3A_207 = arith.constant 11 : index
    %swap3A_208 = arith.constant 0 : index
    %swap3A_209 = arith.constant 0 : index
    %swap3A_210 = vector.load %arg19[%swap3A_207, %swap3A_208, %swap3A_209] : memref<16x1x40xf32, #tpu.memory_space<vmem>>, vector<1x1x40xf32>
    %swap3A_211 = vector.shape_cast %swap3A_210 : vector<1x1x40xf32> to vector<1x40xf32>
    %swap3A_212 = vector.shape_cast %dot_general3A_206 : vector<1x40xf32> to vector<1x1x40xf32>
    tpu.vector_store %arg19[%swap3A_207, %swap3A_208, %swap3A_209], %swap3A_212 {strides = array<i32>} : memref<16x1x40xf32, #tpu.memory_space<vmem>>, vector<1x1x40xf32>,
    %get3A_213 = arith.constant 12 : index
    %get3A_214 = arith.constant 0 : index
    %get3A_215 = arith.constant 0 : index
    %get3A_216 = vector.load %arg2[%get3A_213, %get3A_214, %get3A_215] : memref<16x1x256xf32, #tpu.memory_space<vmem>>, vector<1x1x256xf32>
    %get3A_217 = vector.shape_cast %get3A_216 : vector<1x1x256xf32> to vector<1x256xf32>
    %get3A_218 = arith.constant 0 : index
    %get3A_219 = arith.constant 0 : index
    %get3A_220 = arith.constant 0 : index
    %get3A_221 = vector.load %arg15[%get3A_218, %get3A_219, %get3A_220] : memref<1x40x256xf32, #tpu.memory_space<vmem>>, vector<1x40x256xf32>
    %get3A_222 = vector.shape_cast %get3A_221 : vector<1x40x256xf32> to vector<40x256xf32>
    %dot_general3A_223 = arith.constant dense<0.000000e+00> : vector<1x40xf32>
    %dot_general3A_224 = tpu.matmul %get3A_217, %get3A_222, %dot_general3A_223 {dimension_numbers = #tpu.dot_dimension_numbers<[1], [1], [0], [0], [0, 0, 1, 0], [], []>, transpose_lhs_hint = false} : vector<1x256xf32>, vector<40x256xf32>, vector<1x40xf32> -> vector<1x40xf32>
    %swap3A_225 = arith.constant 12 : index
    %swap3A_226 = arith.constant 0 : index
    %swap3A_227 = arith.constant 0 : index
    %swap3A_228 = vector.load %arg19[%swap3A_225, %swap3A_226, %swap3A_227] : memref<16x1x40xf32, #tpu.memory_space<vmem>>, vector<1x1x40xf32>
    %swap3A_229 = vector.shape_cast %swap3A_228 : vector<1x1x40xf32> to vector<1x40xf32>
    %swap3A_230 = vector.shape_cast %dot_general3A_224 : vector<1x40xf32> to vector<1x1x40xf32>
    tpu.vector_store %arg19[%swap3A_225, %swap3A_226, %swap3A_227], %swap3A_230 {strides = array<i32>} : memref<16x1x40xf32, #tpu.memory_space<vmem>>, vector<1x1x40xf32>,
    %get3A_231 = arith.constant 13 : index
    %get3A_232 = arith.constant 0 : index
    %get3A_233 = arith.constant 0 : index
    %get3A_234 = vector.load %arg2[%get3A_231, %get3A_232, %get3A_233] : memref<16x1x256xf32, #tpu.memory_space<vmem>>, vector<1x1x256xf32>
    %get3A_235 = vector.shape_cast %get3A_234 : vector<1x1x256xf32> to vector<1x256xf32>
    %get3A_236 = arith.constant 0 : index
    %get3A_237 = arith.constant 0 : index
    %get3A_238 = arith.constant 0 : index
    %get3A_239 = vector.load %arg16[%get3A_236, %get3A_237, %get3A_238] : memref<1x40x256xf32, #tpu.memory_space<vmem>>, vector<1x40x256xf32>
    %get3A_240 = vector.shape_cast %get3A_239 : vector<1x40x256xf32> to vector<40x256xf32>
    %dot_general3A_241 = arith.constant dense<0.000000e+00> : vector<1x40xf32>
    %dot_general3A_242 = tpu.matmul %get3A_235, %get3A_240, %dot_general3A_241 {dimension_numbers = #tpu.dot_dimension_numbers<[1], [1], [0], [0], [0, 0, 1, 0], [], []>, transpose_lhs_hint = false} : vector<1x256xf32>, vector<40x256xf32>, vector<1x40xf32> -> vector<1x40xf32>
    %swap3A_243 = arith.constant 13 : index
    %swap3A_244 = arith.constant 0 : index
    %swap3A_245 = arith.constant 0 : index
    %swap3A_246 = vector.load %arg19[%swap3A_243, %swap3A_244, %swap3A_245] : memref<16x1x40xf32, #tpu.memory_space<vmem>>, vector<1x1x40xf32>
    %swap3A_247 = vector.shape_cast %swap3A_246 : vector<1x1x40xf32> to vector<1x40xf32>
    %swap3A_248 = vector.shape_cast %dot_general3A_242 : vector<1x40xf32> to vector<1x1x40xf32>
    tpu.vector_store %arg19[%swap3A_243, %swap3A_244, %swap3A_245], %swap3A_248 {strides = array<i32>} : memref<16x1x40xf32, #tpu.memory_space<vmem>>, vector<1x1x40xf32>,
    %get3A_249 = arith.constant 14 : index
    %get3A_250 = arith.constant 0 : index
    %get3A_251 = arith.constant 0 : index
    %get3A_252 = vector.load %arg2[%get3A_249, %get3A_250, %get3A_251] : memref<16x1x256xf32, #tpu.memory_space<vmem>>, vector<1x1x256xf32>
    %get3A_253 = vector.shape_cast %get3A_252 : vector<1x1x256xf32> to vector<1x256xf32>
    %get3A_254 = arith.constant 0 : index
    %get3A_255 = arith.constant 0 : index
    %get3A_256 = arith.constant 0 : index
    %get3A_257 = vector.load %arg17[%get3A_254, %get3A_255, %get3A_256] : memref<1x40x256xf32, #tpu.memory_space<vmem>>, vector<1x40x256xf32>
    %get3A_258 = vector.shape_cast %get3A_257 : vector<1x40x256xf32> to vector<40x256xf32>
    %dot_general3A_259 = arith.constant dense<0.000000e+00> : vector<1x40xf32>
    %dot_general3A_260 = tpu.matmul %get3A_253, %get3A_258, %dot_general3A_259 {dimension_numbers = #tpu.dot_dimension_numbers<[1], [1], [0], [0], [0, 0, 1, 0], [], []>, transpose_lhs_hint = false} : vector<1x256xf32>, vector<40x256xf32>, vector<1x40xf32> -> vector<1x40xf32>
    %swap3A_261 = arith.constant 14 : index
    %swap3A_262 = arith.constant 0 : index
    %swap3A_263 = arith.constant 0 : index
    %swap3A_264 = vector.load %arg19[%swap3A_261, %swap3A_262, %swap3A_263] : memref<16x1x40xf32, #tpu.memory_space<vmem>>, vector<1x1x40xf32>
    %swap3A_265 = vector.shape_cast %swap3A_264 : vector<1x1x40xf32> to vector<1x40xf32>
    %swap3A_266 = vector.shape_cast %dot_general3A_260 : vector<1x40xf32> to vector<1x1x40xf32>
    tpu.vector_store %arg19[%swap3A_261, %swap3A_262, %swap3A_263], %swap3A_266 {strides = array<i32>} : memref<16x1x40xf32, #tpu.memory_space<vmem>>, vector<1x1x40xf32>,
    %get3A_267 = arith.constant 15 : index
    %get3A_268 = arith.constant 0 : index
    %get3A_269 = arith.constant 0 : index
    %get3A_270 = vector.load %arg2[%get3A_267, %get3A_268, %get3A_269] : memref<16x1x256xf32, #tpu.memory_space<vmem>>, vector<1x1x256xf32>
    %get3A_271 = vector.shape_cast %get3A_270 : vector<1x1x256xf32> to vector<1x256xf32>
    %get3A_272 = arith.constant 0 : index
    %get3A_273 = arith.constant 0 : index
    %get3A_274 = arith.constant 0 : index
    %get3A_275 = vector.load %arg18[%get3A_272, %get3A_273, %get3A_274] : memref<1x40x256xf32, #tpu.memory_space<vmem>>, vector<1x40x256xf32>
    %get3A_276 = vector.shape_cast %get3A_275 : vector<1x40x256xf32> to vector<40x256xf32>
    %dot_general3A_277 = arith.constant dense<0.000000e+00> : vector<1x40xf32>
    %dot_general3A_278 = tpu.matmul %get3A_271, %get3A_276, %dot_general3A_277 {dimension_numbers = #tpu.dot_dimension_numbers<[1], [1], [0], [0], [0, 0, 1, 0], [], []>, transpose_lhs_hint = false} : vector<1x256xf32>, vector<40x256xf32>, vector<1x40xf32> -> vector<1x40xf32>
    %swap3A_279 = arith.constant 15 : index
    %swap3A_280 = arith.constant 0 : index
    %swap3A_281 = arith.constant 0 : index
    %swap3A_282 = vector.load %arg19[%swap3A_279, %swap3A_280, %swap3A_281] : memref<16x1x40xf32, #tpu.memory_space<vmem>>, vector<1x1x40xf32>
    %swap3A_283 = vector.shape_cast %swap3A_282 : vector<1x1x40xf32> to vector<1x40xf32>
    %swap3A_284 = vector.shape_cast %dot_general3A_278 : vector<1x40xf32> to vector<1x1x40xf32>
    tpu.vector_store %arg19[%swap3A_279, %swap3A_280, %swap3A_281], %swap3A_284 {strides = array<i32>} : memref<16x1x40xf32, #tpu.memory_space<vmem>>, vector<1x1x40xf32>,
    return
  }
  func.func @transform_0(%arg0: i32, %arg1: memref<10000xi32, #tpu.memory_space<smem>>) -> (i32, i32, i32) {
    %c0_i32 = arith.constant 0 : i32
    %c0_i32_0 = arith.constant 0 : i32
    %c0_i32_1 = arith.constant 0 : i32
    return %arg0, %c0_i32, %c0_i32_0 : i32, i32, i32
  }
  func.func @transform_1(%arg0: i32, %arg1: memref<10000xi32, #tpu.memory_space<smem>>) -> (i32, i32, i32) {
    %mul3A = arith.constant 16 : i32
    %mul3A_0 = arith.muli %mul3A, %arg0 : i32
    %add3A = arith.constant 0 : i32
    %add3A_1 = arith.addi %mul3A_0, %add3A : i32
    %get3A = arith.index_cast %add3A_1 : i32 to index
    %get3A_2 = memref.load %arg1[%get3A] : memref<10000xi32, #tpu.memory_space<smem>>
    %c0_i32 = arith.constant 0 : i32
    %c0_i32_3 = arith.constant 0 : i32
    %c0_i32_4 = arith.constant 0 : i32
    return %get3A_2, %c0_i32, %c0_i32_3 : i32, i32, i32
  }
  func.func @transform_2(%arg0: i32, %arg1: memref<10000xi32, #tpu.memory_space<smem>>) -> (i32, i32, i32) {
    %mul3A = arith.constant 16 : i32
    %mul3A_0 = arith.muli %mul3A, %arg0 : i32
    %add3A = arith.constant 1 : i32
    %add3A_1 = arith.addi %mul3A_0, %add3A : i32
    %get3A = arith.index_cast %add3A_1 : i32 to index
    %get3A_2 = memref.load %arg1[%get3A] : memref<10000xi32, #tpu.memory_space<smem>>
    %c0_i32 = arith.constant 0 : i32
    %c0_i32_3 = arith.constant 0 : i32
    %c0_i32_4 = arith.constant 0 : i32
    return %get3A_2, %c0_i32, %c0_i32_3 : i32, i32, i32
  }
  func.func @transform_3(%arg0: i32, %arg1: memref<10000xi32, #tpu.memory_space<smem>>) -> (i32, i32, i32) {
    %mul3A = arith.constant 16 : i32
    %mul3A_0 = arith.muli %mul3A, %arg0 : i32
    %add3A = arith.constant 2 : i32
    %add3A_1 = arith.addi %mul3A_0, %add3A : i32
    %get3A = arith.index_cast %add3A_1 : i32 to index
    %get3A_2 = memref.load %arg1[%get3A] : memref<10000xi32, #tpu.memory_space<smem>>
    %c0_i32 = arith.constant 0 : i32
    %c0_i32_3 = arith.constant 0 : i32
    %c0_i32_4 = arith.constant 0 : i32
    return %get3A_2, %c0_i32, %c0_i32_3 : i32, i32, i32
  }
  func.func @transform_4(%arg0: i32, %arg1: memref<10000xi32, #tpu.memory_space<smem>>) -> (i32, i32, i32) {
    %mul3A = arith.constant 16 : i32
    %mul3A_0 = arith.muli %mul3A, %arg0 : i32
    %add3A = arith.constant 3 : i32
    %add3A_1 = arith.addi %mul3A_0, %add3A : i32
    %get3A = arith.index_cast %add3A_1 : i32 to index
    %get3A_2 = memref.load %arg1[%get3A] : memref<10000xi32, #tpu.memory_space<smem>>
    %c0_i32 = arith.constant 0 : i32
    %c0_i32_3 = arith.constant 0 : i32
    %c0_i32_4 = arith.constant 0 : i32
    return %get3A_2, %c0_i32, %c0_i32_3 : i32, i32, i32
  }
  func.func @transform_5(%arg0: i32, %arg1: memref<10000xi32, #tpu.memory_space<smem>>) -> (i32, i32, i32) {
    %mul3A = arith.constant 16 : i32
    %mul3A_0 = arith.muli %mul3A, %arg0 : i32
    %add3A = arith.constant 4 : i32
    %add3A_1 = arith.addi %mul3A_0, %add3A : i32
    %get3A = arith.index_cast %add3A_1 : i32 to index
    %get3A_2 = memref.load %arg1[%get3A] : memref<10000xi32, #tpu.memory_space<smem>>
    %c0_i32 = arith.constant 0 : i32
    %c0_i32_3 = arith.constant 0 : i32
    %c0_i32_4 = arith.constant 0 : i32
    return %get3A_2, %c0_i32, %c0_i32_3 : i32, i32, i32
  }
  func.func @transform_6(%arg0: i32, %arg1: memref<10000xi32, #tpu.memory_space<smem>>) -> (i32, i32, i32) {
    %mul3A = arith.constant 16 : i32
    %mul3A_0 = arith.muli %mul3A, %arg0 : i32
    %add3A = arith.constant 5 : i32
    %add3A_1 = arith.addi %mul3A_0, %add3A : i32
    %get3A = arith.index_cast %add3A_1 : i32 to index
    %get3A_2 = memref.load %arg1[%get3A] : memref<10000xi32, #tpu.memory_space<smem>>
    %c0_i32 = arith.constant 0 : i32
    %c0_i32_3 = arith.constant 0 : i32
    %c0_i32_4 = arith.constant 0 : i32
    return %get3A_2, %c0_i32, %c0_i32_3 : i32, i32, i32
  }
  func.func @transform_7(%arg0: i32, %arg1: memref<10000xi32, #tpu.memory_space<smem>>) -> (i32, i32, i32) {
    %mul3A = arith.constant 16 : i32
    %mul3A_0 = arith.muli %mul3A, %arg0 : i32
    %add3A = arith.constant 6 : i32
    %add3A_1 = arith.addi %mul3A_0, %add3A : i32
    %get3A = arith.index_cast %add3A_1 : i32 to index
    %get3A_2 = memref.load %arg1[%get3A] : memref<10000xi32, #tpu.memory_space<smem>>
    %c0_i32 = arith.constant 0 : i32
    %c0_i32_3 = arith.constant 0 : i32
    %c0_i32_4 = arith.constant 0 : i32
    return %get3A_2, %c0_i32, %c0_i32_3 : i32, i32, i32
  }
  func.func @transform_8(%arg0: i32, %arg1: memref<10000xi32, #tpu.memory_space<smem>>) -> (i32, i32, i32) {
    %mul3A = arith.constant 16 : i32
    %mul3A_0 = arith.muli %mul3A, %arg0 : i32
    %add3A = arith.constant 7 : i32
    %add3A_1 = arith.addi %mul3A_0, %add3A : i32
    %get3A = arith.index_cast %add3A_1 : i32 to index
    %get3A_2 = memref.load %arg1[%get3A] : memref<10000xi32, #tpu.memory_space<smem>>
    %c0_i32 = arith.constant 0 : i32
    %c0_i32_3 = arith.constant 0 : i32
    %c0_i32_4 = arith.constant 0 : i32
    return %get3A_2, %c0_i32, %c0_i32_3 : i32, i32, i32
  }
  func.func @transform_9(%arg0: i32, %arg1: memref<10000xi32, #tpu.memory_space<smem>>) -> (i32, i32, i32) {
    %mul3A = arith.constant 16 : i32
    %mul3A_0 = arith.muli %mul3A, %arg0 : i32
    %add3A = arith.constant 8 : i32
    %add3A_1 = arith.addi %mul3A_0, %add3A : i32
    %get3A = arith.index_cast %add3A_1 : i32 to index
    %get3A_2 = memref.load %arg1[%get3A] : memref<10000xi32, #tpu.memory_space<smem>>
    %c0_i32 = arith.constant 0 : i32
    %c0_i32_3 = arith.constant 0 : i32
    %c0_i32_4 = arith.constant 0 : i32
    return %get3A_2, %c0_i32, %c0_i32_3 : i32, i32, i32
  }
  func.func @transform_10(%arg0: i32, %arg1: memref<10000xi32, #tpu.memory_space<smem>>) -> (i32, i32, i32) {
    %mul3A = arith.constant 16 : i32
    %mul3A_0 = arith.muli %mul3A, %arg0 : i32
    %add3A = arith.constant 9 : i32
    %add3A_1 = arith.addi %mul3A_0, %add3A : i32
    %get3A = arith.index_cast %add3A_1 : i32 to index
    %get3A_2 = memref.load %arg1[%get3A] : memref<10000xi32, #tpu.memory_space<smem>>
    %c0_i32 = arith.constant 0 : i32
    %c0_i32_3 = arith.constant 0 : i32
    %c0_i32_4 = arith.constant 0 : i32
    return %get3A_2, %c0_i32, %c0_i32_3 : i32, i32, i32
  }
  func.func @transform_11(%arg0: i32, %arg1: memref<10000xi32, #tpu.memory_space<smem>>) -> (i32, i32, i32) {
    %mul3A = arith.constant 16 : i32
    %mul3A_0 = arith.muli %mul3A, %arg0 : i32
    %add3A = arith.constant 10 : i32
    %add3A_1 = arith.addi %mul3A_0, %add3A : i32
    %get3A = arith.index_cast %add3A_1 : i32 to index
    %get3A_2 = memref.load %arg1[%get3A] : memref<10000xi32, #tpu.memory_space<smem>>
    %c0_i32 = arith.constant 0 : i32
    %c0_i32_3 = arith.constant 0 : i32
    %c0_i32_4 = arith.constant 0 : i32
    return %get3A_2, %c0_i32, %c0_i32_3 : i32, i32, i32
  }
  func.func @transform_12(%arg0: i32, %arg1: memref<10000xi32, #tpu.memory_space<smem>>) -> (i32, i32, i32) {
    %mul3A = arith.constant 16 : i32
    %mul3A_0 = arith.muli %mul3A, %arg0 : i32
    %add3A = arith.constant 11 : i32
    %add3A_1 = arith.addi %mul3A_0, %add3A : i32
    %get3A = arith.index_cast %add3A_1 : i32 to index
    %get3A_2 = memref.load %arg1[%get3A] : memref<10000xi32, #tpu.memory_space<smem>>
    %c0_i32 = arith.constant 0 : i32
    %c0_i32_3 = arith.constant 0 : i32
    %c0_i32_4 = arith.constant 0 : i32
    return %get3A_2, %c0_i32, %c0_i32_3 : i32, i32, i32
  }
  func.func @transform_13(%arg0: i32, %arg1: memref<10000xi32, #tpu.memory_space<smem>>) -> (i32, i32, i32) {
    %mul3A = arith.constant 16 : i32
    %mul3A_0 = arith.muli %mul3A, %arg0 : i32
    %add3A = arith.constant 12 : i32
    %add3A_1 = arith.addi %mul3A_0, %add3A : i32
    %get3A = arith.index_cast %add3A_1 : i32 to index
    %get3A_2 = memref.load %arg1[%get3A] : memref<10000xi32, #tpu.memory_space<smem>>
    %c0_i32 = arith.constant 0 : i32
    %c0_i32_3 = arith.constant 0 : i32
    %c0_i32_4 = arith.constant 0 : i32
    return %get3A_2, %c0_i32, %c0_i32_3 : i32, i32, i32
  }
  func.func @transform_14(%arg0: i32, %arg1: memref<10000xi32, #tpu.memory_space<smem>>) -> (i32, i32, i32) {
    %mul3A = arith.constant 16 : i32
    %mul3A_0 = arith.muli %mul3A, %arg0 : i32
    %add3A = arith.constant 13 : i32
    %add3A_1 = arith.addi %mul3A_0, %add3A : i32
    %get3A = arith.index_cast %add3A_1 : i32 to index
    %get3A_2 = memref.load %arg1[%get3A] : memref<10000xi32, #tpu.memory_space<smem>>
    %c0_i32 = arith.constant 0 : i32
    %c0_i32_3 = arith.constant 0 : i32
    %c0_i32_4 = arith.constant 0 : i32
    return %get3A_2, %c0_i32, %c0_i32_3 : i32, i32, i32
  }
  func.func @transform_15(%arg0: i32, %arg1: memref<10000xi32, #tpu.memory_space<smem>>) -> (i32, i32, i32) {
    %mul3A = arith.constant 16 : i32
    %mul3A_0 = arith.muli %mul3A, %arg0 : i32
    %add3A = arith.constant 14 : i32
    %add3A_1 = arith.addi %mul3A_0, %add3A : i32
    %get3A = arith.index_cast %add3A_1 : i32 to index
    %get3A_2 = memref.load %arg1[%get3A] : memref<10000xi32, #tpu.memory_space<smem>>
    %c0_i32 = arith.constant 0 : i32
    %c0_i32_3 = arith.constant 0 : i32
    %c0_i32_4 = arith.constant 0 : i32
    return %get3A_2, %c0_i32, %c0_i32_3 : i32, i32, i32
  }
  func.func @transform_16(%arg0: i32, %arg1: memref<10000xi32, #tpu.memory_space<smem>>) -> (i32, i32, i32) {
    %mul3A = arith.constant 16 : i32
    %mul3A_0 = arith.muli %mul3A, %arg0 : i32
    %add3A = arith.constant 15 : i32
    %add3A_1 = arith.addi %mul3A_0, %add3A : i32
    %get3A = arith.index_cast %add3A_1 : i32 to index
    %get3A_2 = memref.load %arg1[%get3A] : memref<10000xi32, #tpu.memory_space<smem>>
    %c0_i32 = arith.constant 0 : i32
    %c0_i32_3 = arith.constant 0 : i32
    %c0_i32_4 = arith.constant 0 : i32
    return %get3A_2, %c0_i32, %c0_i32_3 : i32, i32, i32
  }
  func.func @transform_17(%arg0: i32, %arg1: memref<10000xi32, #tpu.memory_space<smem>>) -> (i32, i32, i32) {
    %c0_i32 = arith.constant 0 : i32
    %c0_i32_0 = arith.constant 0 : i32
    %c0_i32_1 = arith.constant 0 : i32
    return %arg0, %c0_i32, %c0_i32_0 : i32, i32, i32
  }
}

</mosaic_0001>

<sc_bundles>
// kernel: kernel.5.cloned.1.call-start
scs
__scs_entry_jumppad:
0x0: {  	(pc) =	sbr.rel $0x88, $3  }
0x1: {  	(tag) =	ssettag $0x0;
	lr =	simm.s32 $0x1  }
0x2: {  	[smem:$0x3F9D] =	sst lr;
	_ =	strace $0xD0000000  }
0x3: {  	_ = 	snop  }
0x4: {  	_ = 	snop  }
0x5: {  	_ = 	snop  }
0x6: {  	_ = 	snop  }
0x7: {  	_ = 	snop  }
__scs_overlays_trampoline_lowered:
0x8: {  	[smem:$0x3FAC] =	sst s0  }
0x9: {  	[smem:$0x3FAD] =	sst s1  }
0xa: {  	[smem:$0x3FAE] =	sst s2  }
0xb: {  	[smem:$0x3FAF] =	sst s3  }
0xc: {  	[smem:$0x3FB0] =	sst s4  }
0xd: {  	[smem:$0x3FB1] =	sst s5  }
0xe: {  	[smem:$0x3FB2] =	sst s6  }
0xf: {  	[smem:$0x3FB3] =	sst s7  }
0x10: {  	[smem:$0x3FB4] =	sst s8  }
0x11: {  	[smem:$0x3FB5] =	sst s9;
	s0 =	simm.s32 @!p0 $0x0  }
0x12: {  	s1 =	sld [smem:$0x3F9B];
	s0 =	simm.s32 @p0 $0x1  }
0x13: {  	[smem:$0x3FB6] =	sst s0;
	s0 =	simm.s32 @!p1 $0x0  }
0x14: {  	s2 =	sld [smem:$0x3F9A];
	s0 =	simm.s32 @p1 $0x1  }
0x15: {  	[smem:$0x3FB7] =	sst s0;
	s0 =	simm.s32 @!p2 $0x0  }
0x16: {  	s3 =	sld [smem:$0x3FDB];
	s0 =	simm.s32 @p2 $0x1  }
0x17: {  	s4 =	simm.s32 $0x1BF5;
	[smem:$0x3FB9] =	sst s0  }
0x18: {  	s0 =	sld [smem:$0x3F9C];
	_ =	swait.ge [sflag:s4], $0x0  }
0x19: {  	s7 =	sld [smem:$0x3F9D]  }
0x1a: {  	s8 =	sadd.s32 $0xFFFFE003, lr  }
0x1b: {  	s9 =	sadd.s32 $0xFFFFFEF7, lr;
	s5 =	simm.s32 $0xFFFFFFFF;
	p2 =	slt.u32 s8, $0xFFFFF086  }
0x1c: {  	p1 =	slt.u32 s9, $0xF7A;
	s5 =	simm.s32 @!p2 $0x0  }
0x1d: {  	s5 =	simm.s32 @p1 $0x1;
	p0 =	seq.s32 s7, s2  }
0x1e: {  	s7 =	smul.u32 @!p0 $0xF7A, s2;
	p2 =	seq.s32 @!p0 s5, $0x0  }
0x1f: {  	s9 =	smul.u32 $0xF7A, s1;
	s8 =	simm.s32 @!p0 $0x1BF5;
	p2 =	por !p2, p0  }
0x20: {  	[sflag:s8] =	ssyncset.s32 @!p0 $0xFFFFF086;
	s6 =	sadd.s32 @!p0 s3, s7;
	s7 =	simm.s32 @!p0 $0x108  }
0x21: {  	s3 =	sadd.s32 s3, s9;
	s6 =	sadd.s32 @!p0 $0x88, s6;
	s7 =	simm.s32 @p2 $0x1082  }
0x22: {  	[simem:s7], [sflag:s8] =	dma.local @!p0 [hbm:s6], $0xF7A  }
0x23: {  	s9 =	sor.u32 $0xD0000000, s2;
	s6 =	simm.s32 $0x108;
	_ =	swait.ge @!p0 [sflag:s8], $0x0  }
0x24: {  	s3 =	sadd.s32 $0x88, s3;
	s6 =	simm.s32 @!p1 $0x1082;
	[sflag:s4] =	ssyncset.s32 $0xFFFFF086  }
0x25: {  	[simem:s6], [sflag:s4] =	dma.local [hbm:s3], $0xF7A  }
0x26: {  	[smem:$0x3F9D] =	sst s1;
	(tag) =	ssettag s2;
	_ =	strace s9  }
0x27: {  	s1 =	sld [smem:$0x3FAD]  }
0x28: {  	s2 =	sld [smem:$0x3FAE]  }
0x29: {  	s4 =	sld [smem:$0x3FB0]  }
0x2a: {  	p0 =	seq.s32 s5, $0x0;
	s5 =	sld [smem:$0x3FB1]  }
0x2b: {  	s6 =	sld [smem:$0x3FB2]  }
0x2c: {  	s7 =	sld [smem:$0x3FB3]  }
0x2d: {  	s3 =	simm.s32 $0x108;
	s8 =	sld [smem:$0x3FB4]  }
0x2e: {  	s3 =	simm.s32 @!p0 $0x1082;
	s9 =	sld [smem:$0x3FB5]  }
0x2f: {  	lr =	sadd.s32 s0, s3;
	s0 =	sld [smem:$0x3FAC]  }
0x30: {  	s3 =	sld [smem:$0x3FAF]  }
0x31: {  	[smem:$0x3FB8] =	sst s10  }
0x32: {  	s10 =	sld [smem:$0x3FB6];
	_ =	sdelay $0x3  }
0x33: {  	p0 =	seq.s32 s10, $0x1;
	s10 =	sld [smem:$0x3FB8];
	_ =	sdelay $0x3  }
0x34: {  	[smem:$0x3FB8] =	sst s10  }
0x35: {  	s10 =	sld [smem:$0x3FB7];
	_ =	sdelay $0x3  }
0x36: {  	p1 =	seq.s32 s10, $0x1;
	s10 =	sld [smem:$0x3FB8];
	_ =	sdelay $0x3  }
0x37: {  	[smem:$0x3FB8] =	sst s10  }
0x38: {  	s10 =	sld [smem:$0x3FB9]  }
0x39: {  	_ = 	snop;
	(pc) =	sbr.ind lr, $3  }
0x3a: {  	_ = 	snop  }
0x3b: {  	_ = 	snop  }
0x3c: {  	p2 =	seq.s32 s10, $0x1;
	s10 =	sld [smem:$0x3FB8]  }
0x3d: {  	_ =	shalt  }
0x3e: {  	_ =	shalt  }
0x3f: {  	_ =	shalt  }
0x40: {  	_ =	shalt  }
0x41: {  	_ =	shalt  }
0x42: {  	_ =	shalt  }
0x43: {  	_ =	shalt  }
0x44: {  	_ =	shalt  }
0x45: {  	_ =	shalt  }
0x46: {  	_ =	shalt  }
0x47: {  	_ =	shalt  }
0x48: {  	_ =	shalt  }
0x49: {  	_ =	shalt  }
0x4a: {  	_ =	shalt  }
0x4b: {  	_ =	shalt  }
0x4c: {  	_ =	shalt  }
0x4d: {  	_ =	shalt  }
0x4e: {  	_ =	shalt  }
0x4f: {  	_ =	shalt  }
0x50: {  	_ =	shalt  }
0x51: {  	_ =	shalt  }
0x52: {  	_ =	shalt  }
0x53: {  	_ =	shalt  }
0x54: {  	_ =	shalt  }
0x55: {  	_ =	shalt  }
0x56: {  	_ =	shalt  }
0x57: {  	_ =	shalt  }
0x58: {  	_ =	shalt  }
0x59: {  	_ =	shalt  }
0x5a: {  	_ =	shalt  }
0x5b: {  	_ =	shalt  }
0x5c: {  	_ =	shalt  }
0x5d: {  	_ =	shalt  }
0x5e: {  	_ =	shalt  }
0x5f: {  	_ =	shalt  }
0x60: {  	_ =	shalt  }
0x61: {  	_ =	shalt  }
0x62: {  	_ =	shalt  }
0x63: {  	_ =	shalt  }
0x64: {  	_ =	shalt  }
0x65: {  	_ =	shalt  }
0x66: {  	_ =	shalt  }
0x67: {  	_ =	shalt  }
0x68: {  	_ =	shalt  }
0x69: {  	_ =	shalt  }
0x6a: {  	_ =	shalt  }
0x6b: {  	_ =	shalt  }
0x6c: {  	_ =	shalt  }
0x6d: {  	_ =	shalt  }
0x6e: {  	_ =	shalt  }
0x6f: {  	_ =	shalt  }
0x70: {  	_ =	shalt  }
0x71: {  	_ =	shalt  }
0x72: {  	_ =	shalt  }
0x73: {  	_ =	shalt  }
0x74: {  	_ =	shalt  }
0x75: {  	_ =	shalt  }
0x76: {  	_ =	shalt  }
0x77: {  	_ =	shalt  }
0x78: {  	_ =	shalt  }
0x79: {  	_ =	shalt  }
0x7a: {  	_ =	shalt  }
0x7b: {  	_ =	shalt  }
0x7c: {  	_ =	shalt  }
0x7d: {  	_ =	shalt  }
0x7e: {  	_ =	shalt  }
0x7f: {  	_ =	shalt  }
0x80: {  	_ =	shalt  }
0x81: {  	_ =	shalt  }
0x82: {  	_ =	shalt  }
0x83: {  	_ =	shalt  }
0x84: {  	_ =	shalt  }
0x85: {  	_ =	shalt  }
0x86: {  	_ =	shalt  }
0x87: {  	_ =	shalt  }
.Lfunc_end0:
.L_simem_size_0:
called_computation_lowered:
.L_overlay_start_0:
0x88: {  	s2 =	sld [smem:$0x3FD9]  }
0x89: {  	s3 =	sld [smem:$0x3FFE];
	_ =	sdelay $0x1  }
0x8a: {  	s1 =	srdreg.scid  }
0x8b: {  	s0 =	sand.u32 $0x1, s1  }
0x8c: {  	s17 =	sshll.u32 s0, $0xA;
	s2 =	sadd.s32 s3, s2  }
0x8d: {  	s2 =	sadd.s32 s2, s17  }
0x8e: {  	[smem:$0x3FC4] =	sst s2  }
0x8f: {  	_ = 	snop  }
0x90: {  	s2 =	sld [smem:$0x3FD0];
	(tm) =	ssettm $0x1  }
0x91: {  	s18 =	sld [smem:$0x3FFB];
	_ =	sdelay $0x3  }
0x92: {  	_ =	strace s18  }
0x93: {  	s3 =	sld [smem:$0x3FFC];
	_ =	sdelay $0x3  }
0x94: {  	_ =	strace s3  }
0x95: {  	s3 =	sld [smem:$0x3FFD];
	_ =	sdelay $0x3  }
0x96: {  	_ =	strace s3  }
0x97: {  	_ =	strace $0x8FFFFFFF  }
0x98: {  	s19 =	sld [smem:$0x3FDB];
	_ =	sdelay $0x1  }
0x99: {  	s4 =	simm.s32 $_scs_section_size  }
0x9a: {  	s5 =	simm.s32 $_size__tile_overlayer_lowered;
	s6 =	simm.s32 $_tile_overlayer_lowered  }
0x9b: {  	s22 =	simm.s32 $0x1BFF;
	s21 =	sshll.u32 s6, $0x1;
	s3 =	sadd.s32 s4, s19  }
0x9c: {  	s7 =	simm.s32 $0x0;
	s20 =	sshll.u32 s5, $0x1;
	s5 =	sadd.s32 s21, s3  }
0x9d: {  	[timem:s7], [sflag:s22] =	dma.local [hbm:s5], s20  }
0x9e: {  	_ =	swait.ge [sflag:s22], s20  }
0x9f: {  	s4 =	ssub.s32 $0x0, s20;
	[sflag:s22] =	ssyncset.done $0x0  }
0xa0: {  	[sflag:s22] =	ssyncadd.s32 s4;
	_ =	sdelay $0x1  }
0xa1: {  	s23 =	simm.s32 $0x1B8B  }
0xa2: {  	_ =	swait.ge [sflag:s23], $0x1  }
0xa3: {  	[sflag:s23] =	ssyncset.done $0x0  }
0xa4: {  	s25 =	simm.s32 $0x1B8E;
	s24 =	sld [smem:$0x3FFE];
	[sflag:s23] =	ssyncadd.s32 $0xFFFFFFFF  }
0xa5: {  	s26 =	simm.s32 $execute0_lowered;
	[smem:$0x3FD2] =	sst s25  }
0xa6: {  	s5 =	sshll.u32 s26, $0x1;
	_ =	strace $0x80000046;
	[dreg:$0x1] =	wrdreg $0xFFFFFFFF  }
0xa7: {  	s28 =	simm.s32 $_size_execute0_lowered;
	s3 =	sadd.s32 s3, s5;
	[dreg:$0x0] =	wrdreg $0x0  }
0xa8: {  	s5 =	sshll.u32 s28, $0x1;
	[dreg:$0x2] =	wrdreg s3  }
0xa9: {  	[dreg:$0x3] =	wrdreg s5  }
0xaa: {  	[dreg:$0x4] =	wrdreg $0xC0  }
0xab: {  	_ =	task [dreg:s7], $0x5FFFF  }
0xac: {  	[dreg:$0x1] =	wrdreg $0xFFFFFFFF  }
0xad: {  	[dreg:$0x0] =	wrdreg $0x60  }
0xae: {  	[dreg:$0x2] =	wrdreg s24  }
0xaf: {  	[dreg:$0x3] =	wrdreg s2  }
0xb0: {  	[dreg:$0x4] =	wrdreg $0x7A800  }
0xb1: {  	[dreg:$0x5] =	wrdreg $0x9  }
0xb2: {  	_ =	task.clear_ibuf [dreg:s7], $0x6FFFF;
	_ =	strace $0x90000046  }
0xb3: {  	s29 =	simm.s32 $0x9;
	_ =	strace $0x80000048  }
0xb4: {  	_ =	swait.ge [sflag:s29], $0x1  }
0xb5: {  	[sflag:s29] =	ssyncadd.s32 $0xFFFFFFFF  }
0xb6: {  	_ =	strace $0x90000048  }
0xb7: {  	_ =	sfence  }
0xb8: {  	s30 =	sld [smem:$0x0];
	_ =	sdelay $0x2  }
0xb9: {  	s31 =	sshll.u32 s1, $0xD;
	s1 =	sshrl.u32 s1, $0x2  }
0xba: {  	s3 =	sand.u32 $0x4000, s31;
	s1 =	sadd.s32 s1, s30  }
0xbb: {  	s0 =	sor.u32 s3, s0;
	s1 =	sshll.u32 s1, $0x11  }
0xbc: {  	s0 =	sor.u32 s1, s0  }
0xbd: {  	s0 =	sadd.s32 $0x8F2B, s0  }
0xbe: {  	[sflag:s0] =	ssyncadd.remote.s32 $0x1  }
0xbf: {  	_ =	sfence.sel $0xFFFF  }
0xc0: {  	[dreg:$0x0] =	wrdreg $0xFFFFFFFF;
	(pc) =	sbr.abs _section_cstart, $3  }
0xc1: {  	[dreg:$0x1] =	wrdreg $0xFFFFFFFF  }
0xc2: {  	_ =	task.clear_ibuf [dreg:s7], $0x2FFFF;
	_ =	strace $0x9FFFFFFF  }
0xc3: {  	(tm) =	ssettm $0x7FFFFFFF  }
tec
execute0_lowered:
.L_overlay_start_1:
0x0: {  	(tag) =	ssettag $0x1  }
0x1: {  	s0 =	srdreg.scid  }
0x2: {  	s20 =	stileid.u32;
	s3 =	rddreg [dreg:$0x0]  }
0x3: {  	s28 =	rddreg [dreg:$0x2];
	s1 =	sand.u32 $0x1, s0;
	s7 =	smul.u32 $0x278, s20  }
0x4: {  	s4 =	smul.u32 $0x2780, s20;
	s8 =	sadd.s32 $0x53A00, s3;
	s0 =	ssub.s32 $0x2, s1  }
0x5: {  	s9 =	sadd.s32 $0x7B200, s3;
	s15 =	smul.u32 $0x2780, s1;
	s2 =	sshrl.u32 s0, $0x1  }
0x6: {  	s10 =	sadd.s32 s8, s4;
	s4 =	sadd.s32 $0xA0, s7;
	s5 =	sadd.s32 $0xF0, s7  }
0x7: {  	s2 =	ssub.s32 s0, s2;
	[dreg:$0x4] =	wrdreg s10;
	s10 =	sadd.s32 $0x50, s7  }
0x8: {  	s6 =	sshll.u32 s4, $0x4;
	s13 =	sshll.u32 s5, $0x4;
	s11 =	sshll.u32 s10, $0x4  }
0x9: {  	s12 =	sadd.s32 s8, s6;
	s6 =	sadd.s32 $0x190, s7;
	s0 =	sadd.s32 s8, s11  }
0xa: {  	[dreg:$0x6] =	wrdreg s12;
	s11 =	sadd.s32 $0x140, s7;
	s12 =	sshll.u32 s6, $0x4  }
0xb: {  	[dreg:$0x5] =	wrdreg s0;
	s0 =	sadd.s32 s8, s13;
	s14 =	sshll.u32 s11, $0x4  }
0xc: {  	s16 =	sadd.s32 s8, s12;
	s13 =	sadd.s32 $0x1E0, s7;
	[dreg:$0x7] =	wrdreg s0  }
0xd: {  	s0 =	sadd.s32 s8, s14;
	[dreg:$0x9] =	wrdreg s16;
	s17 =	sshll.u32 s13, $0x4  }
0xe: {  	s14 =	sadd.s32 $0x230, s7;
	s7 =	sadd.s32 s7, s15;
	[dreg:$0x8] =	wrdreg s0  }
0xf: {  	s0 =	sadd.s32 s8, s17;
	s18 =	sshll.u32 s14, $0x4;
	s7 =	sshll.u32 s7, $0x4  }
0x10: {  	s15 =	sadd.s32 s15, s14;
	[dreg:$0xa] =	wrdreg s0;
	s0 =	sadd.s32 s8, s18  }
0x11: {  	s19 =	sadd.s32 s9, s7;
	s12 =	sadd.s32 $0xA00, s7;
	[dreg:$0xb] =	wrdreg s0  }
0x12: {  	s16 =	sadd.s32 $0xF00, s7;
	[dreg:$0xc] =	wrdreg s19;
	s22 =	sadd.s32 s9, s12  }
0x13: {  	s17 =	sadd.s32 $0x1400, s7;
	s23 =	sadd.s32 s9, s16;
	[dreg:$0xe] =	wrdreg s22  }
0x14: {  	s18 =	sadd.s32 $0x1900, s7;
	s24 =	sadd.s32 s9, s17;
	[dreg:$0xf] =	wrdreg s23  }
0x15: {  	s0 =	sadd.s32 $0x500, s7;
	s25 =	sadd.s32 s9, s18;
	[dreg:$0x10] =	wrdreg s24  }
0x16: {  	s19 =	sadd.s32 $0x1E00, s7;
	s21 =	sadd.s32 s9, s0;
	[dreg:$0x11] =	wrdreg s25  }
0x17: {  	s15 =	sshll.u32 s15, $0x4;
	s26 =	sadd.s32 s9, s19;
	[dreg:$0xd] =	wrdreg s21  }
0x18: {  	s22 =	sadd.s32 $0xCA200, s3;
	[dreg:$0x12] =	wrdreg s26;
	s21 =	sadd.s32 s9, s15  }
0x19: {  	s7 =	sadd.s32 s22, s7;
	[dreg:$0x13] =	wrdreg s21  }
0x1a: {  	s0 =	sadd.s32 s22, s0;
	[dreg:$0x14] =	wrdreg s7  }
0x1b: {  	s29 =	simm.s32 $0x80;
	s23 =	sadd.s32 s22, s12;
	[dreg:$0x15] =	wrdreg s0  }
0x1c: {  	s2 =	smax.u32 s2, $0x1;
	s24 =	sadd.s32 s22, s16;
	[dreg:$0x16] =	wrdreg s23  }
0x1d: {  	s25 =	sadd.s32 s22, s17;
	s26 =	smul.u32 $0x13880, s1;
	[dreg:$0x17] =	wrdreg s24  }
0x1e: {  	s8 =	sadd.s32 s22, s18;
	s16 =	smul.u32 $0x1388, s20;
	[dreg:$0x18] =	wrdreg s25  }
0x1f: {  	s12 =	sadd.s32 s22, s19;
	s18 =	smul.u32 $0x2710, s20;
	[dreg:$0x19] =	wrdreg s8  }
0x20: {  	s17 =	sadd.s32 s22, s15;
	s19 =	smul.u32 $0x4E2, s20;
	[dreg:$0x1a] =	wrdreg s12  }
0x21: {  	s22 =	sadd.s32 $0x200, s3;
	s1 =	smul.u32 $0x2710, s1;
	[dreg:$0x1b] =	wrdreg s17  }
0x22: {  	s25 =	simm.s32 $0x0;
	s21 =	rddreg [dreg:$0x1];
	s8 =	sshll.u32 s10, $0x7  }
0x23: {  	s12 =	sshll.u32 s20, $0x6;
	s17 =	sshll.u32 s5, $0x7;
	s10 =	simm.s32 $0x180  }
0x24: {  	s0 =	sadd.s32 s16, s26;
	[smem:$0x7FF] =	sst s25;
	s9 =	sshrl.u32 s18, $0x3  }
0x25: {  	s30 =	sadd.s32 s19, s22;
	s31 =	sadd.s32 s19, s21;
	s26 =	smul.u32 $0x4F000, s20  }
0x26: {  	s12 =	sor.u32 $0x1C03, s12;
	s15 =	sadd.s32 s8, s28;
	s16 =	sshll.u32 s4, $0x7  }
0x27: {  	s18 =	sshll.u32 s11, $0x7;
	s19 =	sadd.s32 s17, s28;
	s11 =	simm.s32 $0x2A00  }
0x28: {  	s17 =	simm.s32 $0x0;
	s23 =	sadd.s32 s22, s9;
	s24 =	sadd.s32 s21, s9  }
0x29: {  	s0 =	sshrl.u32 s0, $0x3;
	s9 =	sadd.s32 $0x5200, s3;
	[dreg:$0x1c] =	wrdreg s23  }
0x2a: {  	s3 =	sadd.s32 $0x53400, s3;
	s20 =	sadd.s32 s18, s28;
	[dreg:$0x1d] =	wrdreg s24  }
0x2b: {  	s22 =	sshll.u32 s13, $0x7;
	_ =	strace $0x80000047;
	[dreg:$0x1e] =	wrdreg s3  }
0x2c: {  	s13 =	simm.s32 $0x2;
	s0 =	sadd.s32 s0, s21;
	[smem:$0x7F6] =	sst s15  }
0x2d: {  	s7 =	sshrl.u32 s26, $0x2;
	s21 =	sshll.u32 s6, $0x7;
	[smem:$0x7F8] =	sst s19  }
0x2e: {  	s23 =	sshll.u32 s14, $0x7;
	s24 =	sadd.s32 s22, s28;
	[smem:$0x7F9] =	sst s20  }
0x2f: {  	s22 =	simm.s32 $0x100;
	s14 =	simm.s32 $0x5200;
	[smem:$0x7FB] =	sst s24  }
0x30: {  	s3 =	sadd.s32 s7, s28;
	s26 =	sadd.s32 s23, s28;
	[smem:$0x7FD] =	sst s2  }
0x31: {  	s23 =	simm.s32 $0x50;
	s24 =	simm.s32 $0x200;
	[dreg:$0x1f] =	wrdreg s3  }
0x32: {  	s15 =	simm.s32 $0x7A00;
	s3 =	sadd.s32 s16, s28;
	[smem:$0x7FC] =	sst s26  }
0x33: {  	s26 =	simm.s32 $0x1;
	[smem:$0x7F7] =	sst s3;
	s3 =	sadd.s32 s21, s28  }
0x34: {  	v0 =	vmov s1;
	s16 =	simm.s32 $0x28;
	s21 =	simm.s32 $0x3;
	[smem:$0x7FA] =	sst s3  }
.LBB2_1:
0x35: {  	s1 =	rddreg [dreg:$0x1f]  }
0x36: {  	s3 =	rddreg [dreg:$0x4];
	s2 =	sshrl.u32 s1, $0x3  }
0x37: {  	[smem:$0x7F5] =	sst s2  }
0x38: {  	[spmem:s2], [sflag:s12] =	dma.local [hbm:s3], $0x500  }
0x39: {  	_ =	swait.ge [sflag:s21], $0x500  }
0x3a: {  	s4 =	sld [smem:$0x7F6];
	_ =	sdelay $0x1  }
0x3b: {  	[sflag:s21] =	ssyncset.done $0x0  }
0x3c: {  	s5 =	rddreg [dreg:$0x5];
	[sflag:s21] =	ssyncadd.s32 $0xFFFFFB00;
	s19 =	sshrl.u32 s4, $0x3  }
0x3d: {  	[spmem:s19], [sflag:s12] =	dma.local [hbm:s5], $0x500  }
0x3e: {  	_ =	swait.ge [sflag:s21], $0x500  }
0x3f: {  	s6 =	sld [smem:$0x7F7];
	_ =	sdelay $0x1  }
0x40: {  	[sflag:s21] =	ssyncset.done $0x0  }
0x41: {  	s7 =	rddreg [dreg:$0x6];
	[sflag:s21] =	ssyncadd.s32 $0xFFFFFB00;
	s20 =	sshrl.u32 s6, $0x3  }
0x42: {  	[spmem:s20], [sflag:s12] =	dma.local [hbm:s7], $0x500  }
0x43: {  	_ =	swait.ge [sflag:s21], $0x500  }
0x44: {  	s8 =	sld [smem:$0x7F8];
	_ =	sdelay $0x1  }
0x45: {  	[sflag:s21] =	ssyncset.done $0x0  }
0x46: {  	s18 =	rddreg [dreg:$0x7];
	[sflag:s21] =	ssyncadd.s32 $0xFFFFFB00;
	s1 =	sshrl.u32 s8, $0x3  }
0x47: {  	[spmem:s1], [sflag:s12] =	dma.local [hbm:s18], $0x500  }
0x48: {  	_ =	swait.ge [sflag:s21], $0x500  }
0x49: {  	s3 =	sld [smem:$0x7F9];
	_ =	sdelay $0x1  }
0x4a: {  	[sflag:s21] =	ssyncset.done $0x0  }
0x4b: {  	[sflag:s21] =	ssyncadd.s32 $0xFFFFFB00;
	s2 =	sshrl.u32 s3, $0x3;
	s3 =	rddreg [dreg:$0x8]  }
0x4c: {  	[spmem:s2], [sflag:s12] =	dma.local [hbm:s3], $0x500  }
0x4d: {  	_ =	swait.ge [sflag:s21], $0x500  }
0x4e: {  	s4 =	sld [smem:$0x7FA];
	_ =	sdelay $0x1  }
0x4f: {  	[sflag:s21] =	ssyncset.done $0x0  }
0x50: {  	[sflag:s21] =	ssyncadd.s32 $0xFFFFFB00;
	s3 =	sshrl.u32 s4, $0x3;
	s4 =	rddreg [dreg:$0x9]  }
0x51: {  	[spmem:s3], [sflag:s12] =	dma.local [hbm:s4], $0x500  }
0x52: {  	_ =	swait.ge [sflag:s21], $0x500  }
0x53: {  	s5 =	sld [smem:$0x7FB];
	_ =	sdelay $0x1  }
0x54: {  	[sflag:s21] =	ssyncset.done $0x0  }
0x55: {  	[sflag:s21] =	ssyncadd.s32 $0xFFFFFB00;
	s4 =	sshrl.u32 s5, $0x3;
	s5 =	rddreg [dreg:$0xa]  }
0x56: {  	[spmem:s4], [sflag:s12] =	dma.local [hbm:s5], $0x500  }
0x57: {  	_ =	swait.ge [sflag:s21], $0x500  }
0x58: {  	s6 =	sld [smem:$0x7FC];
	_ =	sdelay $0x1  }
0x59: {  	[sflag:s21] =	ssyncset.done $0x0  }
0x5a: {  	[sflag:s21] =	ssyncadd.s32 $0xFFFFFB00;
	s5 =	sshrl.u32 s6, $0x3;
	s6 =	rddreg [dreg:$0xb]  }
0x5b: {  	[spmem:s5], [sflag:s12] =	dma.local [hbm:s6], $0x480  }
0x5c: {  	_ =	swait.ge [sflag:s21], $0x480  }
0x5d: {  	[sflag:s21] =	ssyncset.done $0x0  }
0x5e: {  	[sflag:s21] =	ssyncadd.s32 $0xFFFFFB80  }
0x5f: {  	[bflag:$0x0] =	sbarrier.arrive $0xFFFF  }
0x60: {  	s7 =	rddreg [dreg:$0x1c]  }
0x61: {  	[tilespmem:s25], [sflag:$0x3] =	stream.linear.gather [hbm4b:s7+s25], $0x50, $0x38;
	[tilespmem:$0x1B680] =	vst v63  }
0x62: {  	_ =	swait.ge [sflag:s21], $0x50  }
0x63: {  	[sflag:s21] =	ssyncset.done $0x0  }
0x64: {  	s8 =	rddreg [dreg:$0x1d];
	[sflag:s21] =	ssyncadd.s32 $0xFFFFFFB0  }
0x65: {  	[tilespmem:s22], [sflag:$0x3] =	stream.linear.gather [hbm4b:s8+s25], $0x50, $0x38;
	[tilespmem:$0x1B680] =	vst v63  }
0x66: {  	_ =	swait.ge [sflag:s21], $0x50  }
0x67: {  	[sflag:s21] =	ssyncset.done $0x0  }
0x68: {  	[sflag:s21] =	ssyncadd.s32 $0xFFFFFFB0  }
0x69: {  	v1 =	vld [tilespmem:$0x0]  }
0x6a: {  	v2 =	vld [tilespmem:$0x10]  }
0x6b: {  	v3 =	vld [tilespmem:$0x20]  }
0x6c: {  	v4 =	vld [tilespmem:$0x30]  }
0x6d: {  	v5 =	vld [tilespmem:$0x40]  }
0x6e: {  	v1 =	vadd.s32 v0, v1  }
0x6f: {  	[tilespmem:$0x0] =	vst v1;
	v1 =	vadd.s32 v0, v2  }
0x70: {  	[tilespmem:$0x10] =	vst v1;
	v1 =	vadd.s32 v0, v3  }
0x71: {  	[tilespmem:$0x20] =	vst v1;
	v1 =	vadd.s32 v0, v4  }
0x72: {  	[tilespmem:$0x30] =	vst v1;
	v1 =	vadd.s32 v0, v5  }
0x73: {  	[tilespmem:$0x40] =	vst v1  }
0x74: {  	[tilespmem:s24], [sflag:$0x1] =	stream.indirect.gather [hbm4b:s9+s23], $0x80, s25, s23, $0xb8;
	[tilespmem:$0x1B680] =	vst v63  }
0x75: {  	_ =	swait.ge [sflag:s26], $0x2800  }
0x76: {  	[sflag:s26] =	ssyncset.done $0x0  }
0x77: {  	[sflag:s26] =	ssyncadd.s32 $0xFFFFD800  }
0x78: {  	[spmem:s28] =	stream.indirect.scatter.add.f32 [tilespmem:s24], [sflag:$0x3], $0x80, s22, s23, $0xb8;
	[tilespmem:$0x1B680] =	vst v63  }
0x79: {  	_ =	swait.ge [sflag:s21], $0x2800  }
0x7a: {  	s6 =	sadd.s32 $0xFFFFFB28, s30;
	[sflag:s21] =	ssyncset.done $0x0  }
0x7b: {  	s7 =	sadd.s32 $0x4E2, s6;
	[sflag:s21] =	ssyncadd.s32 $0xFFFFD800  }
0x7c: {  	[tilespmem:s29], [sflag:$0x3] =	stream.linear.gather [hbm4b:s7+s25], $0x50, $0x38;
	[tilespmem:$0x1B680] =	vst v63  }
0x7d: {  	_ =	swait.ge [sflag:s21], $0x50  }
0x7e: {  	s18 =	sadd.s32 $0xFFFFFB28, s31;
	[sflag:s21] =	ssyncset.done $0x0  }
0x7f: {  	s8 =	sadd.s32 $0x4E2, s18;
	[sflag:s21] =	ssyncadd.s32 $0xFFFFFFB0  }
0x80: {  	[tilespmem:s10], [sflag:$0x3] =	stream.linear.gather [hbm4b:s8+s25], $0x50, $0x38;
	[tilespmem:$0x1B680] =	vst v63  }
0x81: {  	_ =	swait.ge [sflag:s21], $0x50  }
0x82: {  	[sflag:s21] =	ssyncset.done $0x0  }
0x83: {  	[sflag:s21] =	ssyncadd.s32 $0xFFFFFFB0  }
0x84: {  	v1 =	vld [tilespmem:$0xC0]  }
0x85: {  	v2 =	vld [tilespmem:$0xA0]  }
0x86: {  	v3 =	vld [tilespmem:$0x90]  }
0x87: {  	v60 =	vld [tilespmem:$0x80]  }
0x88: {  	v61 =	vld [tilespmem:$0xB0]  }
0x89: {  	v1 =	vadd.s32 v0, v1  }
0x8a: {  	v2 =	vadd.s32 v0, v2;
	[tilespmem:$0xC0] =	vst v1  }
0x8b: {  	v1 =	vadd.s32 v0, v3;
	[tilespmem:$0xA0] =	vst v2  }
0x8c: {  	v2 =	vadd.s32 v0, v60;
	[tilespmem:$0x90] =	vst v1  }
0x8d: {  	[tilespmem:$0x80] =	vst v2;
	v1 =	vadd.s32 v0, v61  }
0x8e: {  	[tilespmem:$0xB0] =	vst v1  }
0x8f: {  	[tilespmem:s11], [sflag:$0x2] =	stream.indirect.gather [hbm4b:s9+s23], $0x80, s29, s23, $0xb8;
	[tilespmem:$0x1B680] =	vst v63  }
0x90: {  	s6 =	sadd.s32 $0x4EC, s6  }
0x91: {  	[tilespmem:s25], [sflag:$0x3] =	stream.linear.gather [hbm4b:s6+s25], $0x50, $0x38;
	[tilespmem:$0x1B680] =	vst v63  }
0x92: {  	_ =	swait.ge [sflag:s21], $0x50  }
0x93: {  	[sflag:s21] =	ssyncset.done $0x0  }
0x94: {  	s18 =	sadd.s32 $0x4EC, s18;
	[sflag:s21] =	ssyncadd.s32 $0xFFFFFFB0  }
0x95: {  	[tilespmem:s22], [sflag:$0x3] =	stream.linear.gather [hbm4b:s18+s25], $0x50, $0x38;
	[tilespmem:$0x1B680] =	vst v63  }
0x96: {  	_ =	swait.ge [sflag:s21], $0x50  }
0x97: {  	[sflag:s21] =	ssyncset.done $0x0  }
0x98: {  	[sflag:s21] =	ssyncadd.s32 $0xFFFFFFB0  }
0x99: {  	v1 =	vld [tilespmem:$0x40]  }
0x9a: {  	v2 =	vld [tilespmem:$0x0]  }
0x9b: {  	v3 =	vld [tilespmem:$0x30]  }
0x9c: {  	v62 =	vld [tilespmem:$0x10]  }
0x9d: {  	v63 =	vld [tilespmem:$0x20]  }
0x9e: {  	v1 =	vadd.s32 v0, v1  }
0x9f: {  	v2 =	vadd.s32 v0, v2;
	[tilespmem:$0x40] =	vst v1  }
0xa0: {  	[tilespmem:$0x0] =	vst v2;
	v1 =	vadd.s32 v0, v3  }
0xa1: {  	v2 =	vadd.s32 v0, v62;
	[tilespmem:$0x30] =	vst v1  }
0xa2: {  	[tilespmem:$0x10] =	vst v2;
	v1 =	vadd.s32 v0, v63  }
0xa3: {  	[tilespmem:$0x20] =	vst v1  }
0xa4: {  	[tilespmem:s24], [sflag:$0x1] =	stream.indirect.gather [hbm4b:s9+s23], $0x80, s25, s23, $0xb8;
	[tilespmem:$0x1B680] =	vst v63  }
0xa5: {  	_ =	swait.ge [sflag:s13], $0x2800  }
0xa6: {  	[sflag:s13] =	ssyncset.done $0x0  }
0xa7: {  	[sflag:s13] =	ssyncadd.s32 $0xFFFFD800  }
0xa8: {  	[spmem:s28] =	stream.indirect.scatter.add.f32 [tilespmem:s11], [sflag:$0x3], $0x80, s10, s23, $0xb8;
	[tilespmem:$0x1B680] =	vst v63  }
0xa9: {  	s6 =	simm.s32 $0xFFFFFB3C;
	_ =	swait.ge [sflag:s21], $0x2800  }
.LBB2_2:
0xaa: {  	p0 =	sne.s32 s6, $0xFFFFFFEC  }
0xab: {  	[sflag:s21] =	ssyncset.done $0x0;
	s7 =	smov.u32 s6;
	s6 =	sadd.s32 $0x14, s6  }
0xac: {  	[sflag:s21] =	ssyncadd.s32 $0xFFFFD800  }
0xad: {  	_ =	swait.ge [sflag:s26], $0x2800  }
0xae: {  	[sflag:s26] =	ssyncset.done $0x0  }
0xaf: {  	[sflag:s26] =	ssyncadd.s32 $0xFFFFD800  }
0xb0: {  	[spmem:s28] =	stream.indirect.scatter.add.f32 [tilespmem:s24], [sflag:$0x3], $0x80, s22, s23, $0xb8;
	[tilespmem:$0x1B680] =	vst v63  }
0xb1: {  	_ =	swait.ge [sflag:s21], $0x2800  }
0xb2: {  	s8 =	sadd.s32 s7, s30;
	[sflag:s21] =	ssyncset.done $0x0  }
0xb3: {  	s18 =	sadd.s32 $0x4E2, s8;
	[sflag:s21] =	ssyncadd.s32 $0xFFFFD800  }
0xb4: {  	[tilespmem:s29], [sflag:$0x3] =	stream.linear.gather [hbm4b:s18+s25], $0x50, $0x38;
	[tilespmem:$0x1B680] =	vst v63  }
0xb5: {  	_ =	swait.ge [sflag:s21], $0x50  }
0xb6: {  	s7 =	sadd.s32 s7, s31;
	[sflag:s21] =	ssyncset.done $0x0  }
0xb7: {  	s18 =	sadd.s32 $0x4E2, s7;
	[sflag:s21] =	ssyncadd.s32 $0xFFFFFFB0  }
0xb8: {  	[tilespmem:s10], [sflag:$0x3] =	stream.linear.gather [hbm4b:s18+s25], $0x50, $0x38;
	[tilespmem:$0x1B680] =	vst v63  }
0xb9: {  	_ =	swait.ge [sflag:s21], $0x50  }
0xba: {  	[sflag:s21] =	ssyncset.done $0x0  }
0xbb: {  	[sflag:s21] =	ssyncadd.s32 $0xFFFFFFB0  }
0xbc: {  	v1 =	vld [tilespmem:$0xC0]  }
0xbd: {  	v2 =	vld [tilespmem:$0xA0]  }
0xbe: {  	v3 =	vld [tilespmem:$0x90]  }
0xbf: {  	v4 =	vld [tilespmem:$0x80]  }
0xc0: {  	v5 =	vld [tilespmem:$0xB0]  }
0xc1: {  	v1 =	vadd.s32 v0, v1  }
0xc2: {  	v2 =	vadd.s32 v0, v2;
	[tilespmem:$0xC0] =	vst v1  }
0xc3: {  	v1 =	vadd.s32 v0, v3;
	[tilespmem:$0xA0] =	vst v2  }
0xc4: {  	v2 =	vadd.s32 v0, v4;
	[tilespmem:$0x90] =	vst v1  }
0xc5: {  	[tilespmem:$0x80] =	vst v2;
	v1 =	vadd.s32 v0, v5  }
0xc6: {  	[tilespmem:$0xB0] =	vst v1  }
0xc7: {  	[tilespmem:s11], [sflag:$0x2] =	stream.indirect.gather [hbm4b:s9+s23], $0x80, s29, s23, $0xb8;
	[tilespmem:$0x1B680] =	vst v63  }
0xc8: {  	s8 =	sadd.s32 $0x4EC, s8  }
0xc9: {  	[tilespmem:s25], [sflag:$0x3] =	stream.linear.gather [hbm4b:s8+s25], $0x50, $0x38;
	[tilespmem:$0x1B680] =	vst v63  }
0xca: {  	_ =	swait.ge [sflag:s21], $0x50  }
0xcb: {  	[sflag:s21] =	ssyncset.done $0x0  }
0xcc: {  	s7 =	sadd.s32 $0x4EC, s7;
	[sflag:s21] =	ssyncadd.s32 $0xFFFFFFB0  }
0xcd: {  	[tilespmem:s22], [sflag:$0x3] =	stream.linear.gather [hbm4b:s7+s25], $0x50, $0x38;
	[tilespmem:$0x1B680] =	vst v63  }
0xce: {  	_ =	swait.ge [sflag:s21], $0x50  }
0xcf: {  	[sflag:s21] =	ssyncset.done $0x0  }
0xd0: {  	[sflag:s21] =	ssyncadd.s32 $0xFFFFFFB0  }
0xd1: {  	v1 =	vld [tilespmem:$0x40]  }
0xd2: {  	v2 =	vld [tilespmem:$0x0]  }
0xd3: {  	v3 =	vld [tilespmem:$0x30]  }
0xd4: {  	v4 =	vld [tilespmem:$0x10]  }
0xd5: {  	v5 =	vld [tilespmem:$0x20]  }
0xd6: {  	v1 =	vadd.s32 v0, v1  }
0xd7: {  	v2 =	vadd.s32 v0, v2;
	[tilespmem:$0x40] =	vst v1  }
0xd8: {  	[tilespmem:$0x0] =	vst v2;
	v1 =	vadd.s32 v0, v3  }
0xd9: {  	v2 =	vadd.s32 v0, v4;
	[tilespmem:$0x30] =	vst v1  }
0xda: {  	[tilespmem:$0x10] =	vst v2;
	v1 =	vadd.s32 v0, v5  }
0xdb: {  	[tilespmem:$0x20] =	vst v1  }
0xdc: {  	[tilespmem:s24], [sflag:$0x1] =	stream.indirect.gather [hbm4b:s9+s23], $0x80, s25, s23, $0xb8;
	[tilespmem:$0x1B680] =	vst v63  }
.Ltmp0:
0xdd: {  	_ =	swait.ge [sflag:s13], $0x2800;
	(pc) =	sbr.rel @p0 .LBB2_2-.Ltmp0, $4  }
0xde: {  	[sflag:s13] =	ssyncset.done $0x0  }
0xdf: {  	[sflag:s13] =	ssyncadd.s32 $0xFFFFD800  }
0xe0: {  	[spmem:s28] =	stream.indirect.scatter.add.f32 [tilespmem:s11], [sflag:$0x3], $0x80, s10, s23, $0xb8;
	[tilespmem:$0x1B680] =	vst v63  }
0xe1: {  	_ =	swait.ge [sflag:s21], $0x2800  }
0xe2: {  	[sflag:s21] =	ssyncset.done $0x0  }
0xe3: {  	[sflag:s21] =	ssyncadd.s32 $0xFFFFD800  }
0xe4: {  	_ =	swait.ge [sflag:s26], $0x2800  }
0xe5: {  	[sflag:s26] =	ssyncset.done $0x0  }
0xe6: {  	[sflag:s26] =	ssyncadd.s32 $0xFFFFD800  }
0xe7: {  	[spmem:s28] =	stream.indirect.scatter.add.f32 [tilespmem:s24], [sflag:$0x3], $0x80, s22, s23, $0xb8;
	[tilespmem:$0x1B680] =	vst v63  }
0xe8: {  	_ =	swait.ge [sflag:s21], $0x2800  }
0xe9: {  	[sflag:s21] =	ssyncset.done $0x0  }
0xea: {  	[sflag:s21] =	ssyncadd.s32 $0xFFFFD800  }
0xeb: {  	[bflag:$0x0] =	sbarrier.arrive $0xFFFF  }
0xec: {  	s7 =	sld [smem:$0x7F5];
	_ =	sdelay $0x1  }
0xed: {  	s6 =	rddreg [dreg:$0xc]  }
0xee: {  	[hbm:s6], [sflag:s12] =	dma.local [spmem:s7], $0x500  }
0xef: {  	_ =	swait.ge [sflag:s21], $0x500  }
0xf0: {  	[sflag:s21] =	ssyncset.done $0x0  }
0xf1: {  	s18 =	rddreg [dreg:$0xd];
	[sflag:s21] =	ssyncadd.s32 $0xFFFFFB00  }
0xf2: {  	[hbm:s18], [sflag:s12] =	dma.local [spmem:s19], $0x500  }
0xf3: {  	_ =	swait.ge [sflag:s21], $0x500  }
0xf4: {  	[sflag:s21] =	ssyncset.done $0x0  }
0xf5: {  	s8 =	rddreg [dreg:$0xe];
	[sflag:s21] =	ssyncadd.s32 $0xFFFFFB00  }
0xf6: {  	[hbm:s8], [sflag:s12] =	dma.local [spmem:s20], $0x500  }
0xf7: {  	_ =	swait.ge [sflag:s21], $0x500  }
0xf8: {  	[sflag:s21] =	ssyncset.done $0x0  }
0xf9: {  	s18 =	rddreg [dreg:$0xf];
	[sflag:s21] =	ssyncadd.s32 $0xFFFFFB00  }
0xfa: {  	[hbm:s18], [sflag:s12] =	dma.local [spmem:s1], $0x500  }
0xfb: {  	_ =	swait.ge [sflag:s21], $0x500  }
0xfc: {  	[sflag:s21] =	ssyncset.done $0x0  }
0xfd: {  	s8 =	rddreg [dreg:$0x10];
	[sflag:s21] =	ssyncadd.s32 $0xFFFFFB00  }
0xfe: {  	[hbm:s8], [sflag:s12] =	dma.local [spmem:s2], $0x500  }
0xff: {  	_ =	swait.ge [sflag:s21], $0x500  }
0x100: {  	[sflag:s21] =	ssyncset.done $0x0  }
0x101: {  	s18 =	rddreg [dreg:$0x11];
	[sflag:s21] =	ssyncadd.s32 $0xFFFFFB00  }
0x102: {  	[hbm:s18], [sflag:s12] =	dma.local [spmem:s3], $0x500  }
0x103: {  	_ =	swait.ge [sflag:s21], $0x500  }
0x104: {  	[sflag:s21] =	ssyncset.done $0x0  }
0x105: {  	s8 =	rddreg [dreg:$0x12];
	[sflag:s21] =	ssyncadd.s32 $0xFFFFFB00  }
0x106: {  	[hbm:s8], [sflag:s12] =	dma.local [spmem:s4], $0x500  }
0x107: {  	_ =	swait.ge [sflag:s21], $0x500  }
0x108: {  	[sflag:s21] =	ssyncset.done $0x0  }
0x109: {  	s18 =	rddreg [dreg:$0x13];
	[sflag:s21] =	ssyncadd.s32 $0xFFFFFB00  }
0x10a: {  	[hbm:s18], [sflag:s12] =	dma.local [spmem:s5], $0x480  }
0x10b: {  	_ =	swait.ge [sflag:s21], $0x480  }
0x10c: {  	[sflag:s21] =	ssyncset.done $0x0  }
0x10d: {  	[sflag:s21] =	ssyncadd.s32 $0xFFFFFB80  }
0x10e: {  	[bflag:$0x0] =	sbarrier.arrive $0xFFFF  }
0x10f: {  	s8 =	rddreg [dreg:$0x4]  }
0x110: {  	[spmem:s7], [sflag:s12] =	dma.local [hbm:s8], $0x500  }
0x111: {  	_ =	swait.ge [sflag:s21], $0x500  }
0x112: {  	[sflag:s21] =	ssyncset.done $0x0  }
0x113: {  	s18 =	rddreg [dreg:$0x5];
	[sflag:s21] =	ssyncadd.s32 $0xFFFFFB00  }
0x114: {  	[spmem:s19], [sflag:s12] =	dma.local [hbm:s18], $0x500  }
0x115: {  	_ =	swait.ge [sflag:s21], $0x500  }
0x116: {  	[sflag:s21] =	ssyncset.done $0x0  }
0x117: {  	s7 =	rddreg [dreg:$0x6];
	[sflag:s21] =	ssyncadd.s32 $0xFFFFFB00  }
0x118: {  	[spmem:s20], [sflag:s12] =	dma.local [hbm:s7], $0x500  }
0x119: {  	_ =	swait.ge [sflag:s21], $0x500  }
0x11a: {  	[sflag:s21] =	ssyncset.done $0x0  }
0x11b: {  	s8 =	rddreg [dreg:$0x7];
	[sflag:s21] =	ssyncadd.s32 $0xFFFFFB00  }
0x11c: {  	[spmem:s1], [sflag:s12] =	dma.local [hbm:s8], $0x500  }
0x11d: {  	_ =	swait.ge [sflag:s21], $0x500  }
0x11e: {  	[sflag:s21] =	ssyncset.done $0x0  }
0x11f: {  	s18 =	rddreg [dreg:$0x8];
	[sflag:s21] =	ssyncadd.s32 $0xFFFFFB00  }
0x120: {  	[spmem:s2], [sflag:s12] =	dma.local [hbm:s18], $0x500  }
0x121: {  	_ =	swait.ge [sflag:s21], $0x500  }
0x122: {  	[sflag:s21] =	ssyncset.done $0x0  }
0x123: {  	s7 =	rddreg [dreg:$0x9];
	[sflag:s21] =	ssyncadd.s32 $0xFFFFFB00  }
0x124: {  	[spmem:s3], [sflag:s12] =	dma.local [hbm:s7], $0x500  }
0x125: {  	_ =	swait.ge [sflag:s21], $0x500  }
0x126: {  	[sflag:s21] =	ssyncset.done $0x0  }
0x127: {  	s8 =	rddreg [dreg:$0xa];
	[sflag:s21] =	ssyncadd.s32 $0xFFFFFB00  }
0x128: {  	[spmem:s4], [sflag:s12] =	dma.local [hbm:s8], $0x500  }
0x129: {  	_ =	swait.ge [sflag:s21], $0x500  }
0x12a: {  	[sflag:s21] =	ssyncset.done $0x0  }
0x12b: {  	s18 =	rddreg [dreg:$0xb];
	[sflag:s21] =	ssyncadd.s32 $0xFFFFFB00  }
0x12c: {  	[spmem:s5], [sflag:s12] =	dma.local [hbm:s18], $0x480  }
0x12d: {  	_ =	swait.ge [sflag:s21], $0x480  }
0x12e: {  	[sflag:s21] =	ssyncset.done $0x0  }
0x12f: {  	s7 =	simm.s32 $0x0;
	s8 =	rddreg [dreg:$0x1e];
	[sflag:s21] =	ssyncadd.s32 $0xFFFFFB80  }
0x130: {  	[tilespmem:s14], [sflag:$0x3] =	stream.linear.gather [hbm4b:s8+s7], $0x2800, $0x38;
	[tilespmem:$0x1B680] =	vst v63  }
0x131: {  	_ =	swait.ge [sflag:s21], $0x2800  }
0x132: {  	[sflag:s21] =	ssyncset.done $0x0  }
0x133: {  	[sflag:s21] =	ssyncadd.s32 $0xFFFFD800  }
0x134: {  	s18 =	sadd.s32 $0x0, s0;
	[bflag:$0x0] =	sbarrier.arrive $0xFFFF  }
0x135: {  	[tilespmem:s15], [sflag:$0x3] =	stream.linear.gather [hbm4b:s18+s25], $0x28, $0x38;
	[tilespmem:$0x1B680] =	vst v63  }
0x136: {  	_ =	swait.ge [sflag:s21], $0x28  }
0x137: {  	[sflag:s21] =	ssyncset.done $0x0  }
0x138: {  	[sflag:s21] =	ssyncadd.s32 $0xFFFFFFD8  }
0x139: {  	[spmem:s28] =	stream.indirect.scatter.add.f32 [tilespmem:s14], [sflag:$0x3], $0x80, s15, s16, $0xb8;
	[tilespmem:$0x1B680] =	vst v63  }
0x13a: {  	_ =	swait.ge [sflag:s21], $0x1400  }
0x13b: {  	s6 =	simm.s32 $0x5;
	s7 =	simm.s32 $0xA;
	[sflag:s21] =	ssyncset.done $0x0  }
.LBB2_4:
0x13c: {  	s8 =	sadd.s32 s6, s0  }
0x13d: {  	[sflag:s21] =	ssyncadd.s32 $0xFFFFEC00;
	s6 =	smov.u32 s7;
	s18 =	sadd.s32 $0x5, s7  }
0x13e: {  	[tilespmem:s15], [sflag:$0x3] =	stream.linear.gather [hbm4b:s8+s25], $0x28, $0x38;
	[tilespmem:$0x1B680] =	vst v63  }
0x13f: {  	p0 =	sne.s32 s7, $0x26C;
	_ =	swait.ge [sflag:s21], $0x28  }
.Ltmp1:
0x140: {  	[sflag:s21] =	ssyncset.done $0x0;
	(pc) =	sbr.rel @p0 .LBB2_4-.Ltmp1, $4  }
0x141: {  	[sflag:s21] =	ssyncadd.s32 $0xFFFFFFD8  }
0x142: {  	[spmem:s28] =	stream.indirect.scatter.add.f32 [tilespmem:s14], [sflag:$0x3], $0x80, s15, s16, $0xb8;
	[tilespmem:$0x1B680] =	vst v63  }
0x143: {  	_ =	swait.ge [sflag:s21], $0x1400  }
0x144: {  	s7 =	smov.u32 s18;
	[sflag:s21] =	ssyncset.done $0x0  }
0x145: {  	s6 =	sadd.s32 s6, s0;
	[sflag:s21] =	ssyncadd.s32 $0xFFFFEC00  }
0x146: {  	[tilespmem:s15], [sflag:$0x3] =	stream.linear.gather [hbm4b:s6+s25], $0x28, $0x38;
	[tilespmem:$0x1B680] =	vst v63  }
0x147: {  	_ =	swait.ge [sflag:s21], $0x28  }
0x148: {  	[sflag:s21] =	ssyncset.done $0x0  }
0x149: {  	[sflag:s21] =	ssyncadd.s32 $0xFFFFFFD8  }
0x14a: {  	[spmem:s28] =	stream.indirect.scatter.add.f32 [tilespmem:s14], [sflag:$0x3], $0x80, s15, s16, $0xb8;
	[tilespmem:$0x1B680] =	vst v63  }
0x14b: {  	_ =	swait.ge [sflag:s21], $0x1400  }
0x14c: {  	[sflag:s21] =	ssyncset.done $0x0  }
0x14d: {  	[sflag:s21] =	ssyncadd.s32 $0xFFFFEC00  }
0x14e: {  	[bflag:$0x0] =	sbarrier.arrive $0xFFFF  }
0x14f: {  	s7 =	sld [smem:$0x7F5];
	_ =	sdelay $0x1  }
0x150: {  	s8 =	rddreg [dreg:$0x14]  }
0x151: {  	[hbm:s8], [sflag:s12] =	dma.local [spmem:s7], $0x500  }
0x152: {  	_ =	swait.ge [sflag:s21], $0x500  }
0x153: {  	[sflag:s21] =	ssyncset.done $0x0  }
0x154: {  	s18 =	rddreg [dreg:$0x15];
	[sflag:s21] =	ssyncadd.s32 $0xFFFFFB00  }
0x155: {  	[hbm:s18], [sflag:s12] =	dma.local [spmem:s19], $0x500  }
0x156: {  	_ =	swait.ge [sflag:s21], $0x500  }
0x157: {  	[sflag:s21] =	ssyncset.done $0x0  }
0x158: {  	s19 =	rddreg [dreg:$0x16];
	[sflag:s21] =	ssyncadd.s32 $0xFFFFFB00  }
0x159: {  	[hbm:s19], [sflag:s12] =	dma.local [spmem:s20], $0x500  }
0x15a: {  	_ =	swait.ge [sflag:s21], $0x500  }
0x15b: {  	[sflag:s21] =	ssyncset.done $0x0  }
0x15c: {  	s20 =	rddreg [dreg:$0x17];
	[sflag:s21] =	ssyncadd.s32 $0xFFFFFB00  }
0x15d: {  	[hbm:s20], [sflag:s12] =	dma.local [spmem:s1], $0x500  }
0x15e: {  	_ =	swait.ge [sflag:s21], $0x500  }
0x15f: {  	[sflag:s21] =	ssyncset.done $0x0  }
0x160: {  	s7 =	rddreg [dreg:$0x18];
	[sflag:s21] =	ssyncadd.s32 $0xFFFFFB00  }
0x161: {  	[hbm:s7], [sflag:s12] =	dma.local [spmem:s2], $0x500  }
0x162: {  	_ =	swait.ge [sflag:s21], $0x500  }
0x163: {  	[sflag:s21] =	ssyncset.done $0x0  }
0x164: {  	s8 =	rddreg [dreg:$0x19];
	[sflag:s21] =	ssyncadd.s32 $0xFFFFFB00  }
0x165: {  	[hbm:s8], [sflag:s12] =	dma.local [spmem:s3], $0x500  }
0x166: {  	_ =	swait.ge [sflag:s21], $0x500  }
0x167: {  	[sflag:s21] =	ssyncset.done $0x0  }
0x168: {  	s18 =	rddreg [dreg:$0x1a];
	[sflag:s21] =	ssyncadd.s32 $0xFFFFFB00  }
0x169: {  	[hbm:s18], [sflag:s12] =	dma.local [spmem:s4], $0x500  }
0x16a: {  	_ =	swait.ge [sflag:s21], $0x500  }
0x16b: {  	[sflag:s21] =	ssyncset.done $0x0  }
0x16c: {  	s19 =	rddreg [dreg:$0x1b];
	[sflag:s21] =	ssyncadd.s32 $0xFFFFFB00  }
0x16d: {  	[hbm:s19], [sflag:s12] =	dma.local [spmem:s5], $0x480  }
0x16e: {  	_ =	swait.ge [sflag:s21], $0x480  }
0x16f: {  	s20 =	sld [smem:$0x7FD];
	_ =	sdelay $0x1  }
0x170: {  	s17 =	sadd.s32 $0x1, s17  }
0x171: {  	p0 =	sne.s32 s17, s20  }
.Ltmp2:
0x172: {  	_ = 	snop;
	(pc) =	sbr.rel @p0 .LBB2_1-.Ltmp2, $3  }
0x173: {  	_ =	sdelay $0x1  }
0x174: {  	[sflag:s21] =	ssyncset.done $0x0  }
0x175: {  	[sflag:s21] =	ssyncadd.s32 $0xFFFFFB80  }
0x176: {  	_ =	sfence.sel $0x180000  }
0x177: {  	[bflag:$0x0] =	sbarrier.arrive $0xFFFF  }
0x178: {  	_ =	strace $0x90000047  }
0x179: {  	s0 =	stileid.u32;
	[bflag:$0x2] =	sbarrier.arrive $0xFFFF  }
0x17a: {  	p0 =	sne.s32 s0, $0x0;
	s0 =	rddreg [dreg:$0x3]  }
0x17b: {  	s0 =	sadd.s32 @!p0 $0x100000, s0  }
0x17c: {  	[sflag:s0] =	ssyncadd.tile.s32 @!p0 $0x1;
	_ =	shalt  }
.Lfunc_end2:
_tile_overlayer_lowered:
.L_overlay_start_2:
0x17d: {  	(tag) =	ssettag $0x2  }
0x17e: {  	s0 =	rddreg [dreg:$0x0];
	s2 =	stileid.u32  }
0x17f: {  	s1 =	rddreg [dreg:$0x1];
	p0 =	sne.s32 s2, $0x0  }
0x180: {  	s3 =	rddreg [dreg:$0x2];
	[bflag:$0x3] =	sbarrier.arrive $0xFFFF;
	s2 =	simm.s32 @!p0 $0x1C03  }
0x181: {  	[timem:s3], [sflag:s2] =	dma.local @!p0 [hbm:s0], s1  }
0x182: {  	s0 =	simm.s32 @!p0 $0x3  }
0x183: {  	_ =	swait.ge @!p0 [sflag:s0], s1  }
0x184: {  	s1 =	ssub.s32 @!p0 $0x0, s1;
	[sflag:s0] =	ssyncset.done @!p0 $0x0  }
0x185: {  	[sflag:s0] =	ssyncadd.s32 @!p0 s1  }
0x186: {  	[bflag:$0x3] =	sbarrier.arrive $0xFFFF  }
0x187: {  	_ =	shalt  }

</sc_bundles>
